<compile_context>
chip_gen: v7x
topology: tpu7x:2x2x1
jax: 0.10.2.dev20260603
libtpu: 0.0.44.dev20260713+nightly
codegen_flags: <defaults>
</compile_context>

<pallas_src>
import functools

import jax
import jax.numpy as jnp
from jax import lax
from jax.experimental import pallas as pl
from jax.experimental.pallas import tpu as pltpu
from jax.experimental.pallas import tpu_sc as plsc

N = 10000
E = 320000
B = 20
NPG = 500
D_IN = 128
C = 32
TOT = 97
C1 = 16
C2 = 32
KS2 = 5
P2 = 246
NH = 128

NW = 32
EPW = E // NW
CH = 80
NCHUNK = EPW // CH
RPS = 624
RTAIL = N - RPS * 16



def _mm_body(x_ref, w_ref, o_ref):
    o_ref[...] = jnp.dot(x_ref[...], w_ref[...],
                         preferred_element_type=jnp.float32)


def _input_proj(nf, w1):
    blk = 2000
    return pl.pallas_call(
        _mm_body,
        grid=(N // blk,),
        in_specs=[pl.BlockSpec((blk, D_IN), lambda i: (i, 0)),
                  pl.BlockSpec((D_IN, C), lambda i: (0, 0))],
        out_specs=pl.BlockSpec((blk, C), lambda i: (i, 0)),
        out_shape=jax.ShapeDtypeStruct((N, C), jnp.float32),
    )(nf, w1)


def _comb1_body(y_ref, p_ref, dp_ref, w_ref, h_ref, y2_ref, deg_ref):
    deg = dp_ref[0] + dp_ref[1] + 1.0
    h = jnp.tanh((y_ref[...] + p_ref[0] + p_ref[1]) / deg)
    h_ref[...] = h
    y2_ref[...] = jnp.dot(h, w_ref[...], preferred_element_type=jnp.float32)
    deg_ref[...] = deg


def _comb1(y, parts, dparts, w_next):
    blk = 2000
    return pl.pallas_call(
        _comb1_body,
        grid=(N // blk,),
        in_specs=[pl.BlockSpec((blk, C), lambda i: (i, 0)),
                  pl.BlockSpec((2, blk, C), lambda i: (0, i, 0)),
                  pl.BlockSpec((2, blk, 1), lambda i: (0, i, 0)),
                  pl.BlockSpec((C, C), lambda i: (0, 0))],
        out_specs=[pl.BlockSpec((blk, C), lambda i: (i, 0)),
                   pl.BlockSpec((blk, C), lambda i: (i, 0)),
                   pl.BlockSpec((blk, 1), lambda i: (i, 0))],
        out_shape=[jax.ShapeDtypeStruct((N, C), jnp.float32),
                   jax.ShapeDtypeStruct((N, C), jnp.float32),
                   jax.ShapeDtypeStruct((N, 1), jnp.float32)],
    )(y, parts, dparts, w_next)


def _combn_body(y_ref, p_ref, deg_ref, w_ref, h_ref, y2_ref):
    h = jnp.tanh((y_ref[...] + p_ref[0] + p_ref[1]) / deg_ref[...])
    h_ref[...] = h
    y2_ref[...] = jnp.dot(h, w_ref[...], preferred_element_type=jnp.float32)


def _combn(y, parts, deg, w_next):
    blk = 2000
    cout = w_next.shape[1]
    return pl.pallas_call(
        _combn_body,
        grid=(N // blk,),
        in_specs=[pl.BlockSpec((blk, C), lambda i: (i, 0)),
                  pl.BlockSpec((2, blk, C), lambda i: (0, i, 0)),
                  pl.BlockSpec((blk, 1), lambda i: (i, 0)),
                  pl.BlockSpec((C, cout), lambda i: (0, 0))],
        out_specs=[pl.BlockSpec((blk, C), lambda i: (i, 0)),
                   pl.BlockSpec((blk, cout), lambda i: (i, 0))],
        out_shape=[jax.ShapeDtypeStruct((N, C), jnp.float32),
                   jax.ShapeDtypeStruct((N, cout), jnp.float32)],
    )(y, parts, deg, w_next)


def _head_body(h1_ref, h2_ref, h3_ref, y4_ref, pa_ref, pb_ref, deg_ref,
               c1w_ref, c1b_ref, w2r_ref, c2b_ref, r2_ref):
    y4 = y4_ref[0]
    h4 = jnp.tanh((y4 + pa_ref[0] + pb_ref[0]) / deg_ref[0])
    g = jnp.concatenate([h1_ref[0], h2_ref[0], h3_ref[0], h4], axis=1)
    key = h4
    iden = (lax.broadcasted_iota(jnp.int32, (NPG, NPG), 0)
            == lax.broadcasted_iota(jnp.int32, (NPG, NPG), 1)
            ).astype(jnp.float32)
    krow = lax.dot_general(key, iden, (((0,), (0,)), ((), ())),
                           preferred_element_type=jnp.float32)
    ii = lax.broadcasted_iota(jnp.int32, (NPG, NPG), 0)
    jj = lax.broadcasted_iota(jnp.int32, (NPG, NPG), 1)
    gt = (key > krow).astype(jnp.float32)
    tie = jnp.logical_and(key == krow, ii < jj).astype(jnp.float32)
    ranki = jnp.sum(gt + tie, axis=0, keepdims=True).astype(jnp.int32)
    c1 = jnp.dot(g, c1w_ref[...], preferred_element_type=jnp.float32)
    pe = 2 * lax.broadcasted_iota(jnp.int32, (NPG // 2, NPG), 0)
    m_even = (pe == ranki).astype(jnp.float32)
    m_odd = (pe + 1 == ranki).astype(jnp.float32)
    a_even = jnp.dot(m_even, c1, preferred_element_type=jnp.float32)
    a_odd = jnp.dot(m_odd, c1, preferred_element_type=jnp.float32)
    pooled = jnp.maximum(jnp.maximum(a_even, a_odd) + c1b_ref[...], 0.0)
    wnd = jnp.concatenate([pooled[t:t + P2, :] for t in range(KS2)], axis=1)
    r2 = jnp.dot(wnd, w2r_ref[...], preferred_element_type=jnp.float32)
    r2_ref[0] = jnp.maximum(r2 + c2b_ref[...], 0.0)


def _head(h1r, h2r, h3r, y4r, p4a, p4b, degr, c1w, c1b2, w2r, c2b2):
    spec_nc = pl.BlockSpec((1, NPG, C), lambda b: (b, 0, 0))
    spec_n1 = pl.BlockSpec((1, NPG, 1), lambda b: (b, 0, 0))
    full = lambda shape: pl.BlockSpec(shape, lambda b: tuple(0 for _ in shape))
    return pl.pallas_call(
        _head_body,
        grid=(B,),
        in_specs=[spec_nc, spec_nc, spec_nc, spec_n1, spec_n1, spec_n1,
                  spec_n1, full((TOT, C1)), full((1, C1)),
                  full((C1 * KS2, C2)), full((1, C2))],
        out_specs=pl.BlockSpec((1, P2, C2), lambda b: (b, 0, 0)),
        out_shape=jax.ShapeDtypeStruct((B, P2, C2), jnp.float32),
    )(h1r, h2r, h3r, y4r, p4a, p4b, degr, c1w, c1b2, w2r, c2b2)


def _final_body(x_ref, dw_ref, db_ref, ow_ref, ob_ref, o_ref):
    hdn = jnp.maximum(
        jnp.dot(x_ref[...], dw_ref[...], preferred_element_type=jnp.float32)
        + db_ref[...], 0.0)
    logits = jnp.dot(hdn, ow_ref[...],
                     preferred_element_type=jnp.float32) + ob_ref[...]
    m = jnp.max(logits, axis=1, keepdims=True)
    e = logits - m
    lse = jnp.log(jnp.sum(jnp.exp(e), axis=1, keepdims=True))
    o_ref[...] = e - lse


def _final(flat, dwr, db2, ow, ob2):
    full = lambda shape: pl.BlockSpec(shape, lambda: tuple(0 for _ in shape))
    return pl.pallas_call(
        _final_body,
        in_specs=[full((B, P2 * C2)), full((P2 * C2, NH)), full((1, NH)),
                  full((NH, 2)), full((1, 2))],
        out_specs=full((B, 2)),
        out_shape=jax.ShapeDtypeStruct((B, 2), jnp.float32),
    )(flat, dwr, db2, ow, ob2)



@functools.cache
def _mesh():
    return plsc.VectorSubcoreMesh(core_axis_name="c", subcore_axis_name="s")


def _edge_rows(y, srcr, dstr, zrows, zcol):

    @functools.partial(
        pl.kernel,
        out_type=[jax.ShapeDtypeStruct((2 * N, C), jnp.float32),
                  jax.ShapeDtypeStruct((2 * N,), jnp.float32)],
        mesh=_mesh(),
        compiler_params=pltpu.CompilerParams(use_tc_tiling_on_sc=False),
        scratch_types=[
            pltpu.VMEM((NCHUNK, CH), jnp.int32),
            pltpu.VMEM((NCHUNK, CH), jnp.int32),
            pltpu.VMEM((CH, C), jnp.float32),
            pltpu.VMEM((CH,), jnp.float32),
            pltpu.VMEM((RPS, C), jnp.float32),
            pltpu.VMEM((RPS,), jnp.float32),
            pltpu.VMEM_SHARED((N, C), jnp.float32),
            pltpu.VMEM_SHARED((N,), jnp.float32),
            pltpu.SemaphoreType.DMA,
        ],
    )
    def k(y_hbm, src_hbm, dst_hbm, zr_hbm, zc_hbm, out_hbm, dout_hbm,
          srcv, dstv, rows, ones, stg, stgc, acc, dacc, sem):
        c = lax.axis_index("c")
        s = lax.axis_index("s")
        wid = c * 16 + s
        r0 = s * RPS
        t0 = RPS * 16
        pltpu.sync_copy(zr_hbm.at[pl.ds(r0, RPS)], stg)
        pltpu.sync_copy(zc_hbm.at[pl.ds(r0, RPS)], stgc)
        pltpu.sync_copy(stg, acc.at[pl.ds(r0, RPS)])
        pltpu.sync_copy(stgc, dacc.at[pl.ds(r0, RPS)])

        @pl.when(s == 0)
        def _():
            pltpu.sync_copy(stg.at[pl.ds(0, RTAIL)],
                            acc.at[pl.ds(t0, RTAIL)])
            pltpu.sync_copy(stgc.at[pl.ds(0, RTAIL)],
                            dacc.at[pl.ds(t0, RTAIL)])

        for i in range(CH // 16):
            ones[pl.ds(i * 16, 16)] = jnp.ones((16,), jnp.float32)
        pltpu.sync_copy(src_hbm.at[wid], srcv)
        pltpu.sync_copy(dst_hbm.at[wid], dstv)
        plsc.subcore_barrier()

        def body(i, carry):
            pltpu.async_copy(y_hbm.at[srcv.at[i]], rows, sem).wait()
            pltpu.sync_copy(rows, acc.at[dstv.at[i]], add=True)
            pltpu.sync_copy(ones, dacc.at[dstv.at[i]], add=True)
            return carry

        lax.fori_loop(0, NCHUNK, body, 0)
        plsc.subcore_barrier()
        base = c * N + r0
        pltpu.sync_copy(acc.at[pl.ds(r0, RPS)], stg)
        pltpu.sync_copy(dacc.at[pl.ds(r0, RPS)], stgc)
        pltpu.sync_copy(stg, out_hbm.at[pl.ds(base, RPS)])
        pltpu.sync_copy(stgc, dout_hbm.at[pl.ds(base, RPS)])

        @pl.when(s == 0)
        def _():
            pltpu.sync_copy(acc.at[pl.ds(t0, RTAIL)],
                            stg.at[pl.ds(0, RTAIL)])
            pltpu.sync_copy(dacc.at[pl.ds(t0, RTAIL)],
                            stgc.at[pl.ds(0, RTAIL)])
            pltpu.sync_copy(stg.at[pl.ds(0, RTAIL)],
                            out_hbm.at[pl.ds(c * N + t0, RTAIL)])
            pltpu.sync_copy(stgc.at[pl.ds(0, RTAIL)],
                            dout_hbm.at[pl.ds(c * N + t0, RTAIL)])

    return k(y, srcr, dstr, zrows, zcol)


def _edge_rows_nodeg(y, srcr, dstr, zrows):

    @functools.partial(
        pl.kernel,
        out_type=jax.ShapeDtypeStruct((2 * N, C), jnp.float32),
        mesh=_mesh(),
        compiler_params=pltpu.CompilerParams(use_tc_tiling_on_sc=False),
        scratch_types=[
            pltpu.VMEM((NCHUNK, CH), jnp.int32),
            pltpu.VMEM((NCHUNK, CH), jnp.int32),
            pltpu.VMEM((CH, C), jnp.float32),
            pltpu.VMEM((RPS, C), jnp.float32),
            pltpu.VMEM_SHARED((N, C), jnp.float32),
            pltpu.SemaphoreType.DMA,
        ],
    )
    def k(y_hbm, src_hbm, dst_hbm, zr_hbm, out_hbm, srcv, dstv, rows, stg,
          acc, sem):
        c = lax.axis_index("c")
        s = lax.axis_index("s")
        wid = c * 16 + s
        r0 = s * RPS
        t0 = RPS * 16
        pltpu.sync_copy(zr_hbm.at[pl.ds(r0, RPS)], stg)
        pltpu.sync_copy(stg, acc.at[pl.ds(r0, RPS)])

        @pl.when(s == 0)
        def _():
            pltpu.sync_copy(stg.at[pl.ds(0, RTAIL)],
                            acc.at[pl.ds(t0, RTAIL)])

        pltpu.sync_copy(src_hbm.at[wid], srcv)
        pltpu.sync_copy(dst_hbm.at[wid], dstv)
        plsc.subcore_barrier()

        def body(i, carry):
            pltpu.async_copy(y_hbm.at[srcv.at[i]], rows, sem).wait()
            pltpu.sync_copy(rows, acc.at[dstv.at[i]], add=True)
            return carry

        lax.fori_loop(0, NCHUNK, body, 0)
        plsc.subcore_barrier()
        base = c * N + r0
        pltpu.sync_copy(acc.at[pl.ds(r0, RPS)], stg)
        pltpu.sync_copy(stg, out_hbm.at[pl.ds(base, RPS)])

        @pl.when(s == 0)
        def _():
            pltpu.sync_copy(acc.at[pl.ds(t0, RTAIL)],
                            stg.at[pl.ds(0, RTAIL)])
            pltpu.sync_copy(stg.at[pl.ds(0, RTAIL)],
                            out_hbm.at[pl.ds(c * N + t0, RTAIL)])

    return k(y, srcr, dstr, zrows)


def _edge_scalar(yflat, srcr, dstr, zcol):

    @functools.partial(
        pl.kernel,
        out_type=jax.ShapeDtypeStruct((2 * N,), jnp.float32),
        mesh=_mesh(),
        compiler_params=pltpu.CompilerParams(use_tc_tiling_on_sc=False),
        scratch_types=[
            pltpu.VMEM((NCHUNK, CH), jnp.int32),
            pltpu.VMEM((NCHUNK, CH), jnp.int32),
            pltpu.VMEM((CH,), jnp.float32),
            pltpu.VMEM((RPS,), jnp.float32),
            pltpu.VMEM_SHARED((N,), jnp.float32),
            pltpu.SemaphoreType.DMA,
        ],
    )
    def k(y_hbm, src_hbm, dst_hbm, zc_hbm, out_hbm, srcv, dstv, vals, stgc,
          dacc, sem):
        c = lax.axis_index("c")
        s = lax.axis_index("s")
        wid = c * 16 + s
        r0 = s * RPS
        t0 = RPS * 16
        pltpu.sync_copy(zc_hbm.at[pl.ds(r0, RPS)], stgc)
        pltpu.sync_copy(stgc, dacc.at[pl.ds(r0, RPS)])

        @pl.when(s == 0)
        def _():
            pltpu.sync_copy(stgc.at[pl.ds(0, RTAIL)],
                            dacc.at[pl.ds(t0, RTAIL)])

        pltpu.sync_copy(src_hbm.at[wid], srcv)
        pltpu.sync_copy(dst_hbm.at[wid], dstv)
        plsc.subcore_barrier()

        def body(i, carry):
            pltpu.async_copy(y_hbm.at[srcv.at[i]], vals, sem).wait()
            pltpu.sync_copy(vals, dacc.at[dstv.at[i]], add=True)
            return carry

        lax.fori_loop(0, NCHUNK, body, 0)
        plsc.subcore_barrier()
        pltpu.sync_copy(dacc.at[pl.ds(r0, RPS)], stgc)
        pltpu.sync_copy(stgc, out_hbm.at[pl.ds(c * N + r0, RPS)])

        @pl.when(s == 0)
        def _():
            pltpu.sync_copy(dacc.at[pl.ds(t0, RTAIL)],
                            stgc.at[pl.ds(0, RTAIL)])
            pltpu.sync_copy(stgc.at[pl.ds(0, RTAIL)],
                            out_hbm.at[pl.ds(c * N + t0, RTAIL)])

    return k(yflat, srcr, dstr, zcol)



def kernel(node_feat, edge_index, W1, W2, W3, W4, conv1_w, conv1_b, conv2_w,
           conv2_b, dense_w, dense_b, out_w, out_b):
    src = edge_index[0].astype(jnp.int32).reshape(NW, NCHUNK, CH)
    dst = edge_index[1].astype(jnp.int32).reshape(NW, NCHUNK, CH)
    zrows = jnp.zeros((N, C), jnp.float32)
    zcol = jnp.zeros((N,), jnp.float32)

    y1 = _input_proj(node_feat, W1)
    p1, dp1 = _edge_rows(y1, src, dst, zrows, zcol)
    h1, y2, deg = _comb1(y1, p1.reshape(2, N, C), dp1.reshape(2, N, 1), W2)
    p2 = _edge_rows_nodeg(y2, src, dst, zrows)
    h2, y3 = _combn(y2, p2.reshape(2, N, C), deg, W3)
    p3 = _edge_rows_nodeg(y3, src, dst, zrows)
    h3, y4 = _combn(y3, p3.reshape(2, N, C), deg, W4)
    p4 = _edge_scalar(y4.reshape(N), src, dst, zcol)

    h1r = h1.reshape(B, NPG, C)
    h2r = h2.reshape(B, NPG, C)
    h3r = h3.reshape(B, NPG, C)
    y4r = y4.reshape(B, NPG, 1)
    p4a = p4[:N].reshape(B, NPG, 1)
    p4b = p4[N:].reshape(B, NPG, 1)
    degr = deg.reshape(B, NPG, 1)
    w2r = conv2_w.transpose(2, 1, 0).reshape(C1 * KS2, C2)
    r2 = _head(h1r, h2r, h3r, y4r, p4a, p4b, degr, conv1_w,
               conv1_b.reshape(1, C1), w2r, conv2_b.reshape(1, C2))

    flat = r2.reshape(B, P2 * C2)
    dwr = dense_w.reshape(C2, P2, NH).transpose(1, 0, 2).reshape(P2 * C2, NH)
    return _final(flat, dwr, dense_b.reshape(1, NH), out_w,
                  out_b.reshape(1, 2))

# --- scband reference (transcript-rebuilt; emitter-appended) ---
"""Pipeline reference for scband-dgcnn-23605140259225 (READ-ONLY COPY).

The authoritative reference and input builder live on the scoring server;
editing this copy changes nothing except your own understanding.
"""

import jax, jax.numpy as jnp
import numpy as np

N = 10000
E = 320000
B = 20
NPG = 500
D_IN = 128
LATENT = [32, 32, 32, 1]
TOT = sum(LATENT)  # 97
K = 500  # sortpooling_k resolved from 0.6 quantile of graph_sizes_list = 500
N_HIDDEN = 128
NUM_CLASS = 2
C1 = 16
C2 = 32
KS2 = 5


def setup_inputs(seed: int = 0):
    key = jax.random.key(seed)
    ks = jax.random.split(key, 12)
    node_feat = jax.random.normal(ks[0], (N, D_IN), dtype=jnp.float32)
    edge_index = jax.random.randint(ks[1], (2, E), 0, N)
    dims = [D_IN] + LATENT
    W1 = jax.random.normal(ks[2], (dims[0], dims[1]), dtype=jnp.float32) * (1.0 / np.sqrt(dims[0]))
    W2 = jax.random.normal(ks[3], (dims[1], dims[2]), dtype=jnp.float32) * (1.0 / np.sqrt(dims[1]))
    W3 = jax.random.normal(ks[4], (dims[2], dims[3]), dtype=jnp.float32) * (1.0 / np.sqrt(dims[2]))
    W4 = jax.random.normal(ks[5], (dims[3], dims[4]), dtype=jnp.float32) * (1.0 / np.sqrt(dims[3]))
    conv1_w = jax.random.normal(ks[6], (TOT, C1), dtype=jnp.float32) * 0.05
    conv1_b = jnp.zeros((C1,), jnp.float32)
    conv2_w = jax.random.normal(ks[7], (C2, C1, KS2), dtype=jnp.float32) * 0.05
    conv2_b = jnp.zeros((C2,), jnp.float32)
    conv2_out_len = (K // 2) - KS2 + 1  # 246
    dense_w = jax.random.normal(ks[8], (C2 * conv2_out_len, N_HIDDEN), dtype=jnp.float32) * 0.01
    dense_b = jnp.zeros((N_HIDDEN,), jnp.float32)
    out_w = jax.random.normal(ks[9], (N_HIDDEN, NUM_CLASS), dtype=jnp.float32) * 0.05
    out_b = jnp.zeros((NUM_CLASS,), jnp.float32)
    return {"node_feat": node_feat, "edge_index": edge_index,
            "W1": W1, "W2": W2, "W3": W3, "W4": W4,
            "conv1_w": conv1_w, "conv1_b": conv1_b,
            "conv2_w": conv2_w, "conv2_b": conv2_b,
            "dense_w": dense_w, "dense_b": dense_b,
            "out_w": out_w, "out_b": out_b}


def _gconv(x, src, dst, deg, W):
    # n2n pool: (A + I) @ x via scatter-add gather, degree-normalized, tanh
    agg = jnp.zeros_like(x).at[dst].add(x[src]) + x
    h = agg @ W
    h = h / deg[:, None]
    return jnp.tanh(h)


def reference(node_feat, edge_index, W1, W2, W3, W4, conv1_w, conv1_b, conv2_w, conv2_b, dense_w, dense_b, out_w, out_b):
    src = edge_index[0]
    dst = edge_index[1]
    deg = jnp.zeros((N,), jnp.float32).at[dst].add(1.0) + 1.0
    h = node_feat
    outs = []
    for W in (W1, W2, W3, W4):
        h = _gconv(h, src, dst, deg, W)
        outs.append(h)
    feat = jnp.concatenate(outs, axis=1)  # [N, 97]
    # SortPooling: per-graph sort by last channel (descending), keep top-k
    g = feat.reshape(B, NPG, TOT)
    order = jnp.argsort(-g[:, :, -1], axis=1)
    sorted_g = jnp.take_along_axis(g, order[:, :, None], axis=1)
    topk = sorted_g[:, :K, :]  # [B, K, TOT]
    # MLPClassifier: conv1d kernel=stride=TOT (== per-node linear on sorted nodes)
    c1 = jnp.einsum('bkt,tc->bkc', topk, conv1_w) + conv1_b
    c1 = jax.nn.relu(c1)
    pooled = c1.reshape(B, K // 2, 2, C1).max(axis=2)  # maxpool k=2 s=2
    x = jnp.transpose(pooled, (0, 2, 1))  # [B, C1, K//2]
    c2 = jax.lax.conv_general_dilated(x.astype(conv2_w.dtype), conv2_w, window_strides=(1,), padding='VALID', dimension_numbers=('NCH', 'OIH', 'NCH'))
    c2 = jax.nn.relu(c2 + conv2_b[None, :, None])
    flat = c2.reshape(B, -1)
    hdn = jax.nn.relu(flat @ dense_w + dense_b)
    logits = hdn @ out_w + out_b
    return jax.nn.log_softmax(logits, axis=-1)

if __name__ == "__main__":
    import jax
    _d = setup_inputs()
    print(jax.jit(kernel)(*tuple(_d.values())))

</pallas_src>

<mosaic_0001>
#map = affine_map<(d0, d1) -> (0, 0)>
#map1 = affine_map<(d0, d1) -> (0, 0, 0)>
#map2 = affine_map<(d0, d1) -> (0)>
module attributes {stable_mosaic.version = 14 : i64} {
  func.func @k(%arg0: i32, %arg1: i32, %arg2: memref<10000x32xf32, #tpu.memory_space<hbm>>, %arg3: memref<32x125x80xi32, #tpu.memory_space<hbm>>, %arg4: memref<32x125x80xi32, #tpu.memory_space<hbm>>, %arg5: memref<10000x32xf32, #tpu.memory_space<hbm>>, %arg6: memref<10000xf32, #tpu.memory_space<hbm>>, %arg7: memref<20000x32xf32, #tpu.memory_space<hbm>>, %arg8: memref<20000xf32, #tpu.memory_space<hbm>>, %arg9: memref<125x80xi32, #tpu.memory_space<vmem>>, %arg10: memref<125x80xi32, #tpu.memory_space<vmem>>, %arg11: memref<80x32xf32, #tpu.memory_space<vmem>>, %arg12: memref<80xf32, #tpu.memory_space<vmem>>, %arg13: memref<624x32xf32, #tpu.memory_space<vmem>>, %arg14: memref<624xf32, #tpu.memory_space<vmem>>, %arg15: memref<10000x32xf32, #tpu.memory_space<vmem_shared>>, %arg16: memref<10000xf32, #tpu.memory_space<vmem_shared>>, %arg17: memref<!tpu.dma_semaphore, #tpu.memory_space<semaphore_mem>>) attributes {dimension_semantics = [#tpu.dimension_semantics<core_parallel>, #tpu.dimension_semantics<subcore_parallel>], iteration_bounds = array<i64: 2, 16>, scalar_prefetch = 0 : i64, scratch_operands = 9 : i64, tpu.core_type = #tpu.core_type<sc_vector_subcore>, window_params = [{transform_indices = #map}, {transform_indices = #map1}, {transform_indices = #map1}, {transform_indices = #map}, {transform_indices = #map2}, {transform_indices = #map}, {transform_indices = #map2}]} {
    %mul3A = arith.constant 16 : i32
    %mul3A_0 = arith.muli %arg0, %mul3A : i32
    %add3A = arith.addi %mul3A_0, %arg1 : i32
    %mul3A_1 = arith.constant 624 : i32
    %mul3A_2 = arith.muli %arg1, %mul3A_1 : i32
    "tpu.region"() ({
      %run_scoped3A = tpu.sem_alloc : memref<!tpu.dma_semaphore, #tpu.memory_space<semaphore_mem>>
      %dma_start3A = arith.constant 0 : i32
      %dma_start3A_47 = tpu.memref_slice %arg5[%mul3A_2, %dma_start3A] : memref<10000x32xf32, #tpu.memory_space<hbm>> -> memref<624x32xf32, #tpu.memory_space<hbm>>
      %dma_start3A_48 = arith.constant 0 : i32
      %dma_start3A_49 = tpu.memref_slice %arg5[%mul3A_2, %dma_start3A_48] : memref<10000x32xf32, #tpu.memory_space<hbm>> -> memref<624x32xf32, #tpu.memory_space<hbm>>
      tpu.enqueue_dma source(%dma_start3A_49 : memref<624x32xf32, #tpu.memory_space<hbm>>) target(%arg13 : memref<624x32xf32, #tpu.memory_space<vmem>>) target_semaphore(%run_scoped3A : memref<!tpu.dma_semaphore, #tpu.memory_space<semaphore_mem>>)
      %dma_wait3A = arith.constant 0 : i32
      %dma_wait3A_50 = tpu.memref_slice %arg5[%mul3A_2, %dma_wait3A] : memref<10000x32xf32, #tpu.memory_space<hbm>> -> memref<624x32xf32, #tpu.memory_space<hbm>>
      %dma_wait3A_51 = arith.constant 0 : i32
      %dma_wait3A_52 = tpu.memref_slice %arg5[%mul3A_2, %dma_wait3A_51] : memref<10000x32xf32, #tpu.memory_space<hbm>> -> memref<624x32xf32, #tpu.memory_space<hbm>>
      tpu.wait_dma2 semaphore(%run_scoped3A : memref<!tpu.dma_semaphore, #tpu.memory_space<semaphore_mem>>) src(%dma_wait3A_52 : memref<624x32xf32, #tpu.memory_space<hbm>>) dst(%arg13 : memref<624x32xf32, #tpu.memory_space<vmem>>)
      tpu.yield
    }) : () -> ()
    "tpu.region"() ({
      %run_scoped3A = tpu.sem_alloc : memref<!tpu.dma_semaphore, #tpu.memory_space<semaphore_mem>>
      %dma_start3A = tpu.memref_slice %arg6[%mul3A_2] : memref<10000xf32, #tpu.memory_space<hbm>> -> memref<624xf32, #tpu.memory_space<hbm>>
      %dma_start3A_47 = tpu.memref_slice %arg6[%mul3A_2] : memref<10000xf32, #tpu.memory_space<hbm>> -> memref<624xf32, #tpu.memory_space<hbm>>
      tpu.enqueue_dma source(%dma_start3A_47 : memref<624xf32, #tpu.memory_space<hbm>>) target(%arg14 : memref<624xf32, #tpu.memory_space<vmem>>) target_semaphore(%run_scoped3A : memref<!tpu.dma_semaphore, #tpu.memory_space<semaphore_mem>>)
      %dma_wait3A = tpu.memref_slice %arg6[%mul3A_2] : memref<10000xf32, #tpu.memory_space<hbm>> -> memref<624xf32, #tpu.memory_space<hbm>>
      %dma_wait3A_48 = tpu.memref_slice %arg6[%mul3A_2] : memref<10000xf32, #tpu.memory_space<hbm>> -> memref<624xf32, #tpu.memory_space<hbm>>
      tpu.wait_dma2 semaphore(%run_scoped3A : memref<!tpu.dma_semaphore, #tpu.memory_space<semaphore_mem>>) src(%dma_wait3A_48 : memref<624xf32, #tpu.memory_space<hbm>>) dst(%arg14 : memref<624xf32, #tpu.memory_space<vmem>>)
      tpu.yield
    }) : () -> ()
    "tpu.region"() ({
      %run_scoped3A = tpu.sem_alloc : memref<!tpu.dma_semaphore, #tpu.memory_space<semaphore_mem>>
      %dma_start3A = arith.constant 0 : i32
      %dma_start3A_47 = tpu.memref_slice %arg15[%mul3A_2, %dma_start3A] : memref<10000x32xf32, #tpu.memory_space<vmem_shared>> -> memref<624x32xf32, #tpu.memory_space<vmem_shared>>
      %dma_start3A_48 = arith.constant 0 : i32
      %dma_start3A_49 = tpu.memref_slice %arg15[%mul3A_2, %dma_start3A_48] : memref<10000x32xf32, #tpu.memory_space<vmem_shared>> -> memref<624x32xf32, #tpu.memory_space<vmem_shared>>
      tpu.enqueue_dma source(%arg13 : memref<624x32xf32, #tpu.memory_space<vmem>>) target(%dma_start3A_49 : memref<624x32xf32, #tpu.memory_space<vmem_shared>>) target_semaphore(%run_scoped3A : memref<!tpu.dma_semaphore, #tpu.memory_space<semaphore_mem>>)
      %dma_wait3A = arith.constant 0 : i32
      %dma_wait3A_50 = tpu.memref_slice %arg15[%mul3A_2, %dma_wait3A] : memref<10000x32xf32, #tpu.memory_space<vmem_shared>> -> memref<624x32xf32, #tpu.memory_space<vmem_shared>>
      %dma_wait3A_51 = arith.constant 0 : i32
      %dma_wait3A_52 = tpu.memref_slice %arg15[%mul3A_2, %dma_wait3A_51] : memref<10000x32xf32, #tpu.memory_space<vmem_shared>> -> memref<624x32xf32, #tpu.memory_space<vmem_shared>>
      tpu.wait_dma2 semaphore(%run_scoped3A : memref<!tpu.dma_semaphore, #tpu.memory_space<semaphore_mem>>) src(%arg13 : memref<624x32xf32, #tpu.memory_space<vmem>>) dst(%dma_wait3A_52 : memref<624x32xf32, #tpu.memory_space<vmem_shared>>)
      tpu.yield
    }) : () -> ()
    "tpu.region"() ({
      %run_scoped3A = tpu.sem_alloc : memref<!tpu.dma_semaphore, #tpu.memory_space<semaphore_mem>>
      %dma_start3A = tpu.memref_slice %arg16[%mul3A_2] : memref<10000xf32, #tpu.memory_space<vmem_shared>> -> memref<624xf32, #tpu.memory_space<vmem_shared>>
      %dma_start3A_47 = tpu.memref_slice %arg16[%mul3A_2] : memref<10000xf32, #tpu.memory_space<vmem_shared>> -> memref<624xf32, #tpu.memory_space<vmem_shared>>
      tpu.enqueue_dma source(%arg14 : memref<624xf32, #tpu.memory_space<vmem>>) target(%dma_start3A_47 : memref<624xf32, #tpu.memory_space<vmem_shared>>) target_semaphore(%run_scoped3A : memref<!tpu.dma_semaphore, #tpu.memory_space<semaphore_mem>>)
      %dma_wait3A = tpu.memref_slice %arg16[%mul3A_2] : memref<10000xf32, #tpu.memory_space<vmem_shared>> -> memref<624xf32, #tpu.memory_space<vmem_shared>>
      %dma_wait3A_48 = tpu.memref_slice %arg16[%mul3A_2] : memref<10000xf32, #tpu.memory_space<vmem_shared>> -> memref<624xf32, #tpu.memory_space<vmem_shared>>
      tpu.wait_dma2 semaphore(%run_scoped3A : memref<!tpu.dma_semaphore, #tpu.memory_space<semaphore_mem>>) src(%arg14 : memref<624xf32, #tpu.memory_space<vmem>>) dst(%dma_wait3A_48 : memref<624xf32, #tpu.memory_space<vmem_shared>>)
      tpu.yield
    }) : () -> ()
    %eq3A = arith.constant 0 : i32
    %eq3A_3 = arith.cmpi eq, %arg1, %eq3A : i32
    %convert_element_type3A = arith.extui %eq3A_3 : i1 to i32
    %cond3A = arith.constant 0 : i32
    %cond3A_4 = arith.cmpi ne, %convert_element_type3A, %cond3A : i32
    scf.if %cond3A_4 {
      "tpu.region"() ({
        %run_scoped3A = tpu.sem_alloc : memref<!tpu.dma_semaphore, #tpu.memory_space<semaphore_mem>>
        %dma_start3A = arith.constant 0 : i32
        %dma_start3A_47 = arith.constant 0 : i32
        %dma_start3A_48 = tpu.memref_slice %arg13[%dma_start3A, %dma_start3A_47] : memref<624x32xf32, #tpu.memory_space<vmem>> -> memref<16x32xf32, #tpu.memory_space<vmem>>
        %dma_start3A_49 = arith.constant 9984 : i32
        %dma_start3A_50 = arith.constant 0 : i32
        %dma_start3A_51 = tpu.memref_slice %arg15[%dma_start3A_49, %dma_start3A_50] : memref<10000x32xf32, #tpu.memory_space<vmem_shared>> -> memref<16x32xf32, #tpu.memory_space<vmem_shared>>
        %dma_start3A_52 = arith.constant 9984 : i32
        %dma_start3A_53 = arith.constant 0 : i32
        %dma_start3A_54 = tpu.memref_slice %arg15[%dma_start3A_52, %dma_start3A_53] : memref<10000x32xf32, #tpu.memory_space<vmem_shared>> -> memref<16x32xf32, #tpu.memory_space<vmem_shared>>
        %dma_start3A_55 = arith.constant 0 : i32
        %dma_start3A_56 = arith.constant 0 : i32
        %dma_start3A_57 = tpu.memref_slice %arg13[%dma_start3A_55, %dma_start3A_56] : memref<624x32xf32, #tpu.memory_space<vmem>> -> memref<16x32xf32, #tpu.memory_space<vmem>>
        tpu.enqueue_dma source(%dma_start3A_57 : memref<16x32xf32, #tpu.memory_space<vmem>>) target(%dma_start3A_54 : memref<16x32xf32, #tpu.memory_space<vmem_shared>>) target_semaphore(%run_scoped3A : memref<!tpu.dma_semaphore, #tpu.memory_space<semaphore_mem>>)
        %dma_wait3A = arith.constant 0 : i32
        %dma_wait3A_58 = arith.constant 0 : i32
        %dma_wait3A_59 = tpu.memref_slice %arg13[%dma_wait3A, %dma_wait3A_58] : memref<624x32xf32, #tpu.memory_space<vmem>> -> memref<16x32xf32, #tpu.memory_space<vmem>>
        %dma_wait3A_60 = arith.constant 9984 : i32
        %dma_wait3A_61 = arith.constant 0 : i32
        %dma_wait3A_62 = tpu.memref_slice %arg15[%dma_wait3A_60, %dma_wait3A_61] : memref<10000x32xf32, #tpu.memory_space<vmem_shared>> -> memref<16x32xf32, #tpu.memory_space<vmem_shared>>
        %dma_wait3A_63 = arith.constant 9984 : i32
        %dma_wait3A_64 = arith.constant 0 : i32
        %dma_wait3A_65 = tpu.memref_slice %arg15[%dma_wait3A_63, %dma_wait3A_64] : memref<10000x32xf32, #tpu.memory_space<vmem_shared>> -> memref<16x32xf32, #tpu.memory_space<vmem_shared>>
        %dma_wait3A_66 = arith.constant 0 : i32
        %dma_wait3A_67 = arith.constant 0 : i32
        %dma_wait3A_68 = tpu.memref_slice %arg13[%dma_wait3A_66, %dma_wait3A_67] : memref<624x32xf32, #tpu.memory_space<vmem>> -> memref<16x32xf32, #tpu.memory_space<vmem>>
        tpu.wait_dma2 semaphore(%run_scoped3A : memref<!tpu.dma_semaphore, #tpu.memory_space<semaphore_mem>>) src(%dma_wait3A_68 : memref<16x32xf32, #tpu.memory_space<vmem>>) dst(%dma_wait3A_65 : memref<16x32xf32, #tpu.memory_space<vmem_shared>>)
        tpu.yield
      }) : () -> ()
      "tpu.region"() ({
        %run_scoped3A = tpu.sem_alloc : memref<!tpu.dma_semaphore, #tpu.memory_space<semaphore_mem>>
        %dma_start3A = arith.constant 0 : i32
        %dma_start3A_47 = tpu.memref_slice %arg14[%dma_start3A] : memref<624xf32, #tpu.memory_space<vmem>> -> memref<16xf32, #tpu.memory_space<vmem>>
        %dma_start3A_48 = arith.constant 9984 : i32
        %dma_start3A_49 = tpu.memref_slice %arg16[%dma_start3A_48] : memref<10000xf32, #tpu.memory_space<vmem_shared>> -> memref<16xf32, #tpu.memory_space<vmem_shared>>
        %dma_start3A_50 = arith.constant 9984 : i32
        %dma_start3A_51 = tpu.memref_slice %arg16[%dma_start3A_50] : memref<10000xf32, #tpu.memory_space<vmem_shared>> -> memref<16xf32, #tpu.memory_space<vmem_shared>>
        %dma_start3A_52 = arith.constant 0 : i32
        %dma_start3A_53 = tpu.memref_slice %arg14[%dma_start3A_52] : memref<624xf32, #tpu.memory_space<vmem>> -> memref<16xf32, #tpu.memory_space<vmem>>
        tpu.enqueue_dma source(%dma_start3A_53 : memref<16xf32, #tpu.memory_space<vmem>>) target(%dma_start3A_51 : memref<16xf32, #tpu.memory_space<vmem_shared>>) target_semaphore(%run_scoped3A : memref<!tpu.dma_semaphore, #tpu.memory_space<semaphore_mem>>)
        %dma_wait3A = arith.constant 0 : i32
        %dma_wait3A_54 = tpu.memref_slice %arg14[%dma_wait3A] : memref<624xf32, #tpu.memory_space<vmem>> -> memref<16xf32, #tpu.memory_space<vmem>>
        %dma_wait3A_55 = arith.constant 9984 : i32
        %dma_wait3A_56 = tpu.memref_slice %arg16[%dma_wait3A_55] : memref<10000xf32, #tpu.memory_space<vmem_shared>> -> memref<16xf32, #tpu.memory_space<vmem_shared>>
        %dma_wait3A_57 = arith.constant 9984 : i32
        %dma_wait3A_58 = tpu.memref_slice %arg16[%dma_wait3A_57] : memref<10000xf32, #tpu.memory_space<vmem_shared>> -> memref<16xf32, #tpu.memory_space<vmem_shared>>
        %dma_wait3A_59 = arith.constant 0 : i32
        %dma_wait3A_60 = tpu.memref_slice %arg14[%dma_wait3A_59] : memref<624xf32, #tpu.memory_space<vmem>> -> memref<16xf32, #tpu.memory_space<vmem>>
        tpu.wait_dma2 semaphore(%run_scoped3A : memref<!tpu.dma_semaphore, #tpu.memory_space<semaphore_mem>>) src(%dma_wait3A_60 : memref<16xf32, #tpu.memory_space<vmem>>) dst(%dma_wait3A_58 : memref<16xf32, #tpu.memory_space<vmem_shared>>)
        tpu.yield
      }) : () -> ()
    } else {
    }
    %broadcast_in_dim3A = arith.constant 1.000000e+00 : f32
    %broadcast_in_dim3A_5 = vector.broadcast %broadcast_in_dim3A : f32 to vector<16xf32>
    %swap3A = arith.constant 0 : index
    %swap3A_6 = tpu.vector_load %arg12[%swap3A] {strides = array<i32>} : memref<80xf32, #tpu.memory_space<vmem>>, vector<16xf32>,
    %swap3A_7 = vector.shape_cast %swap3A_6 : vector<16xf32> to vector<16xf32>
    %swap3A_8 = vector.shape_cast %broadcast_in_dim3A_5 : vector<16xf32> to vector<16xf32>
    tpu.vector_store %arg12[%swap3A], %swap3A_8 {strides = array<i32>} : memref<80xf32, #tpu.memory_space<vmem>>, vector<16xf32>,
    %broadcast_in_dim3A_9 = arith.constant 1.000000e+00 : f32
    %broadcast_in_dim3A_10 = vector.broadcast %broadcast_in_dim3A_9 : f32 to vector<16xf32>
    %swap3A_11 = arith.constant 16 : index
    %swap3A_12 = tpu.vector_load %arg12[%swap3A_11] {strides = array<i32>} : memref<80xf32, #tpu.memory_space<vmem>>, vector<16xf32>,
    %swap3A_13 = vector.shape_cast %swap3A_12 : vector<16xf32> to vector<16xf32>
    %swap3A_14 = vector.shape_cast %broadcast_in_dim3A_10 : vector<16xf32> to vector<16xf32>
    tpu.vector_store %arg12[%swap3A_11], %swap3A_14 {strides = array<i32>} : memref<80xf32, #tpu.memory_space<vmem>>, vector<16xf32>,
    %broadcast_in_dim3A_15 = arith.constant 1.000000e+00 : f32
    %broadcast_in_dim3A_16 = vector.broadcast %broadcast_in_dim3A_15 : f32 to vector<16xf32>
    %swap3A_17 = arith.constant 32 : index
    %swap3A_18 = tpu.vector_load %arg12[%swap3A_17] {strides = array<i32>} : memref<80xf32, #tpu.memory_space<vmem>>, vector<16xf32>,
    %swap3A_19 = vector.shape_cast %swap3A_18 : vector<16xf32> to vector<16xf32>
    %swap3A_20 = vector.shape_cast %broadcast_in_dim3A_16 : vector<16xf32> to vector<16xf32>
    tpu.vector_store %arg12[%swap3A_17], %swap3A_20 {strides = array<i32>} : memref<80xf32, #tpu.memory_space<vmem>>, vector<16xf32>,
    %broadcast_in_dim3A_21 = arith.constant 1.000000e+00 : f32
    %broadcast_in_dim3A_22 = vector.broadcast %broadcast_in_dim3A_21 : f32 to vector<16xf32>
    %swap3A_23 = arith.constant 48 : index
    %swap3A_24 = tpu.vector_load %arg12[%swap3A_23] {strides = array<i32>} : memref<80xf32, #tpu.memory_space<vmem>>, vector<16xf32>,
    %swap3A_25 = vector.shape_cast %swap3A_24 : vector<16xf32> to vector<16xf32>
    %swap3A_26 = vector.shape_cast %broadcast_in_dim3A_22 : vector<16xf32> to vector<16xf32>
    tpu.vector_store %arg12[%swap3A_23], %swap3A_26 {strides = array<i32>} : memref<80xf32, #tpu.memory_space<vmem>>, vector<16xf32>,
    %broadcast_in_dim3A_27 = arith.constant 1.000000e+00 : f32
    %broadcast_in_dim3A_28 = vector.broadcast %broadcast_in_dim3A_27 : f32 to vector<16xf32>
    %swap3A_29 = arith.constant 64 : index
    %swap3A_30 = tpu.vector_load %arg12[%swap3A_29] {strides = array<i32>} : memref<80xf32, #tpu.memory_space<vmem>>, vector<16xf32>,
    %swap3A_31 = vector.shape_cast %swap3A_30 : vector<16xf32> to vector<16xf32>
    %swap3A_32 = vector.shape_cast %broadcast_in_dim3A_28 : vector<16xf32> to vector<16xf32>
    tpu.vector_store %arg12[%swap3A_29], %swap3A_32 {strides = array<i32>} : memref<80xf32, #tpu.memory_space<vmem>>, vector<16xf32>,
    "tpu.region"() ({
      %run_scoped3A = tpu.sem_alloc : memref<!tpu.dma_semaphore, #tpu.memory_space<semaphore_mem>>
      %dma_start3A = arith.constant 0 : i32
      %dma_start3A_47 = arith.constant 0 : i32
      %dma_start3A_48 = tpu.memref_slice %arg3[%add3A, %dma_start3A, %dma_start3A_47] : memref<32x125x80xi32, #tpu.memory_space<hbm>> -> memref<1x125x80xi32, #tpu.memory_space<hbm>>
      %dma_start3A_49 = tpu.memref_squeeze %dma_start3A_48 : memref<1x125x80xi32, #tpu.memory_space<hbm>> -> memref<125x80xi32, #tpu.memory_space<hbm>>
      %dma_start3A_50 = arith.constant 0 : i32
      %dma_start3A_51 = arith.constant 0 : i32
      %dma_start3A_52 = tpu.memref_slice %arg3[%add3A, %dma_start3A_50, %dma_start3A_51] : memref<32x125x80xi32, #tpu.memory_space<hbm>> -> memref<1x125x80xi32, #tpu.memory_space<hbm>>
      %dma_start3A_53 = tpu.memref_squeeze %dma_start3A_52 : memref<1x125x80xi32, #tpu.memory_space<hbm>> -> memref<125x80xi32, #tpu.memory_space<hbm>>
      tpu.enqueue_dma source(%dma_start3A_53 : memref<125x80xi32, #tpu.memory_space<hbm>>) target(%arg9 : memref<125x80xi32, #tpu.memory_space<vmem>>) target_semaphore(%run_scoped3A : memref<!tpu.dma_semaphore, #tpu.memory_space<semaphore_mem>>)
      %dma_wait3A = arith.constant 0 : i32
      %dma_wait3A_54 = arith.constant 0 : i32
      %dma_wait3A_55 = tpu.memref_slice %arg3[%add3A, %dma_wait3A, %dma_wait3A_54] : memref<32x125x80xi32, #tpu.memory_space<hbm>> -> memref<1x125x80xi32, #tpu.memory_space<hbm>>
      %dma_wait3A_56 = tpu.memref_squeeze %dma_wait3A_55 : memref<1x125x80xi32, #tpu.memory_space<hbm>> -> memref<125x80xi32, #tpu.memory_space<hbm>>
      %dma_wait3A_57 = arith.constant 0 : i32
      %dma_wait3A_58 = arith.constant 0 : i32
      %dma_wait3A_59 = tpu.memref_slice %arg3[%add3A, %dma_wait3A_57, %dma_wait3A_58] : memref<32x125x80xi32, #tpu.memory_space<hbm>> -> memref<1x125x80xi32, #tpu.memory_space<hbm>>
      %dma_wait3A_60 = tpu.memref_squeeze %dma_wait3A_59 : memref<1x125x80xi32, #tpu.memory_space<hbm>> -> memref<125x80xi32, #tpu.memory_space<hbm>>
      tpu.wait_dma2 semaphore(%run_scoped3A : memref<!tpu.dma_semaphore, #tpu.memory_space<semaphore_mem>>) src(%dma_wait3A_60 : memref<125x80xi32, #tpu.memory_space<hbm>>) dst(%arg9 : memref<125x80xi32, #tpu.memory_space<vmem>>)
      tpu.yield
    }) : () -> ()
    "tpu.region"() ({
      %run_scoped3A = tpu.sem_alloc : memref<!tpu.dma_semaphore, #tpu.memory_space<semaphore_mem>>
      %dma_start3A = arith.constant 0 : i32
      %dma_start3A_47 = arith.constant 0 : i32
      %dma_start3A_48 = tpu.memref_slice %arg4[%add3A, %dma_start3A, %dma_start3A_47] : memref<32x125x80xi32, #tpu.memory_space<hbm>> -> memref<1x125x80xi32, #tpu.memory_space<hbm>>
      %dma_start3A_49 = tpu.memref_squeeze %dma_start3A_48 : memref<1x125x80xi32, #tpu.memory_space<hbm>> -> memref<125x80xi32, #tpu.memory_space<hbm>>
      %dma_start3A_50 = arith.constant 0 : i32
      %dma_start3A_51 = arith.constant 0 : i32
      %dma_start3A_52 = tpu.memref_slice %arg4[%add3A, %dma_start3A_50, %dma_start3A_51] : memref<32x125x80xi32, #tpu.memory_space<hbm>> -> memref<1x125x80xi32, #tpu.memory_space<hbm>>
      %dma_start3A_53 = tpu.memref_squeeze %dma_start3A_52 : memref<1x125x80xi32, #tpu.memory_space<hbm>> -> memref<125x80xi32, #tpu.memory_space<hbm>>
      tpu.enqueue_dma source(%dma_start3A_53 : memref<125x80xi32, #tpu.memory_space<hbm>>) target(%arg10 : memref<125x80xi32, #tpu.memory_space<vmem>>) target_semaphore(%run_scoped3A : memref<!tpu.dma_semaphore, #tpu.memory_space<semaphore_mem>>)
      %dma_wait3A = arith.constant 0 : i32
      %dma_wait3A_54 = arith.constant 0 : i32
      %dma_wait3A_55 = tpu.memref_slice %arg4[%add3A, %dma_wait3A, %dma_wait3A_54] : memref<32x125x80xi32, #tpu.memory_space<hbm>> -> memref<1x125x80xi32, #tpu.memory_space<hbm>>
      %dma_wait3A_56 = tpu.memref_squeeze %dma_wait3A_55 : memref<1x125x80xi32, #tpu.memory_space<hbm>> -> memref<125x80xi32, #tpu.memory_space<hbm>>
      %dma_wait3A_57 = arith.constant 0 : i32
      %dma_wait3A_58 = arith.constant 0 : i32
      %dma_wait3A_59 = tpu.memref_slice %arg4[%add3A, %dma_wait3A_57, %dma_wait3A_58] : memref<32x125x80xi32, #tpu.memory_space<hbm>> -> memref<1x125x80xi32, #tpu.memory_space<hbm>>
      %dma_wait3A_60 = tpu.memref_squeeze %dma_wait3A_59 : memref<1x125x80xi32, #tpu.memory_space<hbm>> -> memref<125x80xi32, #tpu.memory_space<hbm>>
      tpu.wait_dma2 semaphore(%run_scoped3A : memref<!tpu.dma_semaphore, #tpu.memory_space<semaphore_mem>>) src(%dma_wait3A_60 : memref<125x80xi32, #tpu.memory_space<hbm>>) dst(%arg10 : memref<125x80xi32, #tpu.memory_space<vmem>>)
      tpu.yield
    }) : () -> ()
    %barrier3A = arith.constant 0 : index
    tpu.barrier barrier_id(%barrier3A)
    %scan3A = arith.constant 0 : i32
    %scan3A_33 = arith.constant 0 : i32
    %scan3A_34 = arith.constant 125 : i32
    %scan3A_35 = arith.addi %scan3A_33, %scan3A_34 : i32
    %scan3A_36 = arith.constant 1 : i32
    scf.for %scan3A_47 = %scan3A_33 to %scan3A_35 step %scan3A_36  : i32 {
      %dma_start3A = arith.constant 0 : i32
      %dma_start3A_48 = tpu.memref_slice %arg9[%scan3A_47, %dma_start3A] : memref<125x80xi32, #tpu.memory_space<vmem>> -> memref<1x80xi32, #tpu.memory_space<vmem>>
      %dma_start3A_49 = tpu.memref_squeeze %dma_start3A_48 : memref<1x80xi32, #tpu.memory_space<vmem>> -> memref<80xi32, #tpu.memory_space<vmem>>
      %dma_start3A_50 = arith.constant 0 : i32
      %dma_start3A_51 = arith.constant 0 : i32
      %dma_start3A_52 = tpu.memref_slice %arg2[%dma_start3A_50, %dma_start3A_51] : memref<10000x32xf32, #tpu.memory_space<hbm>> -> memref<10000x32xf32, #tpu.memory_space<hbm>>
      tpu.enqueue_indirect_dma source(%dma_start3A_52 : memref<10000x32xf32, #tpu.memory_space<hbm>>) target(%arg11 : memref<80x32xf32, #tpu.memory_space<vmem>>) offsets(%dma_start3A_49 : memref<80xi32, #tpu.memory_space<vmem>>) semaphore(%arg17 : memref<!tpu.dma_semaphore, #tpu.memory_space<semaphore_mem>>)
      %dma_wait3A = arith.constant 0 : i32
      %dma_wait3A_53 = tpu.memref_slice %arg9[%scan3A_47, %dma_wait3A] : memref<125x80xi32, #tpu.memory_space<vmem>> -> memref<1x80xi32, #tpu.memory_space<vmem>>
      %dma_wait3A_54 = tpu.memref_squeeze %dma_wait3A_53 : memref<1x80xi32, #tpu.memory_space<vmem>> -> memref<80xi32, #tpu.memory_space<vmem>>
      %dma_wait3A_55 = arith.constant 0 : i32
      %dma_wait3A_56 = arith.constant 0 : i32
      %dma_wait3A_57 = tpu.memref_slice %arg2[%dma_wait3A_55, %dma_wait3A_56] : memref<10000x32xf32, #tpu.memory_space<hbm>> -> memref<10000x32xf32, #tpu.memory_space<hbm>>
      tpu.wait_indirect_dma semaphore(%arg17 : memref<!tpu.dma_semaphore, #tpu.memory_space<semaphore_mem>>) src(%dma_wait3A_57 : memref<10000x32xf32, #tpu.memory_space<hbm>>) dst(%arg11 : memref<80x32xf32, #tpu.memory_space<vmem>>)
      "tpu.region"() ({
        %run_scoped3A = tpu.sem_alloc : memref<!tpu.dma_semaphore, #tpu.memory_space<semaphore_mem>>
        %dma_start3A_58 = arith.constant 0 : i32
        %dma_start3A_59 = tpu.memref_slice %arg10[%scan3A_47, %dma_start3A_58] : memref<125x80xi32, #tpu.memory_space<vmem>> -> memref<1x80xi32, #tpu.memory_space<vmem>>
        %dma_start3A_60 = tpu.memref_squeeze %dma_start3A_59 : memref<1x80xi32, #tpu.memory_space<vmem>> -> memref<80xi32, #tpu.memory_space<vmem>>
        %dma_start3A_61 = arith.constant 0 : i32
        %dma_start3A_62 = arith.constant 0 : i32
        %dma_start3A_63 = tpu.memref_slice %arg15[%dma_start3A_61, %dma_start3A_62] : memref<10000x32xf32, #tpu.memory_space<vmem_shared>> -> memref<10000x32xf32, #tpu.memory_space<vmem_shared>>
        tpu.enqueue_indirect_dma source(%arg11 : memref<80x32xf32, #tpu.memory_space<vmem>>) target(%dma_start3A_63 : memref<10000x32xf32, #tpu.memory_space<vmem_shared>>) offsets(%dma_start3A_60 : memref<80xi32, #tpu.memory_space<vmem>>) semaphore(%run_scoped3A : memref<!tpu.dma_semaphore, #tpu.memory_space<semaphore_mem>>) {add = true}
        %dma_wait3A_64 = arith.constant 0 : i32
        %dma_wait3A_65 = tpu.memref_slice %arg10[%scan3A_47, %dma_wait3A_64] : memref<125x80xi32, #tpu.memory_space<vmem>> -> memref<1x80xi32, #tpu.memory_space<vmem>>
        %dma_wait3A_66 = tpu.memref_squeeze %dma_wait3A_65 : memref<1x80xi32, #tpu.memory_space<vmem>> -> memref<80xi32, #tpu.memory_space<vmem>>
        %dma_wait3A_67 = arith.constant 0 : i32
        %dma_wait3A_68 = arith.constant 0 : i32
        %dma_wait3A_69 = tpu.memref_slice %arg15[%dma_wait3A_67, %dma_wait3A_68] : memref<10000x32xf32, #tpu.memory_space<vmem_shared>> -> memref<10000x32xf32, #tpu.memory_space<vmem_shared>>
        tpu.wait_indirect_dma semaphore(%run_scoped3A : memref<!tpu.dma_semaphore, #tpu.memory_space<semaphore_mem>>) src(%arg11 : memref<80x32xf32, #tpu.memory_space<vmem>>) dst(%dma_wait3A_69 : memref<10000x32xf32, #tpu.memory_space<vmem_shared>>)
        tpu.yield
      }) : () -> ()
      "tpu.region"() ({
        %run_scoped3A = tpu.sem_alloc : memref<!tpu.dma_semaphore, #tpu.memory_space<semaphore_mem>>
        %dma_start3A_58 = arith.constant 0 : i32
        %dma_start3A_59 = tpu.memref_slice %arg10[%scan3A_47, %dma_start3A_58] : memref<125x80xi32, #tpu.memory_space<vmem>> -> memref<1x80xi32, #tpu.memory_space<vmem>>
        %dma_start3A_60 = tpu.memref_squeeze %dma_start3A_59 : memref<1x80xi32, #tpu.memory_space<vmem>> -> memref<80xi32, #tpu.memory_space<vmem>>
        %dma_start3A_61 = arith.constant 0 : i32
        %dma_start3A_62 = tpu.memref_slice %arg16[%dma_start3A_61] : memref<10000xf32, #tpu.memory_space<vmem_shared>> -> memref<10000xf32, #tpu.memory_space<vmem_shared>>
        tpu.enqueue_indirect_dma source(%arg12 : memref<80xf32, #tpu.memory_space<vmem>>) target(%dma_start3A_62 : memref<10000xf32, #tpu.memory_space<vmem_shared>>) offsets(%dma_start3A_60 : memref<80xi32, #tpu.memory_space<vmem>>) semaphore(%run_scoped3A : memref<!tpu.dma_semaphore, #tpu.memory_space<semaphore_mem>>) {add = true}
        %dma_wait3A_63 = arith.constant 0 : i32
        %dma_wait3A_64 = tpu.memref_slice %arg10[%scan3A_47, %dma_wait3A_63] : memref<125x80xi32, #tpu.memory_space<vmem>> -> memref<1x80xi32, #tpu.memory_space<vmem>>
        %dma_wait3A_65 = tpu.memref_squeeze %dma_wait3A_64 : memref<1x80xi32, #tpu.memory_space<vmem>> -> memref<80xi32, #tpu.memory_space<vmem>>
        %dma_wait3A_66 = arith.constant 0 : i32
        %dma_wait3A_67 = tpu.memref_slice %arg16[%dma_wait3A_66] : memref<10000xf32, #tpu.memory_space<vmem_shared>> -> memref<10000xf32, #tpu.memory_space<vmem_shared>>
        tpu.wait_indirect_dma semaphore(%run_scoped3A : memref<!tpu.dma_semaphore, #tpu.memory_space<semaphore_mem>>) src(%arg12 : memref<80xf32, #tpu.memory_space<vmem>>) dst(%dma_wait3A_67 : memref<10000xf32, #tpu.memory_space<vmem_shared>>)
        tpu.yield
      }) : () -> ()
    }
    %scan3A_37 = arith.constant 125 : i32
    %barrier3A_38 = arith.constant 0 : index
    tpu.barrier barrier_id(%barrier3A_38)
    %mul3A_39 = arith.constant 10000 : i32
    %mul3A_40 = arith.muli %arg0, %mul3A_39 : i32
    %add3A_41 = arith.addi %mul3A_40, %mul3A_2 : i32
    "tpu.region"() ({
      %run_scoped3A = tpu.sem_alloc : memref<!tpu.dma_semaphore, #tpu.memory_space<semaphore_mem>>
      %dma_start3A = arith.constant 0 : i32
      %dma_start3A_47 = tpu.memref_slice %arg15[%mul3A_2, %dma_start3A] : memref<10000x32xf32, #tpu.memory_space<vmem_shared>> -> memref<624x32xf32, #tpu.memory_space<vmem_shared>>
      %dma_start3A_48 = arith.constant 0 : i32
      %dma_start3A_49 = tpu.memref_slice %arg15[%mul3A_2, %dma_start3A_48] : memref<10000x32xf32, #tpu.memory_space<vmem_shared>> -> memref<624x32xf32, #tpu.memory_space<vmem_shared>>
      tpu.enqueue_dma source(%dma_start3A_49 : memref<624x32xf32, #tpu.memory_space<vmem_shared>>) target(%arg13 : memref<624x32xf32, #tpu.memory_space<vmem>>) target_semaphore(%run_scoped3A : memref<!tpu.dma_semaphore, #tpu.memory_space<semaphore_mem>>)
      %dma_wait3A = arith.constant 0 : i32
      %dma_wait3A_50 = tpu.memref_slice %arg15[%mul3A_2, %dma_wait3A] : memref<10000x32xf32, #tpu.memory_space<vmem_shared>> -> memref<624x32xf32, #tpu.memory_space<vmem_shared>>
      %dma_wait3A_51 = arith.constant 0 : i32
      %dma_wait3A_52 = tpu.memref_slice %arg15[%mul3A_2, %dma_wait3A_51] : memref<10000x32xf32, #tpu.memory_space<vmem_shared>> -> memref<624x32xf32, #tpu.memory_space<vmem_shared>>
      tpu.wait_dma2 semaphore(%run_scoped3A : memref<!tpu.dma_semaphore, #tpu.memory_space<semaphore_mem>>) src(%dma_wait3A_52 : memref<624x32xf32, #tpu.memory_space<vmem_shared>>) dst(%arg13 : memref<624x32xf32, #tpu.memory_space<vmem>>)
      tpu.yield
    }) : () -> ()
    "tpu.region"() ({
      %run_scoped3A = tpu.sem_alloc : memref<!tpu.dma_semaphore, #tpu.memory_space<semaphore_mem>>
      %dma_start3A = tpu.memref_slice %arg16[%mul3A_2] : memref<10000xf32, #tpu.memory_space<vmem_shared>> -> memref<624xf32, #tpu.memory_space<vmem_shared>>
      %dma_start3A_47 = tpu.memref_slice %arg16[%mul3A_2] : memref<10000xf32, #tpu.memory_space<vmem_shared>> -> memref<624xf32, #tpu.memory_space<vmem_shared>>
      tpu.enqueue_dma source(%dma_start3A_47 : memref<624xf32, #tpu.memory_space<vmem_shared>>) target(%arg14 : memref<624xf32, #tpu.memory_space<vmem>>) target_semaphore(%run_scoped3A : memref<!tpu.dma_semaphore, #tpu.memory_space<semaphore_mem>>)
      %dma_wait3A = tpu.memref_slice %arg16[%mul3A_2] : memref<10000xf32, #tpu.memory_space<vmem_shared>> -> memref<624xf32, #tpu.memory_space<vmem_shared>>
      %dma_wait3A_48 = tpu.memref_slice %arg16[%mul3A_2] : memref<10000xf32, #tpu.memory_space<vmem_shared>> -> memref<624xf32, #tpu.memory_space<vmem_shared>>
      tpu.wait_dma2 semaphore(%run_scoped3A : memref<!tpu.dma_semaphore, #tpu.memory_space<semaphore_mem>>) src(%dma_wait3A_48 : memref<624xf32, #tpu.memory_space<vmem_shared>>) dst(%arg14 : memref<624xf32, #tpu.memory_space<vmem>>)
      tpu.yield
    }) : () -> ()
    "tpu.region"() ({
      %run_scoped3A = tpu.sem_alloc : memref<!tpu.dma_semaphore, #tpu.memory_space<semaphore_mem>>
      %dma_start3A = arith.constant 0 : i32
      %dma_start3A_47 = tpu.memref_slice %arg7[%add3A_41, %dma_start3A] : memref<20000x32xf32, #tpu.memory_space<hbm>> -> memref<624x32xf32, #tpu.memory_space<hbm>>
      %dma_start3A_48 = arith.constant 0 : i32
      %dma_start3A_49 = tpu.memref_slice %arg7[%add3A_41, %dma_start3A_48] : memref<20000x32xf32, #tpu.memory_space<hbm>> -> memref<624x32xf32, #tpu.memory_space<hbm>>
      tpu.enqueue_dma source(%arg13 : memref<624x32xf32, #tpu.memory_space<vmem>>) target(%dma_start3A_49 : memref<624x32xf32, #tpu.memory_space<hbm>>) target_semaphore(%run_scoped3A : memref<!tpu.dma_semaphore, #tpu.memory_space<semaphore_mem>>)
      %dma_wait3A = arith.constant 0 : i32
      %dma_wait3A_50 = tpu.memref_slice %arg7[%add3A_41, %dma_wait3A] : memref<20000x32xf32, #tpu.memory_space<hbm>> -> memref<624x32xf32, #tpu.memory_space<hbm>>
      %dma_wait3A_51 = arith.constant 0 : i32
      %dma_wait3A_52 = tpu.memref_slice %arg7[%add3A_41, %dma_wait3A_51] : memref<20000x32xf32, #tpu.memory_space<hbm>> -> memref<624x32xf32, #tpu.memory_space<hbm>>
      tpu.wait_dma2 semaphore(%run_scoped3A : memref<!tpu.dma_semaphore, #tpu.memory_space<semaphore_mem>>) src(%arg13 : memref<624x32xf32, #tpu.memory_space<vmem>>) dst(%dma_wait3A_52 : memref<624x32xf32, #tpu.memory_space<hbm>>)
      tpu.yield
    }) : () -> ()
    "tpu.region"() ({
      %run_scoped3A = tpu.sem_alloc : memref<!tpu.dma_semaphore, #tpu.memory_space<semaphore_mem>>
      %dma_start3A = tpu.memref_slice %arg8[%add3A_41] : memref<20000xf32, #tpu.memory_space<hbm>> -> memref<624xf32, #tpu.memory_space<hbm>>
      %dma_start3A_47 = tpu.memref_slice %arg8[%add3A_41] : memref<20000xf32, #tpu.memory_space<hbm>> -> memref<624xf32, #tpu.memory_space<hbm>>
      tpu.enqueue_dma source(%arg14 : memref<624xf32, #tpu.memory_space<vmem>>) target(%dma_start3A_47 : memref<624xf32, #tpu.memory_space<hbm>>) target_semaphore(%run_scoped3A : memref<!tpu.dma_semaphore, #tpu.memory_space<semaphore_mem>>)
      %dma_wait3A = tpu.memref_slice %arg8[%add3A_41] : memref<20000xf32, #tpu.memory_space<hbm>> -> memref<624xf32, #tpu.memory_space<hbm>>
      %dma_wait3A_48 = tpu.memref_slice %arg8[%add3A_41] : memref<20000xf32, #tpu.memory_space<hbm>> -> memref<624xf32, #tpu.memory_space<hbm>>
      tpu.wait_dma2 semaphore(%run_scoped3A : memref<!tpu.dma_semaphore, #tpu.memory_space<semaphore_mem>>) src(%arg14 : memref<624xf32, #tpu.memory_space<vmem>>) dst(%dma_wait3A_48 : memref<624xf32, #tpu.memory_space<hbm>>)
      tpu.yield
    }) : () -> ()
    %eq3A_42 = arith.constant 0 : i32
    %eq3A_43 = arith.cmpi eq, %arg1, %eq3A_42 : i32
    %convert_element_type3A_44 = arith.extui %eq3A_43 : i1 to i32
    %cond3A_45 = arith.constant 0 : i32
    %cond3A_46 = arith.cmpi ne, %convert_element_type3A_44, %cond3A_45 : i32
    scf.if %cond3A_46 {
      "tpu.region"() ({
        %run_scoped3A = tpu.sem_alloc : memref<!tpu.dma_semaphore, #tpu.memory_space<semaphore_mem>>
        %dma_start3A = arith.constant 0 : i32
        %dma_start3A_55 = arith.constant 0 : i32
        %dma_start3A_56 = tpu.memref_slice %arg13[%dma_start3A, %dma_start3A_55] : memref<624x32xf32, #tpu.memory_space<vmem>> -> memref<16x32xf32, #tpu.memory_space<vmem>>
        %dma_start3A_57 = arith.constant 9984 : i32
        %dma_start3A_58 = arith.constant 0 : i32
        %dma_start3A_59 = tpu.memref_slice %arg15[%dma_start3A_57, %dma_start3A_58] : memref<10000x32xf32, #tpu.memory_space<vmem_shared>> -> memref<16x32xf32, #tpu.memory_space<vmem_shared>>
        %dma_start3A_60 = arith.constant 0 : i32
        %dma_start3A_61 = arith.constant 0 : i32
        %dma_start3A_62 = tpu.memref_slice %arg13[%dma_start3A_60, %dma_start3A_61] : memref<624x32xf32, #tpu.memory_space<vmem>> -> memref<16x32xf32, #tpu.memory_space<vmem>>
        %dma_start3A_63 = arith.constant 9984 : i32
        %dma_start3A_64 = arith.constant 0 : i32
        %dma_start3A_65 = tpu.memref_slice %arg15[%dma_start3A_63, %dma_start3A_64] : memref<10000x32xf32, #tpu.memory_space<vmem_shared>> -> memref<16x32xf32, #tpu.memory_space<vmem_shared>>
        tpu.enqueue_dma source(%dma_start3A_65 : memref<16x32xf32, #tpu.memory_space<vmem_shared>>) target(%dma_start3A_62 : memref<16x32xf32, #tpu.memory_space<vmem>>) target_semaphore(%run_scoped3A : memref<!tpu.dma_semaphore, #tpu.memory_space<semaphore_mem>>)
        %dma_wait3A = arith.constant 0 : i32
        %dma_wait3A_66 = arith.constant 0 : i32
        %dma_wait3A_67 = tpu.memref_slice %arg13[%dma_wait3A, %dma_wait3A_66] : memref<624x32xf32, #tpu.memory_space<vmem>> -> memref<16x32xf32, #tpu.memory_space<vmem>>
        %dma_wait3A_68 = arith.constant 9984 : i32
        %dma_wait3A_69 = arith.constant 0 : i32
        %dma_wait3A_70 = tpu.memref_slice %arg15[%dma_wait3A_68, %dma_wait3A_69] : memref<10000x32xf32, #tpu.memory_space<vmem_shared>> -> memref<16x32xf32, #tpu.memory_space<vmem_shared>>
        %dma_wait3A_71 = arith.constant 0 : i32
        %dma_wait3A_72 = arith.constant 0 : i32
        %dma_wait3A_73 = tpu.memref_slice %arg13[%dma_wait3A_71, %dma_wait3A_72] : memref<624x32xf32, #tpu.memory_space<vmem>> -> memref<16x32xf32, #tpu.memory_space<vmem>>
        %dma_wait3A_74 = arith.constant 9984 : i32
        %dma_wait3A_75 = arith.constant 0 : i32
        %dma_wait3A_76 = tpu.memref_slice %arg15[%dma_wait3A_74, %dma_wait3A_75] : memref<10000x32xf32, #tpu.memory_space<vmem_shared>> -> memref<16x32xf32, #tpu.memory_space<vmem_shared>>
        tpu.wait_dma2 semaphore(%run_scoped3A : memref<!tpu.dma_semaphore, #tpu.memory_space<semaphore_mem>>) src(%dma_wait3A_76 : memref<16x32xf32, #tpu.memory_space<vmem_shared>>) dst(%dma_wait3A_73 : memref<16x32xf32, #tpu.memory_space<vmem>>)
        tpu.yield
      }) : () -> ()
      "tpu.region"() ({
        %run_scoped3A = tpu.sem_alloc : memref<!tpu.dma_semaphore, #tpu.memory_space<semaphore_mem>>
        %dma_start3A = arith.constant 0 : i32
        %dma_start3A_55 = tpu.memref_slice %arg14[%dma_start3A] : memref<624xf32, #tpu.memory_space<vmem>> -> memref<16xf32, #tpu.memory_space<vmem>>
        %dma_start3A_56 = arith.constant 9984 : i32
        %dma_start3A_57 = tpu.memref_slice %arg16[%dma_start3A_56] : memref<10000xf32, #tpu.memory_space<vmem_shared>> -> memref<16xf32, #tpu.memory_space<vmem_shared>>
        %dma_start3A_58 = arith.constant 0 : i32
        %dma_start3A_59 = tpu.memref_slice %arg14[%dma_start3A_58] : memref<624xf32, #tpu.memory_space<vmem>> -> memref<16xf32, #tpu.memory_space<vmem>>
        %dma_start3A_60 = arith.constant 9984 : i32
        %dma_start3A_61 = tpu.memref_slice %arg16[%dma_start3A_60] : memref<10000xf32, #tpu.memory_space<vmem_shared>> -> memref<16xf32, #tpu.memory_space<vmem_shared>>
        tpu.enqueue_dma source(%dma_start3A_61 : memref<16xf32, #tpu.memory_space<vmem_shared>>) target(%dma_start3A_59 : memref<16xf32, #tpu.memory_space<vmem>>) target_semaphore(%run_scoped3A : memref<!tpu.dma_semaphore, #tpu.memory_space<semaphore_mem>>)
        %dma_wait3A = arith.constant 0 : i32
        %dma_wait3A_62 = tpu.memref_slice %arg14[%dma_wait3A] : memref<624xf32, #tpu.memory_space<vmem>> -> memref<16xf32, #tpu.memory_space<vmem>>
        %dma_wait3A_63 = arith.constant 9984 : i32
        %dma_wait3A_64 = tpu.memref_slice %arg16[%dma_wait3A_63] : memref<10000xf32, #tpu.memory_space<vmem_shared>> -> memref<16xf32, #tpu.memory_space<vmem_shared>>
        %dma_wait3A_65 = arith.constant 0 : i32
        %dma_wait3A_66 = tpu.memref_slice %arg14[%dma_wait3A_65] : memref<624xf32, #tpu.memory_space<vmem>> -> memref<16xf32, #tpu.memory_space<vmem>>
        %dma_wait3A_67 = arith.constant 9984 : i32
        %dma_wait3A_68 = tpu.memref_slice %arg16[%dma_wait3A_67] : memref<10000xf32, #tpu.memory_space<vmem_shared>> -> memref<16xf32, #tpu.memory_space<vmem_shared>>
        tpu.wait_dma2 semaphore(%run_scoped3A : memref<!tpu.dma_semaphore, #tpu.memory_space<semaphore_mem>>) src(%dma_wait3A_68 : memref<16xf32, #tpu.memory_space<vmem_shared>>) dst(%dma_wait3A_66 : memref<16xf32, #tpu.memory_space<vmem>>)
        tpu.yield
      }) : () -> ()
      %mul3A_47 = arith.constant 10000 : i32
      %mul3A_48 = arith.muli %arg0, %mul3A_47 : i32
      %add3A_49 = arith.constant 9984 : i32
      %add3A_50 = arith.addi %mul3A_48, %add3A_49 : i32
      "tpu.region"() ({
        %run_scoped3A = tpu.sem_alloc : memref<!tpu.dma_semaphore, #tpu.memory_space<semaphore_mem>>
        %dma_start3A = arith.constant 0 : i32
        %dma_start3A_55 = arith.constant 0 : i32
        %dma_start3A_56 = tpu.memref_slice %arg13[%dma_start3A, %dma_start3A_55] : memref<624x32xf32, #tpu.memory_space<vmem>> -> memref<16x32xf32, #tpu.memory_space<vmem>>
        %dma_start3A_57 = arith.constant 0 : i32
        %dma_start3A_58 = tpu.memref_slice %arg7[%add3A_50, %dma_start3A_57] : memref<20000x32xf32, #tpu.memory_space<hbm>> -> memref<16x32xf32, #tpu.memory_space<hbm>>
        %dma_start3A_59 = arith.constant 0 : i32
        %dma_start3A_60 = tpu.memref_slice %arg7[%add3A_50, %dma_start3A_59] : memref<20000x32xf32, #tpu.memory_space<hbm>> -> memref<16x32xf32, #tpu.memory_space<hbm>>
        %dma_start3A_61 = arith.constant 0 : i32
        %dma_start3A_62 = arith.constant 0 : i32
        %dma_start3A_63 = tpu.memref_slice %arg13[%dma_start3A_61, %dma_start3A_62] : memref<624x32xf32, #tpu.memory_space<vmem>> -> memref<16x32xf32, #tpu.memory_space<vmem>>
        tpu.enqueue_dma source(%dma_start3A_63 : memref<16x32xf32, #tpu.memory_space<vmem>>) target(%dma_start3A_60 : memref<16x32xf32, #tpu.memory_space<hbm>>) target_semaphore(%run_scoped3A : memref<!tpu.dma_semaphore, #tpu.memory_space<semaphore_mem>>)
        %dma_wait3A = arith.constant 0 : i32
        %dma_wait3A_64 = arith.constant 0 : i32
        %dma_wait3A_65 = tpu.memref_slice %arg13[%dma_wait3A, %dma_wait3A_64] : memref<624x32xf32, #tpu.memory_space<vmem>> -> memref<16x32xf32, #tpu.memory_space<vmem>>
        %dma_wait3A_66 = arith.constant 0 : i32
        %dma_wait3A_67 = tpu.memref_slice %arg7[%add3A_50, %dma_wait3A_66] : memref<20000x32xf32, #tpu.memory_space<hbm>> -> memref<16x32xf32, #tpu.memory_space<hbm>>
        %dma_wait3A_68 = arith.constant 0 : i32
        %dma_wait3A_69 = tpu.memref_slice %arg7[%add3A_50, %dma_wait3A_68] : memref<20000x32xf32, #tpu.memory_space<hbm>> -> memref<16x32xf32, #tpu.memory_space<hbm>>
        %dma_wait3A_70 = arith.constant 0 : i32
        %dma_wait3A_71 = arith.constant 0 : i32
        %dma_wait3A_72 = tpu.memref_slice %arg13[%dma_wait3A_70, %dma_wait3A_71] : memref<624x32xf32, #tpu.memory_space<vmem>> -> memref<16x32xf32, #tpu.memory_space<vmem>>
        tpu.wait_dma2 semaphore(%run_scoped3A : memref<!tpu.dma_semaphore, #tpu.memory_space<semaphore_mem>>) src(%dma_wait3A_72 : memref<16x32xf32, #tpu.memory_space<vmem>>) dst(%dma_wait3A_69 : memref<16x32xf32, #tpu.memory_space<hbm>>)
        tpu.yield
      }) : () -> ()
      %mul3A_51 = arith.constant 10000 : i32
      %mul3A_52 = arith.muli %arg0, %mul3A_51 : i32
      %add3A_53 = arith.constant 9984 : i32
      %add3A_54 = arith.addi %mul3A_52, %add3A_53 : i32
      "tpu.region"() ({
        %run_scoped3A = tpu.sem_alloc : memref<!tpu.dma_semaphore, #tpu.memory_space<semaphore_mem>>
        %dma_start3A = arith.constant 0 : i32
        %dma_start3A_55 = tpu.memref_slice %arg14[%dma_start3A] : memref<624xf32, #tpu.memory_space<vmem>> -> memref<16xf32, #tpu.memory_space<vmem>>
        %dma_start3A_56 = tpu.memref_slice %arg8[%add3A_54] : memref<20000xf32, #tpu.memory_space<hbm>> -> memref<16xf32, #tpu.memory_space<hbm>>
        %dma_start3A_57 = tpu.memref_slice %arg8[%add3A_54] : memref<20000xf32, #tpu.memory_space<hbm>> -> memref<16xf32, #tpu.memory_space<hbm>>
        %dma_start3A_58 = arith.constant 0 : i32
        %dma_start3A_59 = tpu.memref_slice %arg14[%dma_start3A_58] : memref<624xf32, #tpu.memory_space<vmem>> -> memref<16xf32, #tpu.memory_space<vmem>>
        tpu.enqueue_dma source(%dma_start3A_59 : memref<16xf32, #tpu.memory_space<vmem>>) target(%dma_start3A_57 : memref<16xf32, #tpu.memory_space<hbm>>) target_semaphore(%run_scoped3A : memref<!tpu.dma_semaphore, #tpu.memory_space<semaphore_mem>>)
        %dma_wait3A = arith.constant 0 : i32
        %dma_wait3A_60 = tpu.memref_slice %arg14[%dma_wait3A] : memref<624xf32, #tpu.memory_space<vmem>> -> memref<16xf32, #tpu.memory_space<vmem>>
        %dma_wait3A_61 = tpu.memref_slice %arg8[%add3A_54] : memref<20000xf32, #tpu.memory_space<hbm>> -> memref<16xf32, #tpu.memory_space<hbm>>
        %dma_wait3A_62 = tpu.memref_slice %arg8[%add3A_54] : memref<20000xf32, #tpu.memory_space<hbm>> -> memref<16xf32, #tpu.memory_space<hbm>>
        %dma_wait3A_63 = arith.constant 0 : i32
        %dma_wait3A_64 = tpu.memref_slice %arg14[%dma_wait3A_63] : memref<624xf32, #tpu.memory_space<vmem>> -> memref<16xf32, #tpu.memory_space<vmem>>
        tpu.wait_dma2 semaphore(%run_scoped3A : memref<!tpu.dma_semaphore, #tpu.memory_space<semaphore_mem>>) src(%dma_wait3A_64 : memref<16xf32, #tpu.memory_space<vmem>>) dst(%dma_wait3A_62 : memref<16xf32, #tpu.memory_space<hbm>>)
        tpu.yield
      }) : () -> ()
    } else {
    }
    return
  }
}

#map = affine_map<(d0, d1) -> (0, 0)>
#map1 = affine_map<(d0, d1) -> (0, 0, 0)>
module attributes {stable_mosaic.version = 14 : i64} {
  func.func @k(%arg0: i32, %arg1: i32, %arg2: memref<10000x32xf32, #tpu.memory_space<hbm>>, %arg3: memref<32x125x80xi32, #tpu.memory_space<hbm>>, %arg4: memref<32x125x80xi32, #tpu.memory_space<hbm>>, %arg5: memref<10000x32xf32, #tpu.memory_space<hbm>>, %arg6: memref<20000x32xf32, #tpu.memory_space<hbm>>, %arg7: memref<125x80xi32, #tpu.memory_space<vmem>>, %arg8: memref<125x80xi32, #tpu.memory_space<vmem>>, %arg9: memref<80x32xf32, #tpu.memory_space<vmem>>, %arg10: memref<624x32xf32, #tpu.memory_space<vmem>>, %arg11: memref<10000x32xf32, #tpu.memory_space<vmem_shared>>, %arg12: memref<!tpu.dma_semaphore, #tpu.memory_space<semaphore_mem>>) attributes {dimension_semantics = [#tpu.dimension_semantics<core_parallel>, #tpu.dimension_semantics<subcore_parallel>], iteration_bounds = array<i64: 2, 16>, scalar_prefetch = 0 : i64, scratch_operands = 6 : i64, tpu.core_type = #tpu.core_type<sc_vector_subcore>, window_params = [{transform_indices = #map}, {transform_indices = #map1}, {transform_indices = #map1}, {transform_indices = #map}, {transform_indices = #map}]} {
    %mul3A = arith.constant 16 : i32
    %mul3A_0 = arith.muli %arg0, %mul3A : i32
    %add3A = arith.addi %mul3A_0, %arg1 : i32
    %mul3A_1 = arith.constant 624 : i32
    %mul3A_2 = arith.muli %arg1, %mul3A_1 : i32
    "tpu.region"() ({
      %run_scoped3A = tpu.sem_alloc : memref<!tpu.dma_semaphore, #tpu.memory_space<semaphore_mem>>
      %dma_start3A = arith.constant 0 : i32
      %dma_start3A_19 = tpu.memref_slice %arg5[%mul3A_2, %dma_start3A] : memref<10000x32xf32, #tpu.memory_space<hbm>> -> memref<624x32xf32, #tpu.memory_space<hbm>>
      %dma_start3A_20 = arith.constant 0 : i32
      %dma_start3A_21 = tpu.memref_slice %arg5[%mul3A_2, %dma_start3A_20] : memref<10000x32xf32, #tpu.memory_space<hbm>> -> memref<624x32xf32, #tpu.memory_space<hbm>>
      tpu.enqueue_dma source(%dma_start3A_21 : memref<624x32xf32, #tpu.memory_space<hbm>>) target(%arg10 : memref<624x32xf32, #tpu.memory_space<vmem>>) target_semaphore(%run_scoped3A : memref<!tpu.dma_semaphore, #tpu.memory_space<semaphore_mem>>)
      %dma_wait3A = arith.constant 0 : i32
      %dma_wait3A_22 = tpu.memref_slice %arg5[%mul3A_2, %dma_wait3A] : memref<10000x32xf32, #tpu.memory_space<hbm>> -> memref<624x32xf32, #tpu.memory_space<hbm>>
      %dma_wait3A_23 = arith.constant 0 : i32
      %dma_wait3A_24 = tpu.memref_slice %arg5[%mul3A_2, %dma_wait3A_23] : memref<10000x32xf32, #tpu.memory_space<hbm>> -> memref<624x32xf32, #tpu.memory_space<hbm>>
      tpu.wait_dma2 semaphore(%run_scoped3A : memref<!tpu.dma_semaphore, #tpu.memory_space<semaphore_mem>>) src(%dma_wait3A_24 : memref<624x32xf32, #tpu.memory_space<hbm>>) dst(%arg10 : memref<624x32xf32, #tpu.memory_space<vmem>>)
      tpu.yield
    }) : () -> ()
    "tpu.region"() ({
      %run_scoped3A = tpu.sem_alloc : memref<!tpu.dma_semaphore, #tpu.memory_space<semaphore_mem>>
      %dma_start3A = arith.constant 0 : i32
      %dma_start3A_19 = tpu.memref_slice %arg11[%mul3A_2, %dma_start3A] : memref<10000x32xf32, #tpu.memory_space<vmem_shared>> -> memref<624x32xf32, #tpu.memory_space<vmem_shared>>
      %dma_start3A_20 = arith.constant 0 : i32
      %dma_start3A_21 = tpu.memref_slice %arg11[%mul3A_2, %dma_start3A_20] : memref<10000x32xf32, #tpu.memory_space<vmem_shared>> -> memref<624x32xf32, #tpu.memory_space<vmem_shared>>
      tpu.enqueue_dma source(%arg10 : memref<624x32xf32, #tpu.memory_space<vmem>>) target(%dma_start3A_21 : memref<624x32xf32, #tpu.memory_space<vmem_shared>>) target_semaphore(%run_scoped3A : memref<!tpu.dma_semaphore, #tpu.memory_space<semaphore_mem>>)
      %dma_wait3A = arith.constant 0 : i32
      %dma_wait3A_22 = tpu.memref_slice %arg11[%mul3A_2, %dma_wait3A] : memref<10000x32xf32, #tpu.memory_space<vmem_shared>> -> memref<624x32xf32, #tpu.memory_space<vmem_shared>>
      %dma_wait3A_23 = arith.constant 0 : i32
      %dma_wait3A_24 = tpu.memref_slice %arg11[%mul3A_2, %dma_wait3A_23] : memref<10000x32xf32, #tpu.memory_space<vmem_shared>> -> memref<624x32xf32, #tpu.memory_space<vmem_shared>>
      tpu.wait_dma2 semaphore(%run_scoped3A : memref<!tpu.dma_semaphore, #tpu.memory_space<semaphore_mem>>) src(%arg10 : memref<624x32xf32, #tpu.memory_space<vmem>>) dst(%dma_wait3A_24 : memref<624x32xf32, #tpu.memory_space<vmem_shared>>)
      tpu.yield
    }) : () -> ()
    %eq3A = arith.constant 0 : i32
    %eq3A_3 = arith.cmpi eq, %arg1, %eq3A : i32
    %convert_element_type3A = arith.extui %eq3A_3 : i1 to i32
    %cond3A = arith.constant 0 : i32
    %cond3A_4 = arith.cmpi ne, %convert_element_type3A, %cond3A : i32
    scf.if %cond3A_4 {
      "tpu.region"() ({
        %run_scoped3A = tpu.sem_alloc : memref<!tpu.dma_semaphore, #tpu.memory_space<semaphore_mem>>
        %dma_start3A = arith.constant 0 : i32
        %dma_start3A_19 = arith.constant 0 : i32
        %dma_start3A_20 = tpu.memref_slice %arg10[%dma_start3A, %dma_start3A_19] : memref<624x32xf32, #tpu.memory_space<vmem>> -> memref<16x32xf32, #tpu.memory_space<vmem>>
        %dma_start3A_21 = arith.constant 9984 : i32
        %dma_start3A_22 = arith.constant 0 : i32
        %dma_start3A_23 = tpu.memref_slice %arg11[%dma_start3A_21, %dma_start3A_22] : memref<10000x32xf32, #tpu.memory_space<vmem_shared>> -> memref<16x32xf32, #tpu.memory_space<vmem_shared>>
        %dma_start3A_24 = arith.constant 9984 : i32
        %dma_start3A_25 = arith.constant 0 : i32
        %dma_start3A_26 = tpu.memref_slice %arg11[%dma_start3A_24, %dma_start3A_25] : memref<10000x32xf32, #tpu.memory_space<vmem_shared>> -> memref<16x32xf32, #tpu.memory_space<vmem_shared>>
        %dma_start3A_27 = arith.constant 0 : i32
        %dma_start3A_28 = arith.constant 0 : i32
        %dma_start3A_29 = tpu.memref_slice %arg10[%dma_start3A_27, %dma_start3A_28] : memref<624x32xf32, #tpu.memory_space<vmem>> -> memref<16x32xf32, #tpu.memory_space<vmem>>
        tpu.enqueue_dma source(%dma_start3A_29 : memref<16x32xf32, #tpu.memory_space<vmem>>) target(%dma_start3A_26 : memref<16x32xf32, #tpu.memory_space<vmem_shared>>) target_semaphore(%run_scoped3A : memref<!tpu.dma_semaphore, #tpu.memory_space<semaphore_mem>>)
        %dma_wait3A = arith.constant 0 : i32
        %dma_wait3A_30 = arith.constant 0 : i32
        %dma_wait3A_31 = tpu.memref_slice %arg10[%dma_wait3A, %dma_wait3A_30] : memref<624x32xf32, #tpu.memory_space<vmem>> -> memref<16x32xf32, #tpu.memory_space<vmem>>
        %dma_wait3A_32 = arith.constant 9984 : i32
        %dma_wait3A_33 = arith.constant 0 : i32
        %dma_wait3A_34 = tpu.memref_slice %arg11[%dma_wait3A_32, %dma_wait3A_33] : memref<10000x32xf32, #tpu.memory_space<vmem_shared>> -> memref<16x32xf32, #tpu.memory_space<vmem_shared>>
        %dma_wait3A_35 = arith.constant 9984 : i32
        %dma_wait3A_36 = arith.constant 0 : i32
        %dma_wait3A_37 = tpu.memref_slice %arg11[%dma_wait3A_35, %dma_wait3A_36] : memref<10000x32xf32, #tpu.memory_space<vmem_shared>> -> memref<16x32xf32, #tpu.memory_space<vmem_shared>>
        %dma_wait3A_38 = arith.constant 0 : i32
        %dma_wait3A_39 = arith.constant 0 : i32
        %dma_wait3A_40 = tpu.memref_slice %arg10[%dma_wait3A_38, %dma_wait3A_39] : memref<624x32xf32, #tpu.memory_space<vmem>> -> memref<16x32xf32, #tpu.memory_space<vmem>>
        tpu.wait_dma2 semaphore(%run_scoped3A : memref<!tpu.dma_semaphore, #tpu.memory_space<semaphore_mem>>) src(%dma_wait3A_40 : memref<16x32xf32, #tpu.memory_space<vmem>>) dst(%dma_wait3A_37 : memref<16x32xf32, #tpu.memory_space<vmem_shared>>)
        tpu.yield
      }) : () -> ()
    } else {
    }
    "tpu.region"() ({
      %run_scoped3A = tpu.sem_alloc : memref<!tpu.dma_semaphore, #tpu.memory_space<semaphore_mem>>
      %dma_start3A = arith.constant 0 : i32
      %dma_start3A_19 = arith.constant 0 : i32
      %dma_start3A_20 = tpu.memref_slice %arg3[%add3A, %dma_start3A, %dma_start3A_19] : memref<32x125x80xi32, #tpu.memory_space<hbm>> -> memref<1x125x80xi32, #tpu.memory_space<hbm>>
      %dma_start3A_21 = tpu.memref_squeeze %dma_start3A_20 : memref<1x125x80xi32, #tpu.memory_space<hbm>> -> memref<125x80xi32, #tpu.memory_space<hbm>>
      %dma_start3A_22 = arith.constant 0 : i32
      %dma_start3A_23 = arith.constant 0 : i32
      %dma_start3A_24 = tpu.memref_slice %arg3[%add3A, %dma_start3A_22, %dma_start3A_23] : memref<32x125x80xi32, #tpu.memory_space<hbm>> -> memref<1x125x80xi32, #tpu.memory_space<hbm>>
      %dma_start3A_25 = tpu.memref_squeeze %dma_start3A_24 : memref<1x125x80xi32, #tpu.memory_space<hbm>> -> memref<125x80xi32, #tpu.memory_space<hbm>>
      tpu.enqueue_dma source(%dma_start3A_25 : memref<125x80xi32, #tpu.memory_space<hbm>>) target(%arg7 : memref<125x80xi32, #tpu.memory_space<vmem>>) target_semaphore(%run_scoped3A : memref<!tpu.dma_semaphore, #tpu.memory_space<semaphore_mem>>)
      %dma_wait3A = arith.constant 0 : i32
      %dma_wait3A_26 = arith.constant 0 : i32
      %dma_wait3A_27 = tpu.memref_slice %arg3[%add3A, %dma_wait3A, %dma_wait3A_26] : memref<32x125x80xi32, #tpu.memory_space<hbm>> -> memref<1x125x80xi32, #tpu.memory_space<hbm>>
      %dma_wait3A_28 = tpu.memref_squeeze %dma_wait3A_27 : memref<1x125x80xi32, #tpu.memory_space<hbm>> -> memref<125x80xi32, #tpu.memory_space<hbm>>
      %dma_wait3A_29 = arith.constant 0 : i32
      %dma_wait3A_30 = arith.constant 0 : i32
      %dma_wait3A_31 = tpu.memref_slice %arg3[%add3A, %dma_wait3A_29, %dma_wait3A_30] : memref<32x125x80xi32, #tpu.memory_space<hbm>> -> memref<1x125x80xi32, #tpu.memory_space<hbm>>
      %dma_wait3A_32 = tpu.memref_squeeze %dma_wait3A_31 : memref<1x125x80xi32, #tpu.memory_space<hbm>> -> memref<125x80xi32, #tpu.memory_space<hbm>>
      tpu.wait_dma2 semaphore(%run_scoped3A : memref<!tpu.dma_semaphore, #tpu.memory_space<semaphore_mem>>) src(%dma_wait3A_32 : memref<125x80xi32, #tpu.memory_space<hbm>>) dst(%arg7 : memref<125x80xi32, #tpu.memory_space<vmem>>)
      tpu.yield
    }) : () -> ()
    "tpu.region"() ({
      %run_scoped3A = tpu.sem_alloc : memref<!tpu.dma_semaphore, #tpu.memory_space<semaphore_mem>>
      %dma_start3A = arith.constant 0 : i32
      %dma_start3A_19 = arith.constant 0 : i32
      %dma_start3A_20 = tpu.memref_slice %arg4[%add3A, %dma_start3A, %dma_start3A_19] : memref<32x125x80xi32, #tpu.memory_space<hbm>> -> memref<1x125x80xi32, #tpu.memory_space<hbm>>
      %dma_start3A_21 = tpu.memref_squeeze %dma_start3A_20 : memref<1x125x80xi32, #tpu.memory_space<hbm>> -> memref<125x80xi32, #tpu.memory_space<hbm>>
      %dma_start3A_22 = arith.constant 0 : i32
      %dma_start3A_23 = arith.constant 0 : i32
      %dma_start3A_24 = tpu.memref_slice %arg4[%add3A, %dma_start3A_22, %dma_start3A_23] : memref<32x125x80xi32, #tpu.memory_space<hbm>> -> memref<1x125x80xi32, #tpu.memory_space<hbm>>
      %dma_start3A_25 = tpu.memref_squeeze %dma_start3A_24 : memref<1x125x80xi32, #tpu.memory_space<hbm>> -> memref<125x80xi32, #tpu.memory_space<hbm>>
      tpu.enqueue_dma source(%dma_start3A_25 : memref<125x80xi32, #tpu.memory_space<hbm>>) target(%arg8 : memref<125x80xi32, #tpu.memory_space<vmem>>) target_semaphore(%run_scoped3A : memref<!tpu.dma_semaphore, #tpu.memory_space<semaphore_mem>>)
      %dma_wait3A = arith.constant 0 : i32
      %dma_wait3A_26 = arith.constant 0 : i32
      %dma_wait3A_27 = tpu.memref_slice %arg4[%add3A, %dma_wait3A, %dma_wait3A_26] : memref<32x125x80xi32, #tpu.memory_space<hbm>> -> memref<1x125x80xi32, #tpu.memory_space<hbm>>
      %dma_wait3A_28 = tpu.memref_squeeze %dma_wait3A_27 : memref<1x125x80xi32, #tpu.memory_space<hbm>> -> memref<125x80xi32, #tpu.memory_space<hbm>>
      %dma_wait3A_29 = arith.constant 0 : i32
      %dma_wait3A_30 = arith.constant 0 : i32
      %dma_wait3A_31 = tpu.memref_slice %arg4[%add3A, %dma_wait3A_29, %dma_wait3A_30] : memref<32x125x80xi32, #tpu.memory_space<hbm>> -> memref<1x125x80xi32, #tpu.memory_space<hbm>>
      %dma_wait3A_32 = tpu.memref_squeeze %dma_wait3A_31 : memref<1x125x80xi32, #tpu.memory_space<hbm>> -> memref<125x80xi32, #tpu.memory_space<hbm>>
      tpu.wait_dma2 semaphore(%run_scoped3A : memref<!tpu.dma_semaphore, #tpu.memory_space<semaphore_mem>>) src(%dma_wait3A_32 : memref<125x80xi32, #tpu.memory_space<hbm>>) dst(%arg8 : memref<125x80xi32, #tpu.memory_space<vmem>>)
      tpu.yield
    }) : () -> ()
    %barrier3A = arith.constant 0 : index
    tpu.barrier barrier_id(%barrier3A)
    %scan3A = arith.constant 0 : i32
    %scan3A_5 = arith.constant 0 : i32
    %scan3A_6 = arith.constant 125 : i32
    %scan3A_7 = arith.addi %scan3A_5, %scan3A_6 : i32
    %scan3A_8 = arith.constant 1 : i32
    scf.for %scan3A_19 = %scan3A_5 to %scan3A_7 step %scan3A_8  : i32 {
      %dma_start3A = arith.constant 0 : i32
      %dma_start3A_20 = tpu.memref_slice %arg7[%scan3A_19, %dma_start3A] : memref<125x80xi32, #tpu.memory_space<vmem>> -> memref<1x80xi32, #tpu.memory_space<vmem>>
      %dma_start3A_21 = tpu.memref_squeeze %dma_start3A_20 : memref<1x80xi32, #tpu.memory_space<vmem>> -> memref<80xi32, #tpu.memory_space<vmem>>
      %dma_start3A_22 = arith.constant 0 : i32
      %dma_start3A_23 = arith.constant 0 : i32
      %dma_start3A_24 = tpu.memref_slice %arg2[%dma_start3A_22, %dma_start3A_23] : memref<10000x32xf32, #tpu.memory_space<hbm>> -> memref<10000x32xf32, #tpu.memory_space<hbm>>
      tpu.enqueue_indirect_dma source(%dma_start3A_24 : memref<10000x32xf32, #tpu.memory_space<hbm>>) target(%arg9 : memref<80x32xf32, #tpu.memory_space<vmem>>) offsets(%dma_start3A_21 : memref<80xi32, #tpu.memory_space<vmem>>) semaphore(%arg12 : memref<!tpu.dma_semaphore, #tpu.memory_space<semaphore_mem>>)
      %dma_wait3A = arith.constant 0 : i32
      %dma_wait3A_25 = tpu.memref_slice %arg7[%scan3A_19, %dma_wait3A] : memref<125x80xi32, #tpu.memory_space<vmem>> -> memref<1x80xi32, #tpu.memory_space<vmem>>
      %dma_wait3A_26 = tpu.memref_squeeze %dma_wait3A_25 : memref<1x80xi32, #tpu.memory_space<vmem>> -> memref<80xi32, #tpu.memory_space<vmem>>
      %dma_wait3A_27 = arith.constant 0 : i32
      %dma_wait3A_28 = arith.constant 0 : i32
      %dma_wait3A_29 = tpu.memref_slice %arg2[%dma_wait3A_27, %dma_wait3A_28] : memref<10000x32xf32, #tpu.memory_space<hbm>> -> memref<10000x32xf32, #tpu.memory_space<hbm>>
      tpu.wait_indirect_dma semaphore(%arg12 : memref<!tpu.dma_semaphore, #tpu.memory_space<semaphore_mem>>) src(%dma_wait3A_29 : memref<10000x32xf32, #tpu.memory_space<hbm>>) dst(%arg9 : memref<80x32xf32, #tpu.memory_space<vmem>>)
      "tpu.region"() ({
        %run_scoped3A = tpu.sem_alloc : memref<!tpu.dma_semaphore, #tpu.memory_space<semaphore_mem>>
        %dma_start3A_30 = arith.constant 0 : i32
        %dma_start3A_31 = tpu.memref_slice %arg8[%scan3A_19, %dma_start3A_30] : memref<125x80xi32, #tpu.memory_space<vmem>> -> memref<1x80xi32, #tpu.memory_space<vmem>>
        %dma_start3A_32 = tpu.memref_squeeze %dma_start3A_31 : memref<1x80xi32, #tpu.memory_space<vmem>> -> memref<80xi32, #tpu.memory_space<vmem>>
        %dma_start3A_33 = arith.constant 0 : i32
        %dma_start3A_34 = arith.constant 0 : i32
        %dma_start3A_35 = tpu.memref_slice %arg11[%dma_start3A_33, %dma_start3A_34] : memref<10000x32xf32, #tpu.memory_space<vmem_shared>> -> memref<10000x32xf32, #tpu.memory_space<vmem_shared>>
        tpu.enqueue_indirect_dma source(%arg9 : memref<80x32xf32, #tpu.memory_space<vmem>>) target(%dma_start3A_35 : memref<10000x32xf32, #tpu.memory_space<vmem_shared>>) offsets(%dma_start3A_32 : memref<80xi32, #tpu.memory_space<vmem>>) semaphore(%run_scoped3A : memref<!tpu.dma_semaphore, #tpu.memory_space<semaphore_mem>>) {add = true}
        %dma_wait3A_36 = arith.constant 0 : i32
        %dma_wait3A_37 = tpu.memref_slice %arg8[%scan3A_19, %dma_wait3A_36] : memref<125x80xi32, #tpu.memory_space<vmem>> -> memref<1x80xi32, #tpu.memory_space<vmem>>
        %dma_wait3A_38 = tpu.memref_squeeze %dma_wait3A_37 : memref<1x80xi32, #tpu.memory_space<vmem>> -> memref<80xi32, #tpu.memory_space<vmem>>
        %dma_wait3A_39 = arith.constant 0 : i32
        %dma_wait3A_40 = arith.constant 0 : i32
        %dma_wait3A_41 = tpu.memref_slice %arg11[%dma_wait3A_39, %dma_wait3A_40] : memref<10000x32xf32, #tpu.memory_space<vmem_shared>> -> memref<10000x32xf32, #tpu.memory_space<vmem_shared>>
        tpu.wait_indirect_dma semaphore(%run_scoped3A : memref<!tpu.dma_semaphore, #tpu.memory_space<semaphore_mem>>) src(%arg9 : memref<80x32xf32, #tpu.memory_space<vmem>>) dst(%dma_wait3A_41 : memref<10000x32xf32, #tpu.memory_space<vmem_shared>>)
        tpu.yield
      }) : () -> ()
    }
    %scan3A_9 = arith.constant 125 : i32
    %barrier3A_10 = arith.constant 0 : index
    tpu.barrier barrier_id(%barrier3A_10)
    %mul3A_11 = arith.constant 10000 : i32
    %mul3A_12 = arith.muli %arg0, %mul3A_11 : i32
    %add3A_13 = arith.addi %mul3A_12, %mul3A_2 : i32
    "tpu.region"() ({
      %run_scoped3A = tpu.sem_alloc : memref<!tpu.dma_semaphore, #tpu.memory_space<semaphore_mem>>
      %dma_start3A = arith.constant 0 : i32
      %dma_start3A_19 = tpu.memref_slice %arg11[%mul3A_2, %dma_start3A] : memref<10000x32xf32, #tpu.memory_space<vmem_shared>> -> memref<624x32xf32, #tpu.memory_space<vmem_shared>>
      %dma_start3A_20 = arith.constant 0 : i32
      %dma_start3A_21 = tpu.memref_slice %arg11[%mul3A_2, %dma_start3A_20] : memref<10000x32xf32, #tpu.memory_space<vmem_shared>> -> memref<624x32xf32, #tpu.memory_space<vmem_shared>>
      tpu.enqueue_dma source(%dma_start3A_21 : memref<624x32xf32, #tpu.memory_space<vmem_shared>>) target(%arg10 : memref<624x32xf32, #tpu.memory_space<vmem>>) target_semaphore(%run_scoped3A : memref<!tpu.dma_semaphore, #tpu.memory_space<semaphore_mem>>)
      %dma_wait3A = arith.constant 0 : i32
      %dma_wait3A_22 = tpu.memref_slice %arg11[%mul3A_2, %dma_wait3A] : memref<10000x32xf32, #tpu.memory_space<vmem_shared>> -> memref<624x32xf32, #tpu.memory_space<vmem_shared>>
      %dma_wait3A_23 = arith.constant 0 : i32
      %dma_wait3A_24 = tpu.memref_slice %arg11[%mul3A_2, %dma_wait3A_23] : memref<10000x32xf32, #tpu.memory_space<vmem_shared>> -> memref<624x32xf32, #tpu.memory_space<vmem_shared>>
      tpu.wait_dma2 semaphore(%run_scoped3A : memref<!tpu.dma_semaphore, #tpu.memory_space<semaphore_mem>>) src(%dma_wait3A_24 : memref<624x32xf32, #tpu.memory_space<vmem_shared>>) dst(%arg10 : memref<624x32xf32, #tpu.memory_space<vmem>>)
      tpu.yield
    }) : () -> ()
    "tpu.region"() ({
      %run_scoped3A = tpu.sem_alloc : memref<!tpu.dma_semaphore, #tpu.memory_space<semaphore_mem>>
      %dma_start3A = arith.constant 0 : i32
      %dma_start3A_19 = tpu.memref_slice %arg6[%add3A_13, %dma_start3A] : memref<20000x32xf32, #tpu.memory_space<hbm>> -> memref<624x32xf32, #tpu.memory_space<hbm>>
      %dma_start3A_20 = arith.constant 0 : i32
      %dma_start3A_21 = tpu.memref_slice %arg6[%add3A_13, %dma_start3A_20] : memref<20000x32xf32, #tpu.memory_space<hbm>> -> memref<624x32xf32, #tpu.memory_space<hbm>>
      tpu.enqueue_dma source(%arg10 : memref<624x32xf32, #tpu.memory_space<vmem>>) target(%dma_start3A_21 : memref<624x32xf32, #tpu.memory_space<hbm>>) target_semaphore(%run_scoped3A : memref<!tpu.dma_semaphore, #tpu.memory_space<semaphore_mem>>)
      %dma_wait3A = arith.constant 0 : i32
      %dma_wait3A_22 = tpu.memref_slice %arg6[%add3A_13, %dma_wait3A] : memref<20000x32xf32, #tpu.memory_space<hbm>> -> memref<624x32xf32, #tpu.memory_space<hbm>>
      %dma_wait3A_23 = arith.constant 0 : i32
      %dma_wait3A_24 = tpu.memref_slice %arg6[%add3A_13, %dma_wait3A_23] : memref<20000x32xf32, #tpu.memory_space<hbm>> -> memref<624x32xf32, #tpu.memory_space<hbm>>
      tpu.wait_dma2 semaphore(%run_scoped3A : memref<!tpu.dma_semaphore, #tpu.memory_space<semaphore_mem>>) src(%arg10 : memref<624x32xf32, #tpu.memory_space<vmem>>) dst(%dma_wait3A_24 : memref<624x32xf32, #tpu.memory_space<hbm>>)
      tpu.yield
    }) : () -> ()
    %eq3A_14 = arith.constant 0 : i32
    %eq3A_15 = arith.cmpi eq, %arg1, %eq3A_14 : i32
    %convert_element_type3A_16 = arith.extui %eq3A_15 : i1 to i32
    %cond3A_17 = arith.constant 0 : i32
    %cond3A_18 = arith.cmpi ne, %convert_element_type3A_16, %cond3A_17 : i32
    scf.if %cond3A_18 {
      "tpu.region"() ({
        %run_scoped3A = tpu.sem_alloc : memref<!tpu.dma_semaphore, #tpu.memory_space<semaphore_mem>>
        %dma_start3A = arith.constant 0 : i32
        %dma_start3A_23 = arith.constant 0 : i32
        %dma_start3A_24 = tpu.memref_slice %arg10[%dma_start3A, %dma_start3A_23] : memref<624x32xf32, #tpu.memory_space<vmem>> -> memref<16x32xf32, #tpu.memory_space<vmem>>
        %dma_start3A_25 = arith.constant 9984 : i32
        %dma_start3A_26 = arith.constant 0 : i32
        %dma_start3A_27 = tpu.memref_slice %arg11[%dma_start3A_25, %dma_start3A_26] : memref<10000x32xf32, #tpu.memory_space<vmem_shared>> -> memref<16x32xf32, #tpu.memory_space<vmem_shared>>
        %dma_start3A_28 = arith.constant 0 : i32
        %dma_start3A_29 = arith.constant 0 : i32
        %dma_start3A_30 = tpu.memref_slice %arg10[%dma_start3A_28, %dma_start3A_29] : memref<624x32xf32, #tpu.memory_space<vmem>> -> memref<16x32xf32, #tpu.memory_space<vmem>>
        %dma_start3A_31 = arith.constant 9984 : i32
        %dma_start3A_32 = arith.constant 0 : i32
        %dma_start3A_33 = tpu.memref_slice %arg11[%dma_start3A_31, %dma_start3A_32] : memref<10000x32xf32, #tpu.memory_space<vmem_shared>> -> memref<16x32xf32, #tpu.memory_space<vmem_shared>>
        tpu.enqueue_dma source(%dma_start3A_33 : memref<16x32xf32, #tpu.memory_space<vmem_shared>>) target(%dma_start3A_30 : memref<16x32xf32, #tpu.memory_space<vmem>>) target_semaphore(%run_scoped3A : memref<!tpu.dma_semaphore, #tpu.memory_space<semaphore_mem>>)
        %dma_wait3A = arith.constant 0 : i32
        %dma_wait3A_34 = arith.constant 0 : i32
        %dma_wait3A_35 = tpu.memref_slice %arg10[%dma_wait3A, %dma_wait3A_34] : memref<624x32xf32, #tpu.memory_space<vmem>> -> memref<16x32xf32, #tpu.memory_space<vmem>>
        %dma_wait3A_36 = arith.constant 9984 : i32
        %dma_wait3A_37 = arith.constant 0 : i32
        %dma_wait3A_38 = tpu.memref_slice %arg11[%dma_wait3A_36, %dma_wait3A_37] : memref<10000x32xf32, #tpu.memory_space<vmem_shared>> -> memref<16x32xf32, #tpu.memory_space<vmem_shared>>
        %dma_wait3A_39 = arith.constant 0 : i32
        %dma_wait3A_40 = arith.constant 0 : i32
        %dma_wait3A_41 = tpu.memref_slice %arg10[%dma_wait3A_39, %dma_wait3A_40] : memref<624x32xf32, #tpu.memory_space<vmem>> -> memref<16x32xf32, #tpu.memory_space<vmem>>
        %dma_wait3A_42 = arith.constant 9984 : i32
        %dma_wait3A_43 = arith.constant 0 : i32
        %dma_wait3A_44 = tpu.memref_slice %arg11[%dma_wait3A_42, %dma_wait3A_43] : memref<10000x32xf32, #tpu.memory_space<vmem_shared>> -> memref<16x32xf32, #tpu.memory_space<vmem_shared>>
        tpu.wait_dma2 semaphore(%run_scoped3A : memref<!tpu.dma_semaphore, #tpu.memory_space<semaphore_mem>>) src(%dma_wait3A_44 : memref<16x32xf32, #tpu.memory_space<vmem_shared>>) dst(%dma_wait3A_41 : memref<16x32xf32, #tpu.memory_space<vmem>>)
        tpu.yield
      }) : () -> ()
      %mul3A_19 = arith.constant 10000 : i32
      %mul3A_20 = arith.muli %arg0, %mul3A_19 : i32
      %add3A_21 = arith.constant 9984 : i32
      %add3A_22 = arith.addi %mul3A_20, %add3A_21 : i32
      "tpu.region"() ({
        %run_scoped3A = tpu.sem_alloc : memref<!tpu.dma_semaphore, #tpu.memory_space<semaphore_mem>>
        %dma_start3A = arith.constant 0 : i32
        %dma_start3A_23 = arith.constant 0 : i32
        %dma_start3A_24 = tpu.memref_slice %arg10[%dma_start3A, %dma_start3A_23] : memref<624x32xf32, #tpu.memory_space<vmem>> -> memref<16x32xf32, #tpu.memory_space<vmem>>
        %dma_start3A_25 = arith.constant 0 : i32
        %dma_start3A_26 = tpu.memref_slice %arg6[%add3A_22, %dma_start3A_25] : memref<20000x32xf32, #tpu.memory_space<hbm>> -> memref<16x32xf32, #tpu.memory_space<hbm>>
        %dma_start3A_27 = arith.constant 0 : i32
        %dma_start3A_28 = tpu.memref_slice %arg6[%add3A_22, %dma_start3A_27] : memref<20000x32xf32, #tpu.memory_space<hbm>> -> memref<16x32xf32, #tpu.memory_space<hbm>>
        %dma_start3A_29 = arith.constant 0 : i32
        %dma_start3A_30 = arith.constant 0 : i32
        %dma_start3A_31 = tpu.memref_slice %arg10[%dma_start3A_29, %dma_start3A_30] : memref<624x32xf32, #tpu.memory_space<vmem>> -> memref<16x32xf32, #tpu.memory_space<vmem>>
        tpu.enqueue_dma source(%dma_start3A_31 : memref<16x32xf32, #tpu.memory_space<vmem>>) target(%dma_start3A_28 : memref<16x32xf32, #tpu.memory_space<hbm>>) target_semaphore(%run_scoped3A : memref<!tpu.dma_semaphore, #tpu.memory_space<semaphore_mem>>)
        %dma_wait3A = arith.constant 0 : i32
        %dma_wait3A_32 = arith.constant 0 : i32
        %dma_wait3A_33 = tpu.memref_slice %arg10[%dma_wait3A, %dma_wait3A_32] : memref<624x32xf32, #tpu.memory_space<vmem>> -> memref<16x32xf32, #tpu.memory_space<vmem>>
        %dma_wait3A_34 = arith.constant 0 : i32
        %dma_wait3A_35 = tpu.memref_slice %arg6[%add3A_22, %dma_wait3A_34] : memref<20000x32xf32, #tpu.memory_space<hbm>> -> memref<16x32xf32, #tpu.memory_space<hbm>>
        %dma_wait3A_36 = arith.constant 0 : i32
        %dma_wait3A_37 = tpu.memref_slice %arg6[%add3A_22, %dma_wait3A_36] : memref<20000x32xf32, #tpu.memory_space<hbm>> -> memref<16x32xf32, #tpu.memory_space<hbm>>
        %dma_wait3A_38 = arith.constant 0 : i32
        %dma_wait3A_39 = arith.constant 0 : i32
        %dma_wait3A_40 = tpu.memref_slice %arg10[%dma_wait3A_38, %dma_wait3A_39] : memref<624x32xf32, #tpu.memory_space<vmem>> -> memref<16x32xf32, #tpu.memory_space<vmem>>
        tpu.wait_dma2 semaphore(%run_scoped3A : memref<!tpu.dma_semaphore, #tpu.memory_space<semaphore_mem>>) src(%dma_wait3A_40 : memref<16x32xf32, #tpu.memory_space<vmem>>) dst(%dma_wait3A_37 : memref<16x32xf32, #tpu.memory_space<hbm>>)
        tpu.yield
      }) : () -> ()
    } else {
    }
    return
  }
}

#map = affine_map<(d0, d1) -> (0)>
#map1 = affine_map<(d0, d1) -> (0, 0, 0)>
module attributes {stable_mosaic.version = 14 : i64} {
  func.func @k(%arg0: i32, %arg1: i32, %arg2: memref<10000xf32, #tpu.memory_space<hbm>>, %arg3: memref<32x125x80xi32, #tpu.memory_space<hbm>>, %arg4: memref<32x125x80xi32, #tpu.memory_space<hbm>>, %arg5: memref<10000xf32, #tpu.memory_space<hbm>>, %arg6: memref<20000xf32, #tpu.memory_space<hbm>>, %arg7: memref<125x80xi32, #tpu.memory_space<vmem>>, %arg8: memref<125x80xi32, #tpu.memory_space<vmem>>, %arg9: memref<80xf32, #tpu.memory_space<vmem>>, %arg10: memref<624xf32, #tpu.memory_space<vmem>>, %arg11: memref<10000xf32, #tpu.memory_space<vmem_shared>>, %arg12: memref<!tpu.dma_semaphore, #tpu.memory_space<semaphore_mem>>) attributes {dimension_semantics = [#tpu.dimension_semantics<core_parallel>, #tpu.dimension_semantics<subcore_parallel>], iteration_bounds = array<i64: 2, 16>, scalar_prefetch = 0 : i64, scratch_operands = 6 : i64, tpu.core_type = #tpu.core_type<sc_vector_subcore>, window_params = [{transform_indices = #map}, {transform_indices = #map1}, {transform_indices = #map1}, {transform_indices = #map}, {transform_indices = #map}]} {
    %mul3A = arith.constant 16 : i32
    %mul3A_0 = arith.muli %arg0, %mul3A : i32
    %add3A = arith.addi %mul3A_0, %arg1 : i32
    %mul3A_1 = arith.constant 624 : i32
    %mul3A_2 = arith.muli %arg1, %mul3A_1 : i32
    "tpu.region"() ({
      %run_scoped3A = tpu.sem_alloc : memref<!tpu.dma_semaphore, #tpu.memory_space<semaphore_mem>>
      %dma_start3A = tpu.memref_slice %arg5[%mul3A_2] : memref<10000xf32, #tpu.memory_space<hbm>> -> memref<624xf32, #tpu.memory_space<hbm>>
      %dma_start3A_19 = tpu.memref_slice %arg5[%mul3A_2] : memref<10000xf32, #tpu.memory_space<hbm>> -> memref<624xf32, #tpu.memory_space<hbm>>
      tpu.enqueue_dma source(%dma_start3A_19 : memref<624xf32, #tpu.memory_space<hbm>>) target(%arg10 : memref<624xf32, #tpu.memory_space<vmem>>) target_semaphore(%run_scoped3A : memref<!tpu.dma_semaphore, #tpu.memory_space<semaphore_mem>>)
      %dma_wait3A = tpu.memref_slice %arg5[%mul3A_2] : memref<10000xf32, #tpu.memory_space<hbm>> -> memref<624xf32, #tpu.memory_space<hbm>>
      %dma_wait3A_20 = tpu.memref_slice %arg5[%mul3A_2] : memref<10000xf32, #tpu.memory_space<hbm>> -> memref<624xf32, #tpu.memory_space<hbm>>
      tpu.wait_dma2 semaphore(%run_scoped3A : memref<!tpu.dma_semaphore, #tpu.memory_space<semaphore_mem>>) src(%dma_wait3A_20 : memref<624xf32, #tpu.memory_space<hbm>>) dst(%arg10 : memref<624xf32, #tpu.memory_space<vmem>>)
      tpu.yield
    }) : () -> ()
    "tpu.region"() ({
      %run_scoped3A = tpu.sem_alloc : memref<!tpu.dma_semaphore, #tpu.memory_space<semaphore_mem>>
      %dma_start3A = tpu.memref_slice %arg11[%mul3A_2] : memref<10000xf32, #tpu.memory_space<vmem_shared>> -> memref<624xf32, #tpu.memory_space<vmem_shared>>
      %dma_start3A_19 = tpu.memref_slice %arg11[%mul3A_2] : memref<10000xf32, #tpu.memory_space<vmem_shared>> -> memref<624xf32, #tpu.memory_space<vmem_shared>>
      tpu.enqueue_dma source(%arg10 : memref<624xf32, #tpu.memory_space<vmem>>) target(%dma_start3A_19 : memref<624xf32, #tpu.memory_space<vmem_shared>>) target_semaphore(%run_scoped3A : memref<!tpu.dma_semaphore, #tpu.memory_space<semaphore_mem>>)
      %dma_wait3A = tpu.memref_slice %arg11[%mul3A_2] : memref<10000xf32, #tpu.memory_space<vmem_shared>> -> memref<624xf32, #tpu.memory_space<vmem_shared>>
      %dma_wait3A_20 = tpu.memref_slice %arg11[%mul3A_2] : memref<10000xf32, #tpu.memory_space<vmem_shared>> -> memref<624xf32, #tpu.memory_space<vmem_shared>>
      tpu.wait_dma2 semaphore(%run_scoped3A : memref<!tpu.dma_semaphore, #tpu.memory_space<semaphore_mem>>) src(%arg10 : memref<624xf32, #tpu.memory_space<vmem>>) dst(%dma_wait3A_20 : memref<624xf32, #tpu.memory_space<vmem_shared>>)
      tpu.yield
    }) : () -> ()
    %eq3A = arith.constant 0 : i32
    %eq3A_3 = arith.cmpi eq, %arg1, %eq3A : i32
    %convert_element_type3A = arith.extui %eq3A_3 : i1 to i32
    %cond3A = arith.constant 0 : i32
    %cond3A_4 = arith.cmpi ne, %convert_element_type3A, %cond3A : i32
    scf.if %cond3A_4 {
      "tpu.region"() ({
        %run_scoped3A = tpu.sem_alloc : memref<!tpu.dma_semaphore, #tpu.memory_space<semaphore_mem>>
        %dma_start3A = arith.constant 0 : i32
        %dma_start3A_19 = tpu.memref_slice %arg10[%dma_start3A] : memref<624xf32, #tpu.memory_space<vmem>> -> memref<16xf32, #tpu.memory_space<vmem>>
        %dma_start3A_20 = arith.constant 9984 : i32
        %dma_start3A_21 = tpu.memref_slice %arg11[%dma_start3A_20] : memref<10000xf32, #tpu.memory_space<vmem_shared>> -> memref<16xf32, #tpu.memory_space<vmem_shared>>
        %dma_start3A_22 = arith.constant 9984 : i32
        %dma_start3A_23 = tpu.memref_slice %arg11[%dma_start3A_22] : memref<10000xf32, #tpu.memory_space<vmem_shared>> -> memref<16xf32, #tpu.memory_space<vmem_shared>>
        %dma_start3A_24 = arith.constant 0 : i32
        %dma_start3A_25 = tpu.memref_slice %arg10[%dma_start3A_24] : memref<624xf32, #tpu.memory_space<vmem>> -> memref<16xf32, #tpu.memory_space<vmem>>
        tpu.enqueue_dma source(%dma_start3A_25 : memref<16xf32, #tpu.memory_space<vmem>>) target(%dma_start3A_23 : memref<16xf32, #tpu.memory_space<vmem_shared>>) target_semaphore(%run_scoped3A : memref<!tpu.dma_semaphore, #tpu.memory_space<semaphore_mem>>)
        %dma_wait3A = arith.constant 0 : i32
        %dma_wait3A_26 = tpu.memref_slice %arg10[%dma_wait3A] : memref<624xf32, #tpu.memory_space<vmem>> -> memref<16xf32, #tpu.memory_space<vmem>>
        %dma_wait3A_27 = arith.constant 9984 : i32
        %dma_wait3A_28 = tpu.memref_slice %arg11[%dma_wait3A_27] : memref<10000xf32, #tpu.memory_space<vmem_shared>> -> memref<16xf32, #tpu.memory_space<vmem_shared>>
        %dma_wait3A_29 = arith.constant 9984 : i32
        %dma_wait3A_30 = tpu.memref_slice %arg11[%dma_wait3A_29] : memref<10000xf32, #tpu.memory_space<vmem_shared>> -> memref<16xf32, #tpu.memory_space<vmem_shared>>
        %dma_wait3A_31 = arith.constant 0 : i32
        %dma_wait3A_32 = tpu.memref_slice %arg10[%dma_wait3A_31] : memref<624xf32, #tpu.memory_space<vmem>> -> memref<16xf32, #tpu.memory_space<vmem>>
        tpu.wait_dma2 semaphore(%run_scoped3A : memref<!tpu.dma_semaphore, #tpu.memory_space<semaphore_mem>>) src(%dma_wait3A_32 : memref<16xf32, #tpu.memory_space<vmem>>) dst(%dma_wait3A_30 : memref<16xf32, #tpu.memory_space<vmem_shared>>)
        tpu.yield
      }) : () -> ()
    } else {
    }
    "tpu.region"() ({
      %run_scoped3A = tpu.sem_alloc : memref<!tpu.dma_semaphore, #tpu.memory_space<semaphore_mem>>
      %dma_start3A = arith.constant 0 : i32
      %dma_start3A_19 = arith.constant 0 : i32
      %dma_start3A_20 = tpu.memref_slice %arg3[%add3A, %dma_start3A, %dma_start3A_19] : memref<32x125x80xi32, #tpu.memory_space<hbm>> -> memref<1x125x80xi32, #tpu.memory_space<hbm>>
      %dma_start3A_21 = tpu.memref_squeeze %dma_start3A_20 : memref<1x125x80xi32, #tpu.memory_space<hbm>> -> memref<125x80xi32, #tpu.memory_space<hbm>>
      %dma_start3A_22 = arith.constant 0 : i32
      %dma_start3A_23 = arith.constant 0 : i32
      %dma_start3A_24 = tpu.memref_slice %arg3[%add3A, %dma_start3A_22, %dma_start3A_23] : memref<32x125x80xi32, #tpu.memory_space<hbm>> -> memref<1x125x80xi32, #tpu.memory_space<hbm>>
      %dma_start3A_25 = tpu.memref_squeeze %dma_start3A_24 : memref<1x125x80xi32, #tpu.memory_space<hbm>> -> memref<125x80xi32, #tpu.memory_space<hbm>>
      tpu.enqueue_dma source(%dma_start3A_25 : memref<125x80xi32, #tpu.memory_space<hbm>>) target(%arg7 : memref<125x80xi32, #tpu.memory_space<vmem>>) target_semaphore(%run_scoped3A : memref<!tpu.dma_semaphore, #tpu.memory_space<semaphore_mem>>)
      %dma_wait3A = arith.constant 0 : i32
      %dma_wait3A_26 = arith.constant 0 : i32
      %dma_wait3A_27 = tpu.memref_slice %arg3[%add3A, %dma_wait3A, %dma_wait3A_26] : memref<32x125x80xi32, #tpu.memory_space<hbm>> -> memref<1x125x80xi32, #tpu.memory_space<hbm>>
      %dma_wait3A_28 = tpu.memref_squeeze %dma_wait3A_27 : memref<1x125x80xi32, #tpu.memory_space<hbm>> -> memref<125x80xi32, #tpu.memory_space<hbm>>
      %dma_wait3A_29 = arith.constant 0 : i32
      %dma_wait3A_30 = arith.constant 0 : i32
      %dma_wait3A_31 = tpu.memref_slice %arg3[%add3A, %dma_wait3A_29, %dma_wait3A_30] : memref<32x125x80xi32, #tpu.memory_space<hbm>> -> memref<1x125x80xi32, #tpu.memory_space<hbm>>
      %dma_wait3A_32 = tpu.memref_squeeze %dma_wait3A_31 : memref<1x125x80xi32, #tpu.memory_space<hbm>> -> memref<125x80xi32, #tpu.memory_space<hbm>>
      tpu.wait_dma2 semaphore(%run_scoped3A : memref<!tpu.dma_semaphore, #tpu.memory_space<semaphore_mem>>) src(%dma_wait3A_32 : memref<125x80xi32, #tpu.memory_space<hbm>>) dst(%arg7 : memref<125x80xi32, #tpu.memory_space<vmem>>)
      tpu.yield
    }) : () -> ()
    "tpu.region"() ({
      %run_scoped3A = tpu.sem_alloc : memref<!tpu.dma_semaphore, #tpu.memory_space<semaphore_mem>>
      %dma_start3A = arith.constant 0 : i32
      %dma_start3A_19 = arith.constant 0 : i32
      %dma_start3A_20 = tpu.memref_slice %arg4[%add3A, %dma_start3A, %dma_start3A_19] : memref<32x125x80xi32, #tpu.memory_space<hbm>> -> memref<1x125x80xi32, #tpu.memory_space<hbm>>
      %dma_start3A_21 = tpu.memref_squeeze %dma_start3A_20 : memref<1x125x80xi32, #tpu.memory_space<hbm>> -> memref<125x80xi32, #tpu.memory_space<hbm>>
      %dma_start3A_22 = arith.constant 0 : i32
      %dma_start3A_23 = arith.constant 0 : i32
      %dma_start3A_24 = tpu.memref_slice %arg4[%add3A, %dma_start3A_22, %dma_start3A_23] : memref<32x125x80xi32, #tpu.memory_space<hbm>> -> memref<1x125x80xi32, #tpu.memory_space<hbm>>
      %dma_start3A_25 = tpu.memref_squeeze %dma_start3A_24 : memref<1x125x80xi32, #tpu.memory_space<hbm>> -> memref<125x80xi32, #tpu.memory_space<hbm>>
      tpu.enqueue_dma source(%dma_start3A_25 : memref<125x80xi32, #tpu.memory_space<hbm>>) target(%arg8 : memref<125x80xi32, #tpu.memory_space<vmem>>) target_semaphore(%run_scoped3A : memref<!tpu.dma_semaphore, #tpu.memory_space<semaphore_mem>>)
      %dma_wait3A = arith.constant 0 : i32
      %dma_wait3A_26 = arith.constant 0 : i32
      %dma_wait3A_27 = tpu.memref_slice %arg4[%add3A, %dma_wait3A, %dma_wait3A_26] : memref<32x125x80xi32, #tpu.memory_space<hbm>> -> memref<1x125x80xi32, #tpu.memory_space<hbm>>
      %dma_wait3A_28 = tpu.memref_squeeze %dma_wait3A_27 : memref<1x125x80xi32, #tpu.memory_space<hbm>> -> memref<125x80xi32, #tpu.memory_space<hbm>>
      %dma_wait3A_29 = arith.constant 0 : i32
      %dma_wait3A_30 = arith.constant 0 : i32
      %dma_wait3A_31 = tpu.memref_slice %arg4[%add3A, %dma_wait3A_29, %dma_wait3A_30] : memref<32x125x80xi32, #tpu.memory_space<hbm>> -> memref<1x125x80xi32, #tpu.memory_space<hbm>>
      %dma_wait3A_32 = tpu.memref_squeeze %dma_wait3A_31 : memref<1x125x80xi32, #tpu.memory_space<hbm>> -> memref<125x80xi32, #tpu.memory_space<hbm>>
      tpu.wait_dma2 semaphore(%run_scoped3A : memref<!tpu.dma_semaphore, #tpu.memory_space<semaphore_mem>>) src(%dma_wait3A_32 : memref<125x80xi32, #tpu.memory_space<hbm>>) dst(%arg8 : memref<125x80xi32, #tpu.memory_space<vmem>>)
      tpu.yield
    }) : () -> ()
    %barrier3A = arith.constant 0 : index
    tpu.barrier barrier_id(%barrier3A)
    %scan3A = arith.constant 0 : i32
    %scan3A_5 = arith.constant 0 : i32
    %scan3A_6 = arith.constant 125 : i32
    %scan3A_7 = arith.addi %scan3A_5, %scan3A_6 : i32
    %scan3A_8 = arith.constant 1 : i32
    scf.for %scan3A_19 = %scan3A_5 to %scan3A_7 step %scan3A_8  : i32 {
      %dma_start3A = arith.constant 0 : i32
      %dma_start3A_20 = tpu.memref_slice %arg7[%scan3A_19, %dma_start3A] : memref<125x80xi32, #tpu.memory_space<vmem>> -> memref<1x80xi32, #tpu.memory_space<vmem>>
      %dma_start3A_21 = tpu.memref_squeeze %dma_start3A_20 : memref<1x80xi32, #tpu.memory_space<vmem>> -> memref<80xi32, #tpu.memory_space<vmem>>
      %dma_start3A_22 = arith.constant 0 : i32
      %dma_start3A_23 = tpu.memref_slice %arg2[%dma_start3A_22] : memref<10000xf32, #tpu.memory_space<hbm>> -> memref<10000xf32, #tpu.memory_space<hbm>>
      tpu.enqueue_indirect_dma source(%dma_start3A_23 : memref<10000xf32, #tpu.memory_space<hbm>>) target(%arg9 : memref<80xf32, #tpu.memory_space<vmem>>) offsets(%dma_start3A_21 : memref<80xi32, #tpu.memory_space<vmem>>) semaphore(%arg12 : memref<!tpu.dma_semaphore, #tpu.memory_space<semaphore_mem>>)
      %dma_wait3A = arith.constant 0 : i32
      %dma_wait3A_24 = tpu.memref_slice %arg7[%scan3A_19, %dma_wait3A] : memref<125x80xi32, #tpu.memory_space<vmem>> -> memref<1x80xi32, #tpu.memory_space<vmem>>
      %dma_wait3A_25 = tpu.memref_squeeze %dma_wait3A_24 : memref<1x80xi32, #tpu.memory_space<vmem>> -> memref<80xi32, #tpu.memory_space<vmem>>
      %dma_wait3A_26 = arith.constant 0 : i32
      %dma_wait3A_27 = tpu.memref_slice %arg2[%dma_wait3A_26] : memref<10000xf32, #tpu.memory_space<hbm>> -> memref<10000xf32, #tpu.memory_space<hbm>>
      tpu.wait_indirect_dma semaphore(%arg12 : memref<!tpu.dma_semaphore, #tpu.memory_space<semaphore_mem>>) src(%dma_wait3A_27 : memref<10000xf32, #tpu.memory_space<hbm>>) dst(%arg9 : memref<80xf32, #tpu.memory_space<vmem>>)
      "tpu.region"() ({
        %run_scoped3A = tpu.sem_alloc : memref<!tpu.dma_semaphore, #tpu.memory_space<semaphore_mem>>
        %dma_start3A_28 = arith.constant 0 : i32
        %dma_start3A_29 = tpu.memref_slice %arg8[%scan3A_19, %dma_start3A_28] : memref<125x80xi32, #tpu.memory_space<vmem>> -> memref<1x80xi32, #tpu.memory_space<vmem>>
        %dma_start3A_30 = tpu.memref_squeeze %dma_start3A_29 : memref<1x80xi32, #tpu.memory_space<vmem>> -> memref<80xi32, #tpu.memory_space<vmem>>
        %dma_start3A_31 = arith.constant 0 : i32
        %dma_start3A_32 = tpu.memref_slice %arg11[%dma_start3A_31] : memref<10000xf32, #tpu.memory_space<vmem_shared>> -> memref<10000xf32, #tpu.memory_space<vmem_shared>>
        tpu.enqueue_indirect_dma source(%arg9 : memref<80xf32, #tpu.memory_space<vmem>>) target(%dma_start3A_32 : memref<10000xf32, #tpu.memory_space<vmem_shared>>) offsets(%dma_start3A_30 : memref<80xi32, #tpu.memory_space<vmem>>) semaphore(%run_scoped3A : memref<!tpu.dma_semaphore, #tpu.memory_space<semaphore_mem>>) {add = true}
        %dma_wait3A_33 = arith.constant 0 : i32
        %dma_wait3A_34 = tpu.memref_slice %arg8[%scan3A_19, %dma_wait3A_33] : memref<125x80xi32, #tpu.memory_space<vmem>> -> memref<1x80xi32, #tpu.memory_space<vmem>>
        %dma_wait3A_35 = tpu.memref_squeeze %dma_wait3A_34 : memref<1x80xi32, #tpu.memory_space<vmem>> -> memref<80xi32, #tpu.memory_space<vmem>>
        %dma_wait3A_36 = arith.constant 0 : i32
        %dma_wait3A_37 = tpu.memref_slice %arg11[%dma_wait3A_36] : memref<10000xf32, #tpu.memory_space<vmem_shared>> -> memref<10000xf32, #tpu.memory_space<vmem_shared>>
        tpu.wait_indirect_dma semaphore(%run_scoped3A : memref<!tpu.dma_semaphore, #tpu.memory_space<semaphore_mem>>) src(%arg9 : memref<80xf32, #tpu.memory_space<vmem>>) dst(%dma_wait3A_37 : memref<10000xf32, #tpu.memory_space<vmem_shared>>)
        tpu.yield
      }) : () -> ()
    }
    %scan3A_9 = arith.constant 125 : i32
    %barrier3A_10 = arith.constant 0 : index
    tpu.barrier barrier_id(%barrier3A_10)
    "tpu.region"() ({
      %run_scoped3A = tpu.sem_alloc : memref<!tpu.dma_semaphore, #tpu.memory_space<semaphore_mem>>
      %dma_start3A = tpu.memref_slice %arg11[%mul3A_2] : memref<10000xf32, #tpu.memory_space<vmem_shared>> -> memref<624xf32, #tpu.memory_space<vmem_shared>>
      %dma_start3A_19 = tpu.memref_slice %arg11[%mul3A_2] : memref<10000xf32, #tpu.memory_space<vmem_shared>> -> memref<624xf32, #tpu.memory_space<vmem_shared>>
      tpu.enqueue_dma source(%dma_start3A_19 : memref<624xf32, #tpu.memory_space<vmem_shared>>) target(%arg10 : memref<624xf32, #tpu.memory_space<vmem>>) target_semaphore(%run_scoped3A : memref<!tpu.dma_semaphore, #tpu.memory_space<semaphore_mem>>)
      %dma_wait3A = tpu.memref_slice %arg11[%mul3A_2] : memref<10000xf32, #tpu.memory_space<vmem_shared>> -> memref<624xf32, #tpu.memory_space<vmem_shared>>
      %dma_wait3A_20 = tpu.memref_slice %arg11[%mul3A_2] : memref<10000xf32, #tpu.memory_space<vmem_shared>> -> memref<624xf32, #tpu.memory_space<vmem_shared>>
      tpu.wait_dma2 semaphore(%run_scoped3A : memref<!tpu.dma_semaphore, #tpu.memory_space<semaphore_mem>>) src(%dma_wait3A_20 : memref<624xf32, #tpu.memory_space<vmem_shared>>) dst(%arg10 : memref<624xf32, #tpu.memory_space<vmem>>)
      tpu.yield
    }) : () -> ()
    %mul3A_11 = arith.constant 10000 : i32
    %mul3A_12 = arith.muli %arg0, %mul3A_11 : i32
    %add3A_13 = arith.addi %mul3A_12, %mul3A_2 : i32
    "tpu.region"() ({
      %run_scoped3A = tpu.sem_alloc : memref<!tpu.dma_semaphore, #tpu.memory_space<semaphore_mem>>
      %dma_start3A = tpu.memref_slice %arg6[%add3A_13] : memref<20000xf32, #tpu.memory_space<hbm>> -> memref<624xf32, #tpu.memory_space<hbm>>
      %dma_start3A_19 = tpu.memref_slice %arg6[%add3A_13] : memref<20000xf32, #tpu.memory_space<hbm>> -> memref<624xf32, #tpu.memory_space<hbm>>
      tpu.enqueue_dma source(%arg10 : memref<624xf32, #tpu.memory_space<vmem>>) target(%dma_start3A_19 : memref<624xf32, #tpu.memory_space<hbm>>) target_semaphore(%run_scoped3A : memref<!tpu.dma_semaphore, #tpu.memory_space<semaphore_mem>>)
      %dma_wait3A = tpu.memref_slice %arg6[%add3A_13] : memref<20000xf32, #tpu.memory_space<hbm>> -> memref<624xf32, #tpu.memory_space<hbm>>
      %dma_wait3A_20 = tpu.memref_slice %arg6[%add3A_13] : memref<20000xf32, #tpu.memory_space<hbm>> -> memref<624xf32, #tpu.memory_space<hbm>>
      tpu.wait_dma2 semaphore(%run_scoped3A : memref<!tpu.dma_semaphore, #tpu.memory_space<semaphore_mem>>) src(%arg10 : memref<624xf32, #tpu.memory_space<vmem>>) dst(%dma_wait3A_20 : memref<624xf32, #tpu.memory_space<hbm>>)
      tpu.yield
    }) : () -> ()
    %eq3A_14 = arith.constant 0 : i32
    %eq3A_15 = arith.cmpi eq, %arg1, %eq3A_14 : i32
    %convert_element_type3A_16 = arith.extui %eq3A_15 : i1 to i32
    %cond3A_17 = arith.constant 0 : i32
    %cond3A_18 = arith.cmpi ne, %convert_element_type3A_16, %cond3A_17 : i32
    scf.if %cond3A_18 {
      "tpu.region"() ({
        %run_scoped3A = tpu.sem_alloc : memref<!tpu.dma_semaphore, #tpu.memory_space<semaphore_mem>>
        %dma_start3A = arith.constant 0 : i32
        %dma_start3A_23 = tpu.memref_slice %arg10[%dma_start3A] : memref<624xf32, #tpu.memory_space<vmem>> -> memref<16xf32, #tpu.memory_space<vmem>>
        %dma_start3A_24 = arith.constant 9984 : i32
        %dma_start3A_25 = tpu.memref_slice %arg11[%dma_start3A_24] : memref<10000xf32, #tpu.memory_space<vmem_shared>> -> memref<16xf32, #tpu.memory_space<vmem_shared>>
        %dma_start3A_26 = arith.constant 0 : i32
        %dma_start3A_27 = tpu.memref_slice %arg10[%dma_start3A_26] : memref<624xf32, #tpu.memory_space<vmem>> -> memref<16xf32, #tpu.memory_space<vmem>>
        %dma_start3A_28 = arith.constant 9984 : i32
        %dma_start3A_29 = tpu.memref_slice %arg11[%dma_start3A_28] : memref<10000xf32, #tpu.memory_space<vmem_shared>> -> memref<16xf32, #tpu.memory_space<vmem_shared>>
        tpu.enqueue_dma source(%dma_start3A_29 : memref<16xf32, #tpu.memory_space<vmem_shared>>) target(%dma_start3A_27 : memref<16xf32, #tpu.memory_space<vmem>>) target_semaphore(%run_scoped3A : memref<!tpu.dma_semaphore, #tpu.memory_space<semaphore_mem>>)
        %dma_wait3A = arith.constant 0 : i32
        %dma_wait3A_30 = tpu.memref_slice %arg10[%dma_wait3A] : memref<624xf32, #tpu.memory_space<vmem>> -> memref<16xf32, #tpu.memory_space<vmem>>
        %dma_wait3A_31 = arith.constant 9984 : i32
        %dma_wait3A_32 = tpu.memref_slice %arg11[%dma_wait3A_31] : memref<10000xf32, #tpu.memory_space<vmem_shared>> -> memref<16xf32, #tpu.memory_space<vmem_shared>>
        %dma_wait3A_33 = arith.constant 0 : i32
        %dma_wait3A_34 = tpu.memref_slice %arg10[%dma_wait3A_33] : memref<624xf32, #tpu.memory_space<vmem>> -> memref<16xf32, #tpu.memory_space<vmem>>
        %dma_wait3A_35 = arith.constant 9984 : i32
        %dma_wait3A_36 = tpu.memref_slice %arg11[%dma_wait3A_35] : memref<10000xf32, #tpu.memory_space<vmem_shared>> -> memref<16xf32, #tpu.memory_space<vmem_shared>>
        tpu.wait_dma2 semaphore(%run_scoped3A : memref<!tpu.dma_semaphore, #tpu.memory_space<semaphore_mem>>) src(%dma_wait3A_36 : memref<16xf32, #tpu.memory_space<vmem_shared>>) dst(%dma_wait3A_34 : memref<16xf32, #tpu.memory_space<vmem>>)
        tpu.yield
      }) : () -> ()
      %mul3A_19 = arith.constant 10000 : i32
      %mul3A_20 = arith.muli %arg0, %mul3A_19 : i32
      %add3A_21 = arith.constant 9984 : i32
      %add3A_22 = arith.addi %mul3A_20, %add3A_21 : i32
      "tpu.region"() ({
        %run_scoped3A = tpu.sem_alloc : memref<!tpu.dma_semaphore, #tpu.memory_space<semaphore_mem>>
        %dma_start3A = arith.constant 0 : i32
        %dma_start3A_23 = tpu.memref_slice %arg10[%dma_start3A] : memref<624xf32, #tpu.memory_space<vmem>> -> memref<16xf32, #tpu.memory_space<vmem>>
        %dma_start3A_24 = tpu.memref_slice %arg6[%add3A_22] : memref<20000xf32, #tpu.memory_space<hbm>> -> memref<16xf32, #tpu.memory_space<hbm>>
        %dma_start3A_25 = tpu.memref_slice %arg6[%add3A_22] : memref<20000xf32, #tpu.memory_space<hbm>> -> memref<16xf32, #tpu.memory_space<hbm>>
        %dma_start3A_26 = arith.constant 0 : i32
        %dma_start3A_27 = tpu.memref_slice %arg10[%dma_start3A_26] : memref<624xf32, #tpu.memory_space<vmem>> -> memref<16xf32, #tpu.memory_space<vmem>>
        tpu.enqueue_dma source(%dma_start3A_27 : memref<16xf32, #tpu.memory_space<vmem>>) target(%dma_start3A_25 : memref<16xf32, #tpu.memory_space<hbm>>) target_semaphore(%run_scoped3A : memref<!tpu.dma_semaphore, #tpu.memory_space<semaphore_mem>>)
        %dma_wait3A = arith.constant 0 : i32
        %dma_wait3A_28 = tpu.memref_slice %arg10[%dma_wait3A] : memref<624xf32, #tpu.memory_space<vmem>> -> memref<16xf32, #tpu.memory_space<vmem>>
        %dma_wait3A_29 = tpu.memref_slice %arg6[%add3A_22] : memref<20000xf32, #tpu.memory_space<hbm>> -> memref<16xf32, #tpu.memory_space<hbm>>
        %dma_wait3A_30 = tpu.memref_slice %arg6[%add3A_22] : memref<20000xf32, #tpu.memory_space<hbm>> -> memref<16xf32, #tpu.memory_space<hbm>>
        %dma_wait3A_31 = arith.constant 0 : i32
        %dma_wait3A_32 = tpu.memref_slice %arg10[%dma_wait3A_31] : memref<624xf32, #tpu.memory_space<vmem>> -> memref<16xf32, #tpu.memory_space<vmem>>
        tpu.wait_dma2 semaphore(%run_scoped3A : memref<!tpu.dma_semaphore, #tpu.memory_space<semaphore_mem>>) src(%dma_wait3A_32 : memref<16xf32, #tpu.memory_space<vmem>>) dst(%dma_wait3A_30 : memref<16xf32, #tpu.memory_space<hbm>>)
        tpu.yield
      }) : () -> ()
    } else {
    }
    return
  }
}

#map = affine_map<(d0, d1) -> (0, 0)>
#map1 = affine_map<(d0, d1) -> (0, 0, 0)>
module attributes {stable_mosaic.version = 14 : i64} {
  func.func @k(%arg0: i32, %arg1: i32, %arg2: memref<10000x32xf32, #tpu.memory_space<hbm>>, %arg3: memref<32x125x80xi32, #tpu.memory_space<hbm>>, %arg4: memref<32x125x80xi32, #tpu.memory_space<hbm>>, %arg5: memref<10000x32xf32, #tpu.memory_space<hbm>>, %arg6: memref<20000x32xf32, #tpu.memory_space<hbm>>, %arg7: memref<125x80xi32, #tpu.memory_space<vmem>>, %arg8: memref<125x80xi32, #tpu.memory_space<vmem>>, %arg9: memref<80x32xf32, #tpu.memory_space<vmem>>, %arg10: memref<624x32xf32, #tpu.memory_space<vmem>>, %arg11: memref<10000x32xf32, #tpu.memory_space<vmem_shared>>, %arg12: memref<!tpu.dma_semaphore, #tpu.memory_space<semaphore_mem>>) attributes {dimension_semantics = [#tpu.dimension_semantics<core_parallel>, #tpu.dimension_semantics<subcore_parallel>], iteration_bounds = array<i64: 2, 16>, scalar_prefetch = 0 : i64, scratch_operands = 6 : i64, tpu.core_type = #tpu.core_type<sc_vector_subcore>, window_params = [{transform_indices = #map}, {transform_indices = #map1}, {transform_indices = #map1}, {transform_indices = #map}, {transform_indices = #map}]} {
    %mul3A = arith.constant 16 : i32
    %mul3A_0 = arith.muli %arg0, %mul3A : i32
    %add3A = arith.addi %mul3A_0, %arg1 : i32
    %mul3A_1 = arith.constant 624 : i32
    %mul3A_2 = arith.muli %arg1, %mul3A_1 : i32
    "tpu.region"() ({
      %run_scoped3A = tpu.sem_alloc : memref<!tpu.dma_semaphore, #tpu.memory_space<semaphore_mem>>
      %dma_start3A = arith.constant 0 : i32
      %dma_start3A_19 = tpu.memref_slice %arg5[%mul3A_2, %dma_start3A] : memref<10000x32xf32, #tpu.memory_space<hbm>> -> memref<624x32xf32, #tpu.memory_space<hbm>>
      %dma_start3A_20 = arith.constant 0 : i32
      %dma_start3A_21 = tpu.memref_slice %arg5[%mul3A_2, %dma_start3A_20] : memref<10000x32xf32, #tpu.memory_space<hbm>> -> memref<624x32xf32, #tpu.memory_space<hbm>>
      tpu.enqueue_dma source(%dma_start3A_21 : memref<624x32xf32, #tpu.memory_space<hbm>>) target(%arg10 : memref<624x32xf32, #tpu.memory_space<vmem>>) target_semaphore(%run_scoped3A : memref<!tpu.dma_semaphore, #tpu.memory_space<semaphore_mem>>)
      %dma_wait3A = arith.constant 0 : i32
      %dma_wait3A_22 = tpu.memref_slice %arg5[%mul3A_2, %dma_wait3A] : memref<10000x32xf32, #tpu.memory_space<hbm>> -> memref<624x32xf32, #tpu.memory_space<hbm>>
      %dma_wait3A_23 = arith.constant 0 : i32
      %dma_wait3A_24 = tpu.memref_slice %arg5[%mul3A_2, %dma_wait3A_23] : memref<10000x32xf32, #tpu.memory_space<hbm>> -> memref<624x32xf32, #tpu.memory_space<hbm>>
      tpu.wait_dma2 semaphore(%run_scoped3A : memref<!tpu.dma_semaphore, #tpu.memory_space<semaphore_mem>>) src(%dma_wait3A_24 : memref<624x32xf32, #tpu.memory_space<hbm>>) dst(%arg10 : memref<624x32xf32, #tpu.memory_space<vmem>>)
      tpu.yield
    }) : () -> ()
    "tpu.region"() ({
      %run_scoped3A = tpu.sem_alloc : memref<!tpu.dma_semaphore, #tpu.memory_space<semaphore_mem>>
      %dma_start3A = arith.constant 0 : i32
      %dma_start3A_19 = tpu.memref_slice %arg11[%mul3A_2, %dma_start3A] : memref<10000x32xf32, #tpu.memory_space<vmem_shared>> -> memref<624x32xf32, #tpu.memory_space<vmem_shared>>
      %dma_start3A_20 = arith.constant 0 : i32
      %dma_start3A_21 = tpu.memref_slice %arg11[%mul3A_2, %dma_start3A_20] : memref<10000x32xf32, #tpu.memory_space<vmem_shared>> -> memref<624x32xf32, #tpu.memory_space<vmem_shared>>
      tpu.enqueue_dma source(%arg10 : memref<624x32xf32, #tpu.memory_space<vmem>>) target(%dma_start3A_21 : memref<624x32xf32, #tpu.memory_space<vmem_shared>>) target_semaphore(%run_scoped3A : memref<!tpu.dma_semaphore, #tpu.memory_space<semaphore_mem>>)
      %dma_wait3A = arith.constant 0 : i32
      %dma_wait3A_22 = tpu.memref_slice %arg11[%mul3A_2, %dma_wait3A] : memref<10000x32xf32, #tpu.memory_space<vmem_shared>> -> memref<624x32xf32, #tpu.memory_space<vmem_shared>>
      %dma_wait3A_23 = arith.constant 0 : i32
      %dma_wait3A_24 = tpu.memref_slice %arg11[%mul3A_2, %dma_wait3A_23] : memref<10000x32xf32, #tpu.memory_space<vmem_shared>> -> memref<624x32xf32, #tpu.memory_space<vmem_shared>>
      tpu.wait_dma2 semaphore(%run_scoped3A : memref<!tpu.dma_semaphore, #tpu.memory_space<semaphore_mem>>) src(%arg10 : memref<624x32xf32, #tpu.memory_space<vmem>>) dst(%dma_wait3A_24 : memref<624x32xf32, #tpu.memory_space<vmem_shared>>)
      tpu.yield
    }) : () -> ()
    %eq3A = arith.constant 0 : i32
    %eq3A_3 = arith.cmpi eq, %arg1, %eq3A : i32
    %convert_element_type3A = arith.extui %eq3A_3 : i1 to i32
    %cond3A = arith.constant 0 : i32
    %cond3A_4 = arith.cmpi ne, %convert_element_type3A, %cond3A : i32
    scf.if %cond3A_4 {
      "tpu.region"() ({
        %run_scoped3A = tpu.sem_alloc : memref<!tpu.dma_semaphore, #tpu.memory_space<semaphore_mem>>
        %dma_start3A = arith.constant 0 : i32
        %dma_start3A_19 = arith.constant 0 : i32
        %dma_start3A_20 = tpu.memref_slice %arg10[%dma_start3A, %dma_start3A_19] : memref<624x32xf32, #tpu.memory_space<vmem>> -> memref<16x32xf32, #tpu.memory_space<vmem>>
        %dma_start3A_21 = arith.constant 9984 : i32
        %dma_start3A_22 = arith.constant 0 : i32
        %dma_start3A_23 = tpu.memref_slice %arg11[%dma_start3A_21, %dma_start3A_22] : memref<10000x32xf32, #tpu.memory_space<vmem_shared>> -> memref<16x32xf32, #tpu.memory_space<vmem_shared>>
        %dma_start3A_24 = arith.constant 9984 : i32
        %dma_start3A_25 = arith.constant 0 : i32
        %dma_start3A_26 = tpu.memref_slice %arg11[%dma_start3A_24, %dma_start3A_25] : memref<10000x32xf32, #tpu.memory_space<vmem_shared>> -> memref<16x32xf32, #tpu.memory_space<vmem_shared>>
        %dma_start3A_27 = arith.constant 0 : i32
        %dma_start3A_28 = arith.constant 0 : i32
        %dma_start3A_29 = tpu.memref_slice %arg10[%dma_start3A_27, %dma_start3A_28] : memref<624x32xf32, #tpu.memory_space<vmem>> -> memref<16x32xf32, #tpu.memory_space<vmem>>
        tpu.enqueue_dma source(%dma_start3A_29 : memref<16x32xf32, #tpu.memory_space<vmem>>) target(%dma_start3A_26 : memref<16x32xf32, #tpu.memory_space<vmem_shared>>) target_semaphore(%run_scoped3A : memref<!tpu.dma_semaphore, #tpu.memory_space<semaphore_mem>>)
        %dma_wait3A = arith.constant 0 : i32
        %dma_wait3A_30 = arith.constant 0 : i32
        %dma_wait3A_31 = tpu.memref_slice %arg10[%dma_wait3A, %dma_wait3A_30] : memref<624x32xf32, #tpu.memory_space<vmem>> -> memref<16x32xf32, #tpu.memory_space<vmem>>
        %dma_wait3A_32 = arith.constant 9984 : i32
        %dma_wait3A_33 = arith.constant 0 : i32
        %dma_wait3A_34 = tpu.memref_slice %arg11[%dma_wait3A_32, %dma_wait3A_33] : memref<10000x32xf32, #tpu.memory_space<vmem_shared>> -> memref<16x32xf32, #tpu.memory_space<vmem_shared>>
        %dma_wait3A_35 = arith.constant 9984 : i32
        %dma_wait3A_36 = arith.constant 0 : i32
        %dma_wait3A_37 = tpu.memref_slice %arg11[%dma_wait3A_35, %dma_wait3A_36] : memref<10000x32xf32, #tpu.memory_space<vmem_shared>> -> memref<16x32xf32, #tpu.memory_space<vmem_shared>>
        %dma_wait3A_38 = arith.constant 0 : i32
        %dma_wait3A_39 = arith.constant 0 : i32
        %dma_wait3A_40 = tpu.memref_slice %arg10[%dma_wait3A_38, %dma_wait3A_39] : memref<624x32xf32, #tpu.memory_space<vmem>> -> memref<16x32xf32, #tpu.memory_space<vmem>>
        tpu.wait_dma2 semaphore(%run_scoped3A : memref<!tpu.dma_semaphore, #tpu.memory_space<semaphore_mem>>) src(%dma_wait3A_40 : memref<16x32xf32, #tpu.memory_space<vmem>>) dst(%dma_wait3A_37 : memref<16x32xf32, #tpu.memory_space<vmem_shared>>)
        tpu.yield
      }) : () -> ()
    } else {
    }
    "tpu.region"() ({
      %run_scoped3A = tpu.sem_alloc : memref<!tpu.dma_semaphore, #tpu.memory_space<semaphore_mem>>
      %dma_start3A = arith.constant 0 : i32
      %dma_start3A_19 = arith.constant 0 : i32
      %dma_start3A_20 = tpu.memref_slice %arg3[%add3A, %dma_start3A, %dma_start3A_19] : memref<32x125x80xi32, #tpu.memory_space<hbm>> -> memref<1x125x80xi32, #tpu.memory_space<hbm>>
      %dma_start3A_21 = tpu.memref_squeeze %dma_start3A_20 : memref<1x125x80xi32, #tpu.memory_space<hbm>> -> memref<125x80xi32, #tpu.memory_space<hbm>>
      %dma_start3A_22 = arith.constant 0 : i32
      %dma_start3A_23 = arith.constant 0 : i32
      %dma_start3A_24 = tpu.memref_slice %arg3[%add3A, %dma_start3A_22, %dma_start3A_23] : memref<32x125x80xi32, #tpu.memory_space<hbm>> -> memref<1x125x80xi32, #tpu.memory_space<hbm>>
      %dma_start3A_25 = tpu.memref_squeeze %dma_start3A_24 : memref<1x125x80xi32, #tpu.memory_space<hbm>> -> memref<125x80xi32, #tpu.memory_space<hbm>>
      tpu.enqueue_dma source(%dma_start3A_25 : memref<125x80xi32, #tpu.memory_space<hbm>>) target(%arg7 : memref<125x80xi32, #tpu.memory_space<vmem>>) target_semaphore(%run_scoped3A : memref<!tpu.dma_semaphore, #tpu.memory_space<semaphore_mem>>)
      %dma_wait3A = arith.constant 0 : i32
      %dma_wait3A_26 = arith.constant 0 : i32
      %dma_wait3A_27 = tpu.memref_slice %arg3[%add3A, %dma_wait3A, %dma_wait3A_26] : memref<32x125x80xi32, #tpu.memory_space<hbm>> -> memref<1x125x80xi32, #tpu.memory_space<hbm>>
      %dma_wait3A_28 = tpu.memref_squeeze %dma_wait3A_27 : memref<1x125x80xi32, #tpu.memory_space<hbm>> -> memref<125x80xi32, #tpu.memory_space<hbm>>
      %dma_wait3A_29 = arith.constant 0 : i32
      %dma_wait3A_30 = arith.constant 0 : i32
      %dma_wait3A_31 = tpu.memref_slice %arg3[%add3A, %dma_wait3A_29, %dma_wait3A_30] : memref<32x125x80xi32, #tpu.memory_space<hbm>> -> memref<1x125x80xi32, #tpu.memory_space<hbm>>
      %dma_wait3A_32 = tpu.memref_squeeze %dma_wait3A_31 : memref<1x125x80xi32, #tpu.memory_space<hbm>> -> memref<125x80xi32, #tpu.memory_space<hbm>>
      tpu.wait_dma2 semaphore(%run_scoped3A : memref<!tpu.dma_semaphore, #tpu.memory_space<semaphore_mem>>) src(%dma_wait3A_32 : memref<125x80xi32, #tpu.memory_space<hbm>>) dst(%arg7 : memref<125x80xi32, #tpu.memory_space<vmem>>)
      tpu.yield
    }) : () -> ()
    "tpu.region"() ({
      %run_scoped3A = tpu.sem_alloc : memref<!tpu.dma_semaphore, #tpu.memory_space<semaphore_mem>>
      %dma_start3A = arith.constant 0 : i32
      %dma_start3A_19 = arith.constant 0 : i32
      %dma_start3A_20 = tpu.memref_slice %arg4[%add3A, %dma_start3A, %dma_start3A_19] : memref<32x125x80xi32, #tpu.memory_space<hbm>> -> memref<1x125x80xi32, #tpu.memory_space<hbm>>
      %dma_start3A_21 = tpu.memref_squeeze %dma_start3A_20 : memref<1x125x80xi32, #tpu.memory_space<hbm>> -> memref<125x80xi32, #tpu.memory_space<hbm>>
      %dma_start3A_22 = arith.constant 0 : i32
      %dma_start3A_23 = arith.constant 0 : i32
      %dma_start3A_24 = tpu.memref_slice %arg4[%add3A, %dma_start3A_22, %dma_start3A_23] : memref<32x125x80xi32, #tpu.memory_space<hbm>> -> memref<1x125x80xi32, #tpu.memory_space<hbm>>
      %dma_start3A_25 = tpu.memref_squeeze %dma_start3A_24 : memref<1x125x80xi32, #tpu.memory_space<hbm>> -> memref<125x80xi32, #tpu.memory_space<hbm>>
      tpu.enqueue_dma source(%dma_start3A_25 : memref<125x80xi32, #tpu.memory_space<hbm>>) target(%arg8 : memref<125x80xi32, #tpu.memory_space<vmem>>) target_semaphore(%run_scoped3A : memref<!tpu.dma_semaphore, #tpu.memory_space<semaphore_mem>>)
      %dma_wait3A = arith.constant 0 : i32
      %dma_wait3A_26 = arith.constant 0 : i32
      %dma_wait3A_27 = tpu.memref_slice %arg4[%add3A, %dma_wait3A, %dma_wait3A_26] : memref<32x125x80xi32, #tpu.memory_space<hbm>> -> memref<1x125x80xi32, #tpu.memory_space<hbm>>
      %dma_wait3A_28 = tpu.memref_squeeze %dma_wait3A_27 : memref<1x125x80xi32, #tpu.memory_space<hbm>> -> memref<125x80xi32, #tpu.memory_space<hbm>>
      %dma_wait3A_29 = arith.constant 0 : i32
      %dma_wait3A_30 = arith.constant 0 : i32
      %dma_wait3A_31 = tpu.memref_slice %arg4[%add3A, %dma_wait3A_29, %dma_wait3A_30] : memref<32x125x80xi32, #tpu.memory_space<hbm>> -> memref<1x125x80xi32, #tpu.memory_space<hbm>>
      %dma_wait3A_32 = tpu.memref_squeeze %dma_wait3A_31 : memref<1x125x80xi32, #tpu.memory_space<hbm>> -> memref<125x80xi32, #tpu.memory_space<hbm>>
      tpu.wait_dma2 semaphore(%run_scoped3A : memref<!tpu.dma_semaphore, #tpu.memory_space<semaphore_mem>>) src(%dma_wait3A_32 : memref<125x80xi32, #tpu.memory_space<hbm>>) dst(%arg8 : memref<125x80xi32, #tpu.memory_space<vmem>>)
      tpu.yield
    }) : () -> ()
    %barrier3A = arith.constant 0 : index
    tpu.barrier barrier_id(%barrier3A)
    %scan3A = arith.constant 0 : i32
    %scan3A_5 = arith.constant 0 : i32
    %scan3A_6 = arith.constant 125 : i32
    %scan3A_7 = arith.addi %scan3A_5, %scan3A_6 : i32
    %scan3A_8 = arith.constant 1 : i32
    scf.for %scan3A_19 = %scan3A_5 to %scan3A_7 step %scan3A_8  : i32 {
      %dma_start3A = arith.constant 0 : i32
      %dma_start3A_20 = tpu.memref_slice %arg7[%scan3A_19, %dma_start3A] : memref<125x80xi32, #tpu.memory_space<vmem>> -> memref<1x80xi32, #tpu.memory_space<vmem>>
      %dma_start3A_21 = tpu.memref_squeeze %dma_start3A_20 : memref<1x80xi32, #tpu.memory_space<vmem>> -> memref<80xi32, #tpu.memory_space<vmem>>
      %dma_start3A_22 = arith.constant 0 : i32
      %dma_start3A_23 = arith.constant 0 : i32
      %dma_start3A_24 = tpu.memref_slice %arg2[%dma_start3A_22, %dma_start3A_23] : memref<10000x32xf32, #tpu.memory_space<hbm>> -> memref<10000x32xf32, #tpu.memory_space<hbm>>
      tpu.enqueue_indirect_dma source(%dma_start3A_24 : memref<10000x32xf32, #tpu.memory_space<hbm>>) target(%arg9 : memref<80x32xf32, #tpu.memory_space<vmem>>) offsets(%dma_start3A_21 : memref<80xi32, #tpu.memory_space<vmem>>) semaphore(%arg12 : memref<!tpu.dma_semaphore, #tpu.memory_space<semaphore_mem>>)
      %dma_wait3A = arith.constant 0 : i32
      %dma_wait3A_25 = tpu.memref_slice %arg7[%scan3A_19, %dma_wait3A] : memref<125x80xi32, #tpu.memory_space<vmem>> -> memref<1x80xi32, #tpu.memory_space<vmem>>
      %dma_wait3A_26 = tpu.memref_squeeze %dma_wait3A_25 : memref<1x80xi32, #tpu.memory_space<vmem>> -> memref<80xi32, #tpu.memory_space<vmem>>
      %dma_wait3A_27 = arith.constant 0 : i32
      %dma_wait3A_28 = arith.constant 0 : i32
      %dma_wait3A_29 = tpu.memref_slice %arg2[%dma_wait3A_27, %dma_wait3A_28] : memref<10000x32xf32, #tpu.memory_space<hbm>> -> memref<10000x32xf32, #tpu.memory_space<hbm>>
      tpu.wait_indirect_dma semaphore(%arg12 : memref<!tpu.dma_semaphore, #tpu.memory_space<semaphore_mem>>) src(%dma_wait3A_29 : memref<10000x32xf32, #tpu.memory_space<hbm>>) dst(%arg9 : memref<80x32xf32, #tpu.memory_space<vmem>>)
      "tpu.region"() ({
        %run_scoped3A = tpu.sem_alloc : memref<!tpu.dma_semaphore, #tpu.memory_space<semaphore_mem>>
        %dma_start3A_30 = arith.constant 0 : i32
        %dma_start3A_31 = tpu.memref_slice %arg8[%scan3A_19, %dma_start3A_30] : memref<125x80xi32, #tpu.memory_space<vmem>> -> memref<1x80xi32, #tpu.memory_space<vmem>>
        %dma_start3A_32 = tpu.memref_squeeze %dma_start3A_31 : memref<1x80xi32, #tpu.memory_space<vmem>> -> memref<80xi32, #tpu.memory_space<vmem>>
        %dma_start3A_33 = arith.constant 0 : i32
        %dma_start3A_34 = arith.constant 0 : i32
        %dma_start3A_35 = tpu.memref_slice %arg11[%dma_start3A_33, %dma_start3A_34] : memref<10000x32xf32, #tpu.memory_space<vmem_shared>> -> memref<10000x32xf32, #tpu.memory_space<vmem_shared>>
        tpu.enqueue_indirect_dma source(%arg9 : memref<80x32xf32, #tpu.memory_space<vmem>>) target(%dma_start3A_35 : memref<10000x32xf32, #tpu.memory_space<vmem_shared>>) offsets(%dma_start3A_32 : memref<80xi32, #tpu.memory_space<vmem>>) semaphore(%run_scoped3A : memref<!tpu.dma_semaphore, #tpu.memory_space<semaphore_mem>>) {add = true}
        %dma_wait3A_36 = arith.constant 0 : i32
        %dma_wait3A_37 = tpu.memref_slice %arg8[%scan3A_19, %dma_wait3A_36] : memref<125x80xi32, #tpu.memory_space<vmem>> -> memref<1x80xi32, #tpu.memory_space<vmem>>
        %dma_wait3A_38 = tpu.memref_squeeze %dma_wait3A_37 : memref<1x80xi32, #tpu.memory_space<vmem>> -> memref<80xi32, #tpu.memory_space<vmem>>
        %dma_wait3A_39 = arith.constant 0 : i32
        %dma_wait3A_40 = arith.constant 0 : i32
        %dma_wait3A_41 = tpu.memref_slice %arg11[%dma_wait3A_39, %dma_wait3A_40] : memref<10000x32xf32, #tpu.memory_space<vmem_shared>> -> memref<10000x32xf32, #tpu.memory_space<vmem_shared>>
        tpu.wait_indirect_dma semaphore(%run_scoped3A : memref<!tpu.dma_semaphore, #tpu.memory_space<semaphore_mem>>) src(%arg9 : memref<80x32xf32, #tpu.memory_space<vmem>>) dst(%dma_wait3A_41 : memref<10000x32xf32, #tpu.memory_space<vmem_shared>>)
        tpu.yield
      }) : () -> ()
    }
    %scan3A_9 = arith.constant 125 : i32
    %barrier3A_10 = arith.constant 0 : index
    tpu.barrier barrier_id(%barrier3A_10)
    %mul3A_11 = arith.constant 10000 : i32
    %mul3A_12 = arith.muli %arg0, %mul3A_11 : i32
    %add3A_13 = arith.addi %mul3A_12, %mul3A_2 : i32
    "tpu.region"() ({
      %run_scoped3A = tpu.sem_alloc : memref<!tpu.dma_semaphore, #tpu.memory_space<semaphore_mem>>
      %dma_start3A = arith.constant 0 : i32
      %dma_start3A_19 = tpu.memref_slice %arg11[%mul3A_2, %dma_start3A] : memref<10000x32xf32, #tpu.memory_space<vmem_shared>> -> memref<624x32xf32, #tpu.memory_space<vmem_shared>>
      %dma_start3A_20 = arith.constant 0 : i32
      %dma_start3A_21 = tpu.memref_slice %arg11[%mul3A_2, %dma_start3A_20] : memref<10000x32xf32, #tpu.memory_space<vmem_shared>> -> memref<624x32xf32, #tpu.memory_space<vmem_shared>>
      tpu.enqueue_dma source(%dma_start3A_21 : memref<624x32xf32, #tpu.memory_space<vmem_shared>>) target(%arg10 : memref<624x32xf32, #tpu.memory_space<vmem>>) target_semaphore(%run_scoped3A : memref<!tpu.dma_semaphore, #tpu.memory_space<semaphore_mem>>)
      %dma_wait3A = arith.constant 0 : i32
      %dma_wait3A_22 = tpu.memref_slice %arg11[%mul3A_2, %dma_wait3A] : memref<10000x32xf32, #tpu.memory_space<vmem_shared>> -> memref<624x32xf32, #tpu.memory_space<vmem_shared>>
      %dma_wait3A_23 = arith.constant 0 : i32
      %dma_wait3A_24 = tpu.memref_slice %arg11[%mul3A_2, %dma_wait3A_23] : memref<10000x32xf32, #tpu.memory_space<vmem_shared>> -> memref<624x32xf32, #tpu.memory_space<vmem_shared>>
      tpu.wait_dma2 semaphore(%run_scoped3A : memref<!tpu.dma_semaphore, #tpu.memory_space<semaphore_mem>>) src(%dma_wait3A_24 : memref<624x32xf32, #tpu.memory_space<vmem_shared>>) dst(%arg10 : memref<624x32xf32, #tpu.memory_space<vmem>>)
      tpu.yield
    }) : () -> ()
    "tpu.region"() ({
      %run_scoped3A = tpu.sem_alloc : memref<!tpu.dma_semaphore, #tpu.memory_space<semaphore_mem>>
      %dma_start3A = arith.constant 0 : i32
      %dma_start3A_19 = tpu.memref_slice %arg6[%add3A_13, %dma_start3A] : memref<20000x32xf32, #tpu.memory_space<hbm>> -> memref<624x32xf32, #tpu.memory_space<hbm>>
      %dma_start3A_20 = arith.constant 0 : i32
      %dma_start3A_21 = tpu.memref_slice %arg6[%add3A_13, %dma_start3A_20] : memref<20000x32xf32, #tpu.memory_space<hbm>> -> memref<624x32xf32, #tpu.memory_space<hbm>>
      tpu.enqueue_dma source(%arg10 : memref<624x32xf32, #tpu.memory_space<vmem>>) target(%dma_start3A_21 : memref<624x32xf32, #tpu.memory_space<hbm>>) target_semaphore(%run_scoped3A : memref<!tpu.dma_semaphore, #tpu.memory_space<semaphore_mem>>)
      %dma_wait3A = arith.constant 0 : i32
      %dma_wait3A_22 = tpu.memref_slice %arg6[%add3A_13, %dma_wait3A] : memref<20000x32xf32, #tpu.memory_space<hbm>> -> memref<624x32xf32, #tpu.memory_space<hbm>>
      %dma_wait3A_23 = arith.constant 0 : i32
      %dma_wait3A_24 = tpu.memref_slice %arg6[%add3A_13, %dma_wait3A_23] : memref<20000x32xf32, #tpu.memory_space<hbm>> -> memref<624x32xf32, #tpu.memory_space<hbm>>
      tpu.wait_dma2 semaphore(%run_scoped3A : memref<!tpu.dma_semaphore, #tpu.memory_space<semaphore_mem>>) src(%arg10 : memref<624x32xf32, #tpu.memory_space<vmem>>) dst(%dma_wait3A_24 : memref<624x32xf32, #tpu.memory_space<hbm>>)
      tpu.yield
    }) : () -> ()
    %eq3A_14 = arith.constant 0 : i32
    %eq3A_15 = arith.cmpi eq, %arg1, %eq3A_14 : i32
    %convert_element_type3A_16 = arith.extui %eq3A_15 : i1 to i32
    %cond3A_17 = arith.constant 0 : i32
    %cond3A_18 = arith.cmpi ne, %convert_element_type3A_16, %cond3A_17 : i32
    scf.if %cond3A_18 {
      "tpu.region"() ({
        %run_scoped3A = tpu.sem_alloc : memref<!tpu.dma_semaphore, #tpu.memory_space<semaphore_mem>>
        %dma_start3A = arith.constant 0 : i32
        %dma_start3A_23 = arith.constant 0 : i32
        %dma_start3A_24 = tpu.memref_slice %arg10[%dma_start3A, %dma_start3A_23] : memref<624x32xf32, #tpu.memory_space<vmem>> -> memref<16x32xf32, #tpu.memory_space<vmem>>
        %dma_start3A_25 = arith.constant 9984 : i32
        %dma_start3A_26 = arith.constant 0 : i32
        %dma_start3A_27 = tpu.memref_slice %arg11[%dma_start3A_25, %dma_start3A_26] : memref<10000x32xf32, #tpu.memory_space<vmem_shared>> -> memref<16x32xf32, #tpu.memory_space<vmem_shared>>
        %dma_start3A_28 = arith.constant 0 : i32
        %dma_start3A_29 = arith.constant 0 : i32
        %dma_start3A_30 = tpu.memref_slice %arg10[%dma_start3A_28, %dma_start3A_29] : memref<624x32xf32, #tpu.memory_space<vmem>> -> memref<16x32xf32, #tpu.memory_space<vmem>>
        %dma_start3A_31 = arith.constant 9984 : i32
        %dma_start3A_32 = arith.constant 0 : i32
        %dma_start3A_33 = tpu.memref_slice %arg11[%dma_start3A_31, %dma_start3A_32] : memref<10000x32xf32, #tpu.memory_space<vmem_shared>> -> memref<16x32xf32, #tpu.memory_space<vmem_shared>>
        tpu.enqueue_dma source(%dma_start3A_33 : memref<16x32xf32, #tpu.memory_space<vmem_shared>>) target(%dma_start3A_30 : memref<16x32xf32, #tpu.memory_space<vmem>>) target_semaphore(%run_scoped3A : memref<!tpu.dma_semaphore, #tpu.memory_space<semaphore_mem>>)
        %dma_wait3A = arith.constant 0 : i32
        %dma_wait3A_34 = arith.constant 0 : i32
        %dma_wait3A_35 = tpu.memref_slice %arg10[%dma_wait3A, %dma_wait3A_34] : memref<624x32xf32, #tpu.memory_space<vmem>> -> memref<16x32xf32, #tpu.memory_space<vmem>>
        %dma_wait3A_36 = arith.constant 9984 : i32
        %dma_wait3A_37 = arith.constant 0 : i32
        %dma_wait3A_38 = tpu.memref_slice %arg11[%dma_wait3A_36, %dma_wait3A_37] : memref<10000x32xf32, #tpu.memory_space<vmem_shared>> -> memref<16x32xf32, #tpu.memory_space<vmem_shared>>
        %dma_wait3A_39 = arith.constant 0 : i32
        %dma_wait3A_40 = arith.constant 0 : i32
        %dma_wait3A_41 = tpu.memref_slice %arg10[%dma_wait3A_39, %dma_wait3A_40] : memref<624x32xf32, #tpu.memory_space<vmem>> -> memref<16x32xf32, #tpu.memory_space<vmem>>
        %dma_wait3A_42 = arith.constant 9984 : i32
        %dma_wait3A_43 = arith.constant 0 : i32
        %dma_wait3A_44 = tpu.memref_slice %arg11[%dma_wait3A_42, %dma_wait3A_43] : memref<10000x32xf32, #tpu.memory_space<vmem_shared>> -> memref<16x32xf32, #tpu.memory_space<vmem_shared>>
        tpu.wait_dma2 semaphore(%run_scoped3A : memref<!tpu.dma_semaphore, #tpu.memory_space<semaphore_mem>>) src(%dma_wait3A_44 : memref<16x32xf32, #tpu.memory_space<vmem_shared>>) dst(%dma_wait3A_41 : memref<16x32xf32, #tpu.memory_space<vmem>>)
        tpu.yield
      }) : () -> ()
      %mul3A_19 = arith.constant 10000 : i32
      %mul3A_20 = arith.muli %arg0, %mul3A_19 : i32
      %add3A_21 = arith.constant 9984 : i32
      %add3A_22 = arith.addi %mul3A_20, %add3A_21 : i32
      "tpu.region"() ({
        %run_scoped3A = tpu.sem_alloc : memref<!tpu.dma_semaphore, #tpu.memory_space<semaphore_mem>>
        %dma_start3A = arith.constant 0 : i32
        %dma_start3A_23 = arith.constant 0 : i32
        %dma_start3A_24 = tpu.memref_slice %arg10[%dma_start3A, %dma_start3A_23] : memref<624x32xf32, #tpu.memory_space<vmem>> -> memref<16x32xf32, #tpu.memory_space<vmem>>
        %dma_start3A_25 = arith.constant 0 : i32
        %dma_start3A_26 = tpu.memref_slice %arg6[%add3A_22, %dma_start3A_25] : memref<20000x32xf32, #tpu.memory_space<hbm>> -> memref<16x32xf32, #tpu.memory_space<hbm>>
        %dma_start3A_27 = arith.constant 0 : i32
        %dma_start3A_28 = tpu.memref_slice %arg6[%add3A_22, %dma_start3A_27] : memref<20000x32xf32, #tpu.memory_space<hbm>> -> memref<16x32xf32, #tpu.memory_space<hbm>>
        %dma_start3A_29 = arith.constant 0 : i32
        %dma_start3A_30 = arith.constant 0 : i32
        %dma_start3A_31 = tpu.memref_slice %arg10[%dma_start3A_29, %dma_start3A_30] : memref<624x32xf32, #tpu.memory_space<vmem>> -> memref<16x32xf32, #tpu.memory_space<vmem>>
        tpu.enqueue_dma source(%dma_start3A_31 : memref<16x32xf32, #tpu.memory_space<vmem>>) target(%dma_start3A_28 : memref<16x32xf32, #tpu.memory_space<hbm>>) target_semaphore(%run_scoped3A : memref<!tpu.dma_semaphore, #tpu.memory_space<semaphore_mem>>)
        %dma_wait3A = arith.constant 0 : i32
        %dma_wait3A_32 = arith.constant 0 : i32
        %dma_wait3A_33 = tpu.memref_slice %arg10[%dma_wait3A, %dma_wait3A_32] : memref<624x32xf32, #tpu.memory_space<vmem>> -> memref<16x32xf32, #tpu.memory_space<vmem>>
        %dma_wait3A_34 = arith.constant 0 : i32
        %dma_wait3A_35 = tpu.memref_slice %arg6[%add3A_22, %dma_wait3A_34] : memref<20000x32xf32, #tpu.memory_space<hbm>> -> memref<16x32xf32, #tpu.memory_space<hbm>>
        %dma_wait3A_36 = arith.constant 0 : i32
        %dma_wait3A_37 = tpu.memref_slice %arg6[%add3A_22, %dma_wait3A_36] : memref<20000x32xf32, #tpu.memory_space<hbm>> -> memref<16x32xf32, #tpu.memory_space<hbm>>
        %dma_wait3A_38 = arith.constant 0 : i32
        %dma_wait3A_39 = arith.constant 0 : i32
        %dma_wait3A_40 = tpu.memref_slice %arg10[%dma_wait3A_38, %dma_wait3A_39] : memref<624x32xf32, #tpu.memory_space<vmem>> -> memref<16x32xf32, #tpu.memory_space<vmem>>
        tpu.wait_dma2 semaphore(%run_scoped3A : memref<!tpu.dma_semaphore, #tpu.memory_space<semaphore_mem>>) src(%dma_wait3A_40 : memref<16x32xf32, #tpu.memory_space<vmem>>) dst(%dma_wait3A_37 : memref<16x32xf32, #tpu.memory_space<hbm>>)
        tpu.yield
      }) : () -> ()
    } else {
    }
    return
  }
}

module attributes {stable_mosaic.version = 14 : i64} {
  func.func @_mm_body(%arg0: i32, %arg1: memref<2000x128xf32, #tpu.memory_space<vmem>>, %arg2: memref<128x32xf32, #tpu.memory_space<vmem>>, %arg3: memref<2000x32xf32, #tpu.memory_space<vmem>>) attributes {dimension_semantics = [#tpu.dimension_semantics<arbitrary>], iteration_bounds = array<i64: 5>, scalar_prefetch = 0 : i64, scratch_operands = 0 : i64, tpu.core_type = #tpu.core_type<tc>, window_params = [{transform_indices = @transform_0, window_bounds = array<i64: 2000, 128>}, {pipeline_mode = #tpu.pipeline_mode<synchronous>, transform_indices = @transform_1, window_bounds = array<i64: 128, 32>}, {transform_indices = @transform_2, window_bounds = array<i64: 2000, 32>}]} {
    %get3A = arith.constant 0 : index
    %get3A_0 = arith.constant 0 : index
    %get3A_1 = vector.load %arg1[%get3A, %get3A_0] : memref<2000x128xf32, #tpu.memory_space<vmem>>, vector<2000x128xf32>
    %get3A_2 = arith.constant 0 : index
    %get3A_3 = arith.constant 0 : index
    %get3A_4 = vector.load %arg2[%get3A_2, %get3A_3] : memref<128x32xf32, #tpu.memory_space<vmem>>, vector<128x32xf32>
    %dot_general3A = arith.constant dense<0.000000e+00> : vector<2000x32xf32>
    %dot_general3A_5 = tpu.matmul %get3A_1, %get3A_4, %dot_general3A {dimension_numbers = #tpu.dot_dimension_numbers<[1], [0], [0], [1], [0, 0, 1, 1], [], []>, transpose_lhs_hint = false} : vector<2000x128xf32>, vector<128x32xf32>, vector<2000x32xf32> -> vector<2000x32xf32>
    %swap3A = arith.constant 0 : index
    %swap3A_6 = arith.constant 0 : index
    %swap3A_7 = vector.load %arg3[%swap3A, %swap3A_6] : memref<2000x32xf32, #tpu.memory_space<vmem>>, vector<2000x32xf32>
    tpu.vector_store %arg3[%swap3A, %swap3A_6], %dot_general3A_5 {strides = array<i32>} : memref<2000x32xf32, #tpu.memory_space<vmem>>, vector<2000x32xf32>,
    return
  }
  func.func @transform_0(%arg0: i32) -> (i32, i32) {
    %c0_i32 = arith.constant 0 : i32
    %c0_i32_0 = arith.constant 0 : i32
    return %arg0, %c0_i32 : i32, i32
  }
  func.func @transform_1(%arg0: i32) -> (i32, i32) {
    %c0_i32 = arith.constant 0 : i32
    %c0_i32_0 = arith.constant 0 : i32
    %c0_i32_1 = arith.constant 0 : i32
    return %c0_i32, %c0_i32_0 : i32, i32
  }
  func.func @transform_2(%arg0: i32) -> (i32, i32) {
    %c0_i32 = arith.constant 0 : i32
    %c0_i32_0 = arith.constant 0 : i32
    return %arg0, %c0_i32 : i32, i32
  }
}

module attributes {stable_mosaic.version = 14 : i64} {
  func.func @_comb1_body(%arg0: i32, %arg1: memref<2000x32xf32, #tpu.memory_space<vmem>>, %arg2: memref<2x2000x32xf32, #tpu.memory_space<vmem>>, %arg3: memref<2x2000x1xf32, #tpu.memory_space<vmem>>, %arg4: memref<32x32xf32, #tpu.memory_space<vmem>>, %arg5: memref<2000x32xf32, #tpu.memory_space<vmem>>, %arg6: memref<2000x32xf32, #tpu.memory_space<vmem>>, %arg7: memref<2000x1xf32, #tpu.memory_space<vmem>>) attributes {dimension_semantics = [#tpu.dimension_semantics<arbitrary>], iteration_bounds = array<i64: 5>, scalar_prefetch = 0 : i64, scratch_operands = 0 : i64, tpu.core_type = #tpu.core_type<tc>, window_params = [{transform_indices = @transform_0, window_bounds = array<i64: 2000, 32>}, {transform_indices = @transform_1, window_bounds = array<i64: 2, 2000, 32>}, {transform_indices = @transform_2, window_bounds = array<i64: 2, 2000, 1>}, {pipeline_mode = #tpu.pipeline_mode<synchronous>, transform_indices = @transform_3, window_bounds = array<i64: 32, 32>}, {transform_indices = @transform_4, window_bounds = array<i64: 2000, 32>}, {transform_indices = @transform_5, window_bounds = array<i64: 2000, 32>}, {transform_indices = @transform_6, window_bounds = array<i64: 2000, 1>}]} {
    %get3A = arith.constant 0 : index
    %get3A_0 = arith.constant 0 : index
    %get3A_1 = arith.constant 0 : index
    %get3A_2 = vector.load %arg3[%get3A, %get3A_0, %get3A_1] : memref<2x2000x1xf32, #tpu.memory_space<vmem>>, vector<1x2000x1xf32>
    %get3A_3 = vector.shape_cast %get3A_2 : vector<1x2000x1xf32> to vector<2000x1xf32>
    %get3A_4 = arith.constant 1 : index
    %get3A_5 = arith.constant 0 : index
    %get3A_6 = arith.constant 0 : index
    %get3A_7 = vector.load %arg3[%get3A_4, %get3A_5, %get3A_6] : memref<2x2000x1xf32, #tpu.memory_space<vmem>>, vector<1x2000x1xf32>
    %get3A_8 = vector.shape_cast %get3A_7 : vector<1x2000x1xf32> to vector<2000x1xf32>
    %add3A = arith.addf %get3A_3, %get3A_8 : vector<2000x1xf32>
    %add3A_9 = arith.constant 1.000000e+00 : f32
    %add3A_10 = vector.broadcast %add3A_9 : f32 to vector<2000x1xf32>
    %add3A_11 = arith.addf %add3A, %add3A_10 : vector<2000x1xf32>
    %get3A_12 = arith.constant 0 : index
    %get3A_13 = arith.constant 0 : index
    %get3A_14 = vector.load %arg1[%get3A_12, %get3A_13] : memref<2000x32xf32, #tpu.memory_space<vmem>>, vector<2000x32xf32>
    %get3A_15 = arith.constant 0 : index
    %get3A_16 = arith.constant 0 : index
    %get3A_17 = arith.constant 0 : index
    %get3A_18 = vector.load %arg2[%get3A_15, %get3A_16, %get3A_17] : memref<2x2000x32xf32, #tpu.memory_space<vmem>>, vector<1x2000x32xf32>
    %get3A_19 = vector.shape_cast %get3A_18 : vector<1x2000x32xf32> to vector<2000x32xf32>
    %add3A_20 = arith.addf %get3A_14, %get3A_19 : vector<2000x32xf32>
    %get3A_21 = arith.constant 1 : index
    %get3A_22 = arith.constant 0 : index
    %get3A_23 = arith.constant 0 : index
    %get3A_24 = vector.load %arg2[%get3A_21, %get3A_22, %get3A_23] : memref<2x2000x32xf32, #tpu.memory_space<vmem>>, vector<1x2000x32xf32>
    %get3A_25 = vector.shape_cast %get3A_24 : vector<1x2000x32xf32> to vector<2000x32xf32>
    %add3A_26 = arith.addf %add3A_20, %get3A_25 : vector<2000x32xf32>
    %div3A = vector.broadcast %add3A_11 : vector<2000x1xf32> to vector<2000x32xf32>
    %div3A_27 = arith.divf %add3A_26, %div3A : vector<2000x32xf32>
    %tanh3A = math.tanh %div3A_27 : vector<2000x32xf32>
    %swap3A = arith.constant 0 : index
    %swap3A_28 = arith.constant 0 : index
    %swap3A_29 = vector.load %arg5[%swap3A, %swap3A_28] : memref<2000x32xf32, #tpu.memory_space<vmem>>, vector<2000x32xf32>
    tpu.vector_store %arg5[%swap3A, %swap3A_28], %tanh3A {strides = array<i32>} : memref<2000x32xf32, #tpu.memory_space<vmem>>, vector<2000x32xf32>,
    %get3A_30 = arith.constant 0 : index
    %get3A_31 = arith.constant 0 : index
    %get3A_32 = vector.load %arg4[%get3A_30, %get3A_31] : memref<32x32xf32, #tpu.memory_space<vmem>>, vector<32x32xf32>
    %dot_general3A = arith.constant dense<0.000000e+00> : vector<2000x32xf32>
    %dot_general3A_33 = tpu.matmul %tanh3A, %get3A_32, %dot_general3A {dimension_numbers = #tpu.dot_dimension_numbers<[1], [0], [0], [1], [0, 0, 1, 1], [], []>, transpose_lhs_hint = false} : vector<2000x32xf32>, vector<32x32xf32>, vector<2000x32xf32> -> vector<2000x32xf32>
    %swap3A_34 = arith.constant 0 : index
    %swap3A_35 = arith.constant 0 : index
    %swap3A_36 = vector.load %arg6[%swap3A_34, %swap3A_35] : memref<2000x32xf32, #tpu.memory_space<vmem>>, vector<2000x32xf32>
    tpu.vector_store %arg6[%swap3A_34, %swap3A_35], %dot_general3A_33 {strides = array<i32>} : memref<2000x32xf32, #tpu.memory_space<vmem>>, vector<2000x32xf32>,
    %swap3A_37 = arith.constant 0 : index
    %swap3A_38 = arith.constant 0 : index
    %swap3A_39 = vector.load %arg7[%swap3A_37, %swap3A_38] : memref<2000x1xf32, #tpu.memory_space<vmem>>, vector<2000x1xf32>
    tpu.vector_store %arg7[%swap3A_37, %swap3A_38], %add3A_11 {strides = array<i32>} : memref<2000x1xf32, #tpu.memory_space<vmem>>, vector<2000x1xf32>,
    return
  }
  func.func @transform_0(%arg0: i32) -> (i32, i32) {
    %c0_i32 = arith.constant 0 : i32
    %c0_i32_0 = arith.constant 0 : i32
    return %arg0, %c0_i32 : i32, i32
  }
  func.func @transform_1(%arg0: i32) -> (i32, i32, i32) {
    %c0_i32 = arith.constant 0 : i32
    %c0_i32_0 = arith.constant 0 : i32
    %c0_i32_1 = arith.constant 0 : i32
    return %c0_i32, %arg0, %c0_i32_0 : i32, i32, i32
  }
  func.func @transform_2(%arg0: i32) -> (i32, i32, i32) {
    %c0_i32 = arith.constant 0 : i32
    %c0_i32_0 = arith.constant 0 : i32
    %c0_i32_1 = arith.constant 0 : i32
    return %c0_i32, %arg0, %c0_i32_0 : i32, i32, i32
  }
  func.func @transform_3(%arg0: i32) -> (i32, i32) {
    %c0_i32 = arith.constant 0 : i32
    %c0_i32_0 = arith.constant 0 : i32
    %c0_i32_1 = arith.constant 0 : i32
    return %c0_i32, %c0_i32_0 : i32, i32
  }
  func.func @transform_4(%arg0: i32) -> (i32, i32) {
    %c0_i32 = arith.constant 0 : i32
    %c0_i32_0 = arith.constant 0 : i32
    return %arg0, %c0_i32 : i32, i32
  }
  func.func @transform_5(%arg0: i32) -> (i32, i32) {
    %c0_i32 = arith.constant 0 : i32
    %c0_i32_0 = arith.constant 0 : i32
    return %arg0, %c0_i32 : i32, i32
  }
  func.func @transform_6(%arg0: i32) -> (i32, i32) {
    %c0_i32 = arith.constant 0 : i32
    %c0_i32_0 = arith.constant 0 : i32
    return %arg0, %c0_i32 : i32, i32
  }
}

module attributes {stable_mosaic.version = 14 : i64} {
  func.func @_combn_body(%arg0: i32, %arg1: memref<2000x32xf32, #tpu.memory_space<vmem>>, %arg2: memref<2x2000x32xf32, #tpu.memory_space<vmem>>, %arg3: memref<2000x1xf32, #tpu.memory_space<vmem>>, %arg4: memref<32x32xf32, #tpu.memory_space<vmem>>, %arg5: memref<2000x32xf32, #tpu.memory_space<vmem>>, %arg6: memref<2000x32xf32, #tpu.memory_space<vmem>>) attributes {dimension_semantics = [#tpu.dimension_semantics<arbitrary>], iteration_bounds = array<i64: 5>, scalar_prefetch = 0 : i64, scratch_operands = 0 : i64, tpu.core_type = #tpu.core_type<tc>, window_params = [{transform_indices = @transform_0, window_bounds = array<i64: 2000, 32>}, {transform_indices = @transform_1, window_bounds = array<i64: 2, 2000, 32>}, {transform_indices = @transform_2, window_bounds = array<i64: 2000, 1>}, {pipeline_mode = #tpu.pipeline_mode<synchronous>, transform_indices = @transform_3, window_bounds = array<i64: 32, 32>}, {transform_indices = @transform_4, window_bounds = array<i64: 2000, 32>}, {transform_indices = @transform_5, window_bounds = array<i64: 2000, 32>}]} {
    %get3A = arith.constant 0 : index
    %get3A_0 = arith.constant 0 : index
    %get3A_1 = vector.load %arg1[%get3A, %get3A_0] : memref<2000x32xf32, #tpu.memory_space<vmem>>, vector<2000x32xf32>
    %get3A_2 = arith.constant 0 : index
    %get3A_3 = arith.constant 0 : index
    %get3A_4 = arith.constant 0 : index
    %get3A_5 = vector.load %arg2[%get3A_2, %get3A_3, %get3A_4] : memref<2x2000x32xf32, #tpu.memory_space<vmem>>, vector<1x2000x32xf32>
    %get3A_6 = vector.shape_cast %get3A_5 : vector<1x2000x32xf32> to vector<2000x32xf32>
    %add3A = arith.addf %get3A_1, %get3A_6 : vector<2000x32xf32>
    %get3A_7 = arith.constant 1 : index
    %get3A_8 = arith.constant 0 : index
    %get3A_9 = arith.constant 0 : index
    %get3A_10 = vector.load %arg2[%get3A_7, %get3A_8, %get3A_9] : memref<2x2000x32xf32, #tpu.memory_space<vmem>>, vector<1x2000x32xf32>
    %get3A_11 = vector.shape_cast %get3A_10 : vector<1x2000x32xf32> to vector<2000x32xf32>
    %add3A_12 = arith.addf %add3A, %get3A_11 : vector<2000x32xf32>
    %get3A_13 = arith.constant 0 : index
    %get3A_14 = arith.constant 0 : index
    %get3A_15 = vector.load %arg3[%get3A_13, %get3A_14] : memref<2000x1xf32, #tpu.memory_space<vmem>>, vector<2000x1xf32>
    %div3A = vector.broadcast %get3A_15 : vector<2000x1xf32> to vector<2000x32xf32>
    %div3A_16 = arith.divf %add3A_12, %div3A : vector<2000x32xf32>
    %tanh3A = math.tanh %div3A_16 : vector<2000x32xf32>
    %swap3A = arith.constant 0 : index
    %swap3A_17 = arith.constant 0 : index
    %swap3A_18 = vector.load %arg5[%swap3A, %swap3A_17] : memref<2000x32xf32, #tpu.memory_space<vmem>>, vector<2000x32xf32>
    tpu.vector_store %arg5[%swap3A, %swap3A_17], %tanh3A {strides = array<i32>} : memref<2000x32xf32, #tpu.memory_space<vmem>>, vector<2000x32xf32>,
    %get3A_19 = arith.constant 0 : index
    %get3A_20 = arith.constant 0 : index
    %get3A_21 = vector.load %arg4[%get3A_19, %get3A_20] : memref<32x32xf32, #tpu.memory_space<vmem>>, vector<32x32xf32>
    %dot_general3A = arith.constant dense<0.000000e+00> : vector<2000x32xf32>
    %dot_general3A_22 = tpu.matmul %tanh3A, %get3A_21, %dot_general3A {dimension_numbers = #tpu.dot_dimension_numbers<[1], [0], [0], [1], [0, 0, 1, 1], [], []>, transpose_lhs_hint = false} : vector<2000x32xf32>, vector<32x32xf32>, vector<2000x32xf32> -> vector<2000x32xf32>
    %swap3A_23 = arith.constant 0 : index
    %swap3A_24 = arith.constant 0 : index
    %swap3A_25 = vector.load %arg6[%swap3A_23, %swap3A_24] : memref<2000x32xf32, #tpu.memory_space<vmem>>, vector<2000x32xf32>
    tpu.vector_store %arg6[%swap3A_23, %swap3A_24], %dot_general3A_22 {strides = array<i32>} : memref<2000x32xf32, #tpu.memory_space<vmem>>, vector<2000x32xf32>,
    return
  }
  func.func @transform_0(%arg0: i32) -> (i32, i32) {
    %c0_i32 = arith.constant 0 : i32
    %c0_i32_0 = arith.constant 0 : i32
    return %arg0, %c0_i32 : i32, i32
  }
  func.func @transform_1(%arg0: i32) -> (i32, i32, i32) {
    %c0_i32 = arith.constant 0 : i32
    %c0_i32_0 = arith.constant 0 : i32
    %c0_i32_1 = arith.constant 0 : i32
    return %c0_i32, %arg0, %c0_i32_0 : i32, i32, i32
  }
  func.func @transform_2(%arg0: i32) -> (i32, i32) {
    %c0_i32 = arith.constant 0 : i32
    %c0_i32_0 = arith.constant 0 : i32
    return %arg0, %c0_i32 : i32, i32
  }
  func.func @transform_3(%arg0: i32) -> (i32, i32) {
    %c0_i32 = arith.constant 0 : i32
    %c0_i32_0 = arith.constant 0 : i32
    %c0_i32_1 = arith.constant 0 : i32
    return %c0_i32, %c0_i32_0 : i32, i32
  }
  func.func @transform_4(%arg0: i32) -> (i32, i32) {
    %c0_i32 = arith.constant 0 : i32
    %c0_i32_0 = arith.constant 0 : i32
    return %arg0, %c0_i32 : i32, i32
  }
  func.func @transform_5(%arg0: i32) -> (i32, i32) {
    %c0_i32 = arith.constant 0 : i32
    %c0_i32_0 = arith.constant 0 : i32
    return %arg0, %c0_i32 : i32, i32
  }
}

module attributes {stable_mosaic.version = 14 : i64} {
  func.func @_combn_body(%arg0: i32, %arg1: memref<2000x32xf32, #tpu.memory_space<vmem>>, %arg2: memref<2x2000x32xf32, #tpu.memory_space<vmem>>, %arg3: memref<2000x1xf32, #tpu.memory_space<vmem>>, %arg4: memref<32x1xf32, #tpu.memory_space<vmem>>, %arg5: memref<2000x32xf32, #tpu.memory_space<vmem>>, %arg6: memref<2000x1xf32, #tpu.memory_space<vmem>>) attributes {dimension_semantics = [#tpu.dimension_semantics<arbitrary>], iteration_bounds = array<i64: 5>, scalar_prefetch = 0 : i64, scratch_operands = 0 : i64, tpu.core_type = #tpu.core_type<tc>, window_params = [{transform_indices = @transform_0, window_bounds = array<i64: 2000, 32>}, {transform_indices = @transform_1, window_bounds = array<i64: 2, 2000, 32>}, {transform_indices = @transform_2, window_bounds = array<i64: 2000, 1>}, {pipeline_mode = #tpu.pipeline_mode<synchronous>, transform_indices = @transform_3, window_bounds = array<i64: 32, 1>}, {transform_indices = @transform_4, window_bounds = array<i64: 2000, 32>}, {transform_indices = @transform_5, window_bounds = array<i64: 2000, 1>}]} {
    %get3A = arith.constant 0 : index
    %get3A_0 = arith.constant 0 : index
    %get3A_1 = vector.load %arg1[%get3A, %get3A_0] : memref<2000x32xf32, #tpu.memory_space<vmem>>, vector<2000x32xf32>
    %get3A_2 = arith.constant 0 : index
    %get3A_3 = arith.constant 0 : index
    %get3A_4 = arith.constant 0 : index
    %get3A_5 = vector.load %arg2[%get3A_2, %get3A_3, %get3A_4] : memref<2x2000x32xf32, #tpu.memory_space<vmem>>, vector<1x2000x32xf32>
    %get3A_6 = vector.shape_cast %get3A_5 : vector<1x2000x32xf32> to vector<2000x32xf32>
    %add3A = arith.addf %get3A_1, %get3A_6 : vector<2000x32xf32>
    %get3A_7 = arith.constant 1 : index
    %get3A_8 = arith.constant 0 : index
    %get3A_9 = arith.constant 0 : index
    %get3A_10 = vector.load %arg2[%get3A_7, %get3A_8, %get3A_9] : memref<2x2000x32xf32, #tpu.memory_space<vmem>>, vector<1x2000x32xf32>
    %get3A_11 = vector.shape_cast %get3A_10 : vector<1x2000x32xf32> to vector<2000x32xf32>
    %add3A_12 = arith.addf %add3A, %get3A_11 : vector<2000x32xf32>
    %get3A_13 = arith.constant 0 : index
    %get3A_14 = arith.constant 0 : index
    %get3A_15 = vector.load %arg3[%get3A_13, %get3A_14] : memref<2000x1xf32, #tpu.memory_space<vmem>>, vector<2000x1xf32>
    %div3A = vector.broadcast %get3A_15 : vector<2000x1xf32> to vector<2000x32xf32>
    %div3A_16 = arith.divf %add3A_12, %div3A : vector<2000x32xf32>
    %tanh3A = math.tanh %div3A_16 : vector<2000x32xf32>
    %swap3A = arith.constant 0 : index
    %swap3A_17 = arith.constant 0 : index
    %swap3A_18 = vector.load %arg5[%swap3A, %swap3A_17] : memref<2000x32xf32, #tpu.memory_space<vmem>>, vector<2000x32xf32>
    tpu.vector_store %arg5[%swap3A, %swap3A_17], %tanh3A {strides = array<i32>} : memref<2000x32xf32, #tpu.memory_space<vmem>>, vector<2000x32xf32>,
    %get3A_19 = arith.constant 0 : index
    %get3A_20 = arith.constant 0 : index
    %get3A_21 = vector.load %arg4[%get3A_19, %get3A_20] : memref<32x1xf32, #tpu.memory_space<vmem>>, vector<32x1xf32>
    %dot_general3A = arith.constant dense<0.000000e+00> : vector<2000x1xf32>
    %dot_general3A_22 = tpu.matmul %tanh3A, %get3A_21, %dot_general3A {dimension_numbers = #tpu.dot_dimension_numbers<[1], [0], [0], [1], [0, 0, 1, 1], [], []>, transpose_lhs_hint = false} : vector<2000x32xf32>, vector<32x1xf32>, vector<2000x1xf32> -> vector<2000x1xf32>
    %swap3A_23 = arith.constant 0 : index
    %swap3A_24 = arith.constant 0 : index
    %swap3A_25 = vector.load %arg6[%swap3A_23, %swap3A_24] : memref<2000x1xf32, #tpu.memory_space<vmem>>, vector<2000x1xf32>
    tpu.vector_store %arg6[%swap3A_23, %swap3A_24], %dot_general3A_22 {strides = array<i32>} : memref<2000x1xf32, #tpu.memory_space<vmem>>, vector<2000x1xf32>,
    return
  }
  func.func @transform_0(%arg0: i32) -> (i32, i32) {
    %c0_i32 = arith.constant 0 : i32
    %c0_i32_0 = arith.constant 0 : i32
    return %arg0, %c0_i32 : i32, i32
  }
  func.func @transform_1(%arg0: i32) -> (i32, i32, i32) {
    %c0_i32 = arith.constant 0 : i32
    %c0_i32_0 = arith.constant 0 : i32
    %c0_i32_1 = arith.constant 0 : i32
    return %c0_i32, %arg0, %c0_i32_0 : i32, i32, i32
  }
  func.func @transform_2(%arg0: i32) -> (i32, i32) {
    %c0_i32 = arith.constant 0 : i32
    %c0_i32_0 = arith.constant 0 : i32
    return %arg0, %c0_i32 : i32, i32
  }
  func.func @transform_3(%arg0: i32) -> (i32, i32) {
    %c0_i32 = arith.constant 0 : i32
    %c0_i32_0 = arith.constant 0 : i32
    %c0_i32_1 = arith.constant 0 : i32
    return %c0_i32, %c0_i32_0 : i32, i32
  }
  func.func @transform_4(%arg0: i32) -> (i32, i32) {
    %c0_i32 = arith.constant 0 : i32
    %c0_i32_0 = arith.constant 0 : i32
    return %arg0, %c0_i32 : i32, i32
  }
  func.func @transform_5(%arg0: i32) -> (i32, i32) {
    %c0_i32 = arith.constant 0 : i32
    %c0_i32_0 = arith.constant 0 : i32
    return %arg0, %c0_i32 : i32, i32
  }
}

module attributes {stable_mosaic.version = 14 : i64} {
  func.func @_head_body(%arg0: i32, %arg1: memref<1x500x32xf32, #tpu.memory_space<vmem>>, %arg2: memref<1x500x32xf32, #tpu.memory_space<vmem>>, %arg3: memref<1x500x32xf32, #tpu.memory_space<vmem>>, %arg4: memref<1x500x1xf32, #tpu.memory_space<vmem>>, %arg5: memref<1x500x1xf32, #tpu.memory_space<vmem>>, %arg6: memref<1x500x1xf32, #tpu.memory_space<vmem>>, %arg7: memref<1x500x1xf32, #tpu.memory_space<vmem>>, %arg8: memref<97x16xf32, #tpu.memory_space<vmem>>, %arg9: memref<1x16xf32, #tpu.memory_space<vmem>>, %arg10: memref<80x32xf32, #tpu.memory_space<vmem>>, %arg11: memref<1x32xf32, #tpu.memory_space<vmem>>, %arg12: memref<1x246x32xf32, #tpu.memory_space<vmem>>) attributes {dimension_semantics = [#tpu.dimension_semantics<arbitrary>], iteration_bounds = array<i64: 20>, scalar_prefetch = 0 : i64, scratch_operands = 0 : i64, tpu.core_type = #tpu.core_type<tc>, window_params = [{transform_indices = @transform_0, window_bounds = array<i64: 1, 500, 32>}, {transform_indices = @transform_1, window_bounds = array<i64: 1, 500, 32>}, {transform_indices = @transform_2, window_bounds = array<i64: 1, 500, 32>}, {transform_indices = @transform_3, window_bounds = array<i64: 1, 500, 1>}, {transform_indices = @transform_4, window_bounds = array<i64: 1, 500, 1>}, {transform_indices = @transform_5, window_bounds = array<i64: 1, 500, 1>}, {transform_indices = @transform_6, window_bounds = array<i64: 1, 500, 1>}, {pipeline_mode = #tpu.pipeline_mode<synchronous>, transform_indices = @transform_7, window_bounds = array<i64: 97, 16>}, {pipeline_mode = #tpu.pipeline_mode<synchronous>, transform_indices = @transform_8, window_bounds = array<i64: 1, 16>}, {pipeline_mode = #tpu.pipeline_mode<synchronous>, transform_indices = @transform_9, window_bounds = array<i64: 80, 32>}, {pipeline_mode = #tpu.pipeline_mode<synchronous>, transform_indices = @transform_10, window_bounds = array<i64: 1, 32>}, {transform_indices = @transform_11, window_bounds = array<i64: 1, 246, 32>}]} {
    %get3A = arith.constant 0 : index
    %get3A_0 = arith.constant 0 : index
    %get3A_1 = arith.constant 0 : index
    %get3A_2 = vector.load %arg4[%get3A, %get3A_0, %get3A_1] : memref<1x500x1xf32, #tpu.memory_space<vmem>>, vector<1x500x1xf32>
    %get3A_3 = vector.shape_cast %get3A_2 : vector<1x500x1xf32> to vector<500x1xf32>
    %get3A_4 = arith.constant 0 : index
    %get3A_5 = arith.constant 0 : index
    %get3A_6 = arith.constant 0 : index
    %get3A_7 = vector.load %arg5[%get3A_4, %get3A_5, %get3A_6] : memref<1x500x1xf32, #tpu.memory_space<vmem>>, vector<1x500x1xf32>
    %get3A_8 = vector.shape_cast %get3A_7 : vector<1x500x1xf32> to vector<500x1xf32>
    %add3A = arith.addf %get3A_3, %get3A_8 : vector<500x1xf32>
    %get3A_9 = arith.constant 0 : index
    %get3A_10 = arith.constant 0 : index
    %get3A_11 = arith.constant 0 : index
    %get3A_12 = vector.load %arg6[%get3A_9, %get3A_10, %get3A_11] : memref<1x500x1xf32, #tpu.memory_space<vmem>>, vector<1x500x1xf32>
    %get3A_13 = vector.shape_cast %get3A_12 : vector<1x500x1xf32> to vector<500x1xf32>
    %add3A_14 = arith.addf %add3A, %get3A_13 : vector<500x1xf32>
    %get3A_15 = arith.constant 0 : index
    %get3A_16 = arith.constant 0 : index
    %get3A_17 = arith.constant 0 : index
    %get3A_18 = vector.load %arg7[%get3A_15, %get3A_16, %get3A_17] : memref<1x500x1xf32, #tpu.memory_space<vmem>>, vector<1x500x1xf32>
    %get3A_19 = vector.shape_cast %get3A_18 : vector<1x500x1xf32> to vector<500x1xf32>
    %div3A = arith.divf %add3A_14, %get3A_19 : vector<500x1xf32>
    %tanh3A = math.tanh %div3A : vector<500x1xf32>
    %get3A_20 = arith.constant 0 : index
    %get3A_21 = arith.constant 0 : index
    %get3A_22 = arith.constant 0 : index
    %get3A_23 = vector.load %arg1[%get3A_20, %get3A_21, %get3A_22] : memref<1x500x32xf32, #tpu.memory_space<vmem>>, vector<1x500x32xf32>
    %get3A_24 = vector.shape_cast %get3A_23 : vector<1x500x32xf32> to vector<500x32xf32>
    %get3A_25 = arith.constant 0 : index
    %get3A_26 = arith.constant 0 : index
    %get3A_27 = arith.constant 0 : index
    %get3A_28 = vector.load %arg2[%get3A_25, %get3A_26, %get3A_27] : memref<1x500x32xf32, #tpu.memory_space<vmem>>, vector<1x500x32xf32>
    %get3A_29 = vector.shape_cast %get3A_28 : vector<1x500x32xf32> to vector<500x32xf32>
    %get3A_30 = arith.constant 0 : index
    %get3A_31 = arith.constant 0 : index
    %get3A_32 = arith.constant 0 : index
    %get3A_33 = vector.load %arg3[%get3A_30, %get3A_31, %get3A_32] : memref<1x500x32xf32, #tpu.memory_space<vmem>>, vector<1x500x32xf32>
    %get3A_34 = vector.shape_cast %get3A_33 : vector<1x500x32xf32> to vector<500x32xf32>
    %concatenate3A = tpu.concatenate %get3A_24, %get3A_29, %get3A_34, %tanh3A in 1 : vector<500x32xf32>, vector<500x32xf32>, vector<500x32xf32>, vector<500x1xf32> -> vector<500x97xf32>
    %iota3A = tpu.iota {dimensions = array<i32: 0>} : vector<500x500xi32>
    %iota3A_35 = tpu.iota {dimensions = array<i32: 1>} : vector<500x500xi32>
    %eq3A = arith.cmpi eq, %iota3A, %iota3A_35 : vector<500x500xi32>
    %convert_element_type3A = arith.extui %eq3A : vector<500x500xi1> to vector<500x500xi32>
    %convert_element_type3A_36 = arith.sitofp %convert_element_type3A : vector<500x500xi32> to vector<500x500xf32>
    %dot_general3A = arith.constant dense<0.000000e+00> : vector<1x500xf32>
    %dot_general3A_37 = tpu.matmul %tanh3A, %convert_element_type3A_36, %dot_general3A {dimension_numbers = #tpu.dot_dimension_numbers<[0], [0], [1], [1], [0, 1, 1, 1], [], []>, transpose_lhs_hint = false} : vector<500x1xf32>, vector<500x500xf32>, vector<1x500xf32> -> vector<1x500xf32>
    %iota3A_38 = tpu.iota {dimensions = array<i32: 0>} : vector<500x500xi32>
    %iota3A_39 = tpu.iota {dimensions = array<i32: 1>} : vector<500x500xi32>
    %gt3A = vector.broadcast %tanh3A : vector<500x1xf32> to vector<500x500xf32>
    %gt3A_40 = vector.broadcast %dot_general3A_37 : vector<1x500xf32> to vector<500x500xf32>
    %gt3A_41 = arith.cmpf ogt, %gt3A, %gt3A_40 : vector<500x500xf32>
    %convert_element_type3A_42 = arith.extui %gt3A_41 : vector<500x500xi1> to vector<500x500xi32>
    %convert_element_type3A_43 = arith.sitofp %convert_element_type3A_42 : vector<500x500xi32> to vector<500x500xf32>
    %eq3A_44 = vector.broadcast %tanh3A : vector<500x1xf32> to vector<500x500xf32>
    %eq3A_45 = vector.broadcast %dot_general3A_37 : vector<1x500xf32> to vector<500x500xf32>
    %eq3A_46 = arith.cmpf oeq, %eq3A_44, %eq3A_45 : vector<500x500xf32>
    %lt3A = arith.cmpi slt, %iota3A_38, %iota3A_39 : vector<500x500xi32>
    %and3A = arith.andi %eq3A_46, %lt3A : vector<500x500xi1>
    %convert_element_type3A_47 = arith.extui %and3A : vector<500x500xi1> to vector<500x500xi32>
    %convert_element_type3A_48 = arith.sitofp %convert_element_type3A_47 : vector<500x500xi32> to vector<500x500xf32>
    %add3A_49 = arith.addf %convert_element_type3A_43, %convert_element_type3A_48 : vector<500x500xf32>
    %reduce_sum3A = arith.constant dense<0.000000e+00> : vector<500xf32>
    %reduce_sum3A_50 = vector.multi_reduction <add>, %add3A_49, %reduce_sum3A [0] : vector<500x500xf32> to vector<500xf32>
    %broadcast_in_dim3A = vector.shape_cast %reduce_sum3A_50 : vector<500xf32> to vector<1x500xf32>
    %convert_element_type3A_51 = arith.fptosi %broadcast_in_dim3A : vector<1x500xf32> to vector<1x500xi32>
    %get3A_52 = arith.constant 0 : index
    %get3A_53 = arith.constant 0 : index
    %get3A_54 = vector.load %arg8[%get3A_52, %get3A_53] : memref<97x16xf32, #tpu.memory_space<vmem>>, vector<97x16xf32>
    %dot_general3A_55 = arith.constant dense<0.000000e+00> : vector<500x16xf32>
    %dot_general3A_56 = tpu.matmul %concatenate3A, %get3A_54, %dot_general3A_55 {dimension_numbers = #tpu.dot_dimension_numbers<[1], [0], [0], [1], [0, 0, 1, 1], [], []>, transpose_lhs_hint = false} : vector<500x97xf32>, vector<97x16xf32>, vector<500x16xf32> -> vector<500x16xf32>
    %iota3A_57 = tpu.iota {dimensions = array<i32: 0>} : vector<250x500xi32>
    %mul3A = arith.constant 2 : i32
    %mul3A_58 = vector.broadcast %mul3A : i32 to vector<250x500xi32>
    %mul3A_59 = arith.muli %mul3A_58, %iota3A_57 : vector<250x500xi32>
    %eq3A_60 = vector.broadcast %convert_element_type3A_51 : vector<1x500xi32> to vector<250x500xi32>
    %eq3A_61 = arith.cmpi eq, %mul3A_59, %eq3A_60 : vector<250x500xi32>
    %convert_element_type3A_62 = arith.extui %eq3A_61 : vector<250x500xi1> to vector<250x500xi32>
    %convert_element_type3A_63 = arith.sitofp %convert_element_type3A_62 : vector<250x500xi32> to vector<250x500xf32>
    %add3A_64 = arith.constant 1 : i32
    %add3A_65 = vector.broadcast %add3A_64 : i32 to vector<250x500xi32>
    %add3A_66 = arith.addi %mul3A_59, %add3A_65 : vector<250x500xi32>
    %eq3A_67 = vector.broadcast %convert_element_type3A_51 : vector<1x500xi32> to vector<250x500xi32>
    %eq3A_68 = arith.cmpi eq, %add3A_66, %eq3A_67 : vector<250x500xi32>
    %convert_element_type3A_69 = arith.extui %eq3A_68 : vector<250x500xi1> to vector<250x500xi32>
    %convert_element_type3A_70 = arith.sitofp %convert_element_type3A_69 : vector<250x500xi32> to vector<250x500xf32>
    %dot_general3A_71 = arith.constant dense<0.000000e+00> : vector<250x16xf32>
    %dot_general3A_72 = tpu.matmul %convert_element_type3A_63, %dot_general3A_56, %dot_general3A_71 {dimension_numbers = #tpu.dot_dimension_numbers<[1], [0], [0], [1], [0, 0, 1, 1], [], []>, transpose_lhs_hint = false} : vector<250x500xf32>, vector<500x16xf32>, vector<250x16xf32> -> vector<250x16xf32>
    %dot_general3A_73 = arith.constant dense<0.000000e+00> : vector<250x16xf32>
    %dot_general3A_74 = tpu.matmul %convert_element_type3A_70, %dot_general3A_56, %dot_general3A_73 {dimension_numbers = #tpu.dot_dimension_numbers<[1], [0], [0], [1], [0, 0, 1, 1], [], []>, transpose_lhs_hint = false} : vector<250x500xf32>, vector<500x16xf32>, vector<250x16xf32> -> vector<250x16xf32>
    %max3A = arith.maximumf %dot_general3A_72, %dot_general3A_74 : vector<250x16xf32>
    %get3A_75 = arith.constant 0 : index
    %get3A_76 = arith.constant 0 : index
    %get3A_77 = vector.load %arg9[%get3A_75, %get3A_76] : memref<1x16xf32, #tpu.memory_space<vmem>>, vector<1x16xf32>
    %add3A_78 = vector.broadcast %get3A_77 : vector<1x16xf32> to vector<250x16xf32>
    %add3A_79 = arith.addf %max3A, %add3A_78 : vector<250x16xf32>
    %max3A_80 = arith.constant 0.000000e+00 : f32
    %max3A_81 = vector.broadcast %max3A_80 : f32 to vector<250x16xf32>
    %max3A_82 = arith.maximumf %add3A_79, %max3A_81 : vector<250x16xf32>
    %slice3A = vector.extract_strided_slice %max3A_82 {offsets = [0, 0], sizes = [246, 16], strides = [1, 1]} : vector<250x16xf32> to vector<246x16xf32>
    %slice3A_83 = vector.extract_strided_slice %max3A_82 {offsets = [1, 0], sizes = [246, 16], strides = [1, 1]} : vector<250x16xf32> to vector<246x16xf32>
    %slice3A_84 = vector.extract_strided_slice %max3A_82 {offsets = [2, 0], sizes = [246, 16], strides = [1, 1]} : vector<250x16xf32> to vector<246x16xf32>
    %slice3A_85 = vector.extract_strided_slice %max3A_82 {offsets = [3, 0], sizes = [246, 16], strides = [1, 1]} : vector<250x16xf32> to vector<246x16xf32>
    %slice3A_86 = vector.extract_strided_slice %max3A_82 {offsets = [4, 0], sizes = [246, 16], strides = [1, 1]} : vector<250x16xf32> to vector<246x16xf32>
    %concatenate3A_87 = tpu.concatenate %slice3A, %slice3A_83, %slice3A_84, %slice3A_85, %slice3A_86 in 1 : vector<246x16xf32>, vector<246x16xf32>, vector<246x16xf32>, vector<246x16xf32>, vector<246x16xf32> -> vector<246x80xf32>
    %get3A_88 = arith.constant 0 : index
    %get3A_89 = arith.constant 0 : index
    %get3A_90 = vector.load %arg10[%get3A_88, %get3A_89] : memref<80x32xf32, #tpu.memory_space<vmem>>, vector<80x32xf32>
    %dot_general3A_91 = arith.constant dense<0.000000e+00> : vector<246x32xf32>
    %dot_general3A_92 = tpu.matmul %concatenate3A_87, %get3A_90, %dot_general3A_91 {dimension_numbers = #tpu.dot_dimension_numbers<[1], [0], [0], [1], [0, 0, 1, 1], [], []>, transpose_lhs_hint = false} : vector<246x80xf32>, vector<80x32xf32>, vector<246x32xf32> -> vector<246x32xf32>
    %get3A_93 = arith.constant 0 : index
    %get3A_94 = arith.constant 0 : index
    %get3A_95 = vector.load %arg11[%get3A_93, %get3A_94] : memref<1x32xf32, #tpu.memory_space<vmem>>, vector<1x32xf32>
    %add3A_96 = vector.broadcast %get3A_95 : vector<1x32xf32> to vector<246x32xf32>
    %add3A_97 = arith.addf %dot_general3A_92, %add3A_96 : vector<246x32xf32>
    %max3A_98 = arith.constant 0.000000e+00 : f32
    %max3A_99 = vector.broadcast %max3A_98 : f32 to vector<246x32xf32>
    %max3A_100 = arith.maximumf %add3A_97, %max3A_99 : vector<246x32xf32>
    %swap3A = arith.constant 0 : index
    %swap3A_101 = arith.constant 0 : index
    %swap3A_102 = arith.constant 0 : index
    %swap3A_103 = vector.load %arg12[%swap3A, %swap3A_101, %swap3A_102] : memref<1x246x32xf32, #tpu.memory_space<vmem>>, vector<1x246x32xf32>
    %swap3A_104 = vector.shape_cast %swap3A_103 : vector<1x246x32xf32> to vector<246x32xf32>
    %swap3A_105 = vector.shape_cast %max3A_100 : vector<246x32xf32> to vector<1x246x32xf32>
    tpu.vector_store %arg12[%swap3A, %swap3A_101, %swap3A_102], %swap3A_105 {strides = array<i32>} : memref<1x246x32xf32, #tpu.memory_space<vmem>>, vector<1x246x32xf32>,
    return
  }
  func.func @transform_0(%arg0: i32) -> (i32, i32, i32) {
    %c0_i32 = arith.constant 0 : i32
    %c0_i32_0 = arith.constant 0 : i32
    %c0_i32_1 = arith.constant 0 : i32
    return %arg0, %c0_i32, %c0_i32_0 : i32, i32, i32
  }
  func.func @transform_1(%arg0: i32) -> (i32, i32, i32) {
    %c0_i32 = arith.constant 0 : i32
    %c0_i32_0 = arith.constant 0 : i32
    %c0_i32_1 = arith.constant 0 : i32
    return %arg0, %c0_i32, %c0_i32_0 : i32, i32, i32
  }
  func.func @transform_2(%arg0: i32) -> (i32, i32, i32) {
    %c0_i32 = arith.constant 0 : i32
    %c0_i32_0 = arith.constant 0 : i32
    %c0_i32_1 = arith.constant 0 : i32
    return %arg0, %c0_i32, %c0_i32_0 : i32, i32, i32
  }
  func.func @transform_3(%arg0: i32) -> (i32, i32, i32) {
    %c0_i32 = arith.constant 0 : i32
    %c0_i32_0 = arith.constant 0 : i32
    %c0_i32_1 = arith.constant 0 : i32
    return %arg0, %c0_i32, %c0_i32_0 : i32, i32, i32
  }
  func.func @transform_4(%arg0: i32) -> (i32, i32, i32) {
    %c0_i32 = arith.constant 0 : i32
    %c0_i32_0 = arith.constant 0 : i32
    %c0_i32_1 = arith.constant 0 : i32
    return %arg0, %c0_i32, %c0_i32_0 : i32, i32, i32
  }
  func.func @transform_5(%arg0: i32) -> (i32, i32, i32) {
    %c0_i32 = arith.constant 0 : i32
    %c0_i32_0 = arith.constant 0 : i32
    %c0_i32_1 = arith.constant 0 : i32
    return %arg0, %c0_i32, %c0_i32_0 : i32, i32, i32
  }
  func.func @transform_6(%arg0: i32) -> (i32, i32, i32) {
    %c0_i32 = arith.constant 0 : i32
    %c0_i32_0 = arith.constant 0 : i32
    %c0_i32_1 = arith.constant 0 : i32
    return %arg0, %c0_i32, %c0_i32_0 : i32, i32, i32
  }
  func.func @transform_7(%arg0: i32) -> (i32, i32) {
    %c0_i32 = arith.constant 0 : i32
    %c0_i32_0 = arith.constant 0 : i32
    %c0_i32_1 = arith.constant 0 : i32
    return %c0_i32, %c0_i32_0 : i32, i32
  }
  func.func @transform_8(%arg0: i32) -> (i32, i32) {
    %c0_i32 = arith.constant 0 : i32
    %c0_i32_0 = arith.constant 0 : i32
    %c0_i32_1 = arith.constant 0 : i32
    return %c0_i32, %c0_i32_0 : i32, i32
  }
  func.func @transform_9(%arg0: i32) -> (i32, i32) {
    %c0_i32 = arith.constant 0 : i32
    %c0_i32_0 = arith.constant 0 : i32
    %c0_i32_1 = arith.constant 0 : i32
    return %c0_i32, %c0_i32_0 : i32, i32
  }
  func.func @transform_10(%arg0: i32) -> (i32, i32) {
    %c0_i32 = arith.constant 0 : i32
    %c0_i32_0 = arith.constant 0 : i32
    %c0_i32_1 = arith.constant 0 : i32
    return %c0_i32, %c0_i32_0 : i32, i32
  }
  func.func @transform_11(%arg0: i32) -> (i32, i32, i32) {
    %c0_i32 = arith.constant 0 : i32
    %c0_i32_0 = arith.constant 0 : i32
    %c0_i32_1 = arith.constant 0 : i32
    return %arg0, %c0_i32, %c0_i32_0 : i32, i32, i32
  }
}

module attributes {stable_mosaic.version = 14 : i64} {
  func.func @_final_body(%arg0: memref<20x7872xf32, #tpu.memory_space<vmem>>, %arg1: memref<7872x128xf32, #tpu.memory_space<vmem>>, %arg2: memref<1x128xf32, #tpu.memory_space<vmem>>, %arg3: memref<128x2xf32, #tpu.memory_space<vmem>>, %arg4: memref<1x2xf32, #tpu.memory_space<vmem>>, %arg5: memref<20x2xf32, #tpu.memory_space<vmem>>) attributes {dimension_semantics = [], scalar_prefetch = 0 : i64, scratch_operands = 0 : i64, tpu.core_type = #tpu.core_type<tc>} {
    %get3A = arith.constant 0 : index
    %get3A_0 = arith.constant 0 : index
    %get3A_1 = vector.load %arg0[%get3A, %get3A_0] : memref<20x7872xf32, #tpu.memory_space<vmem>>, vector<20x7872xf32>
    %get3A_2 = arith.constant 0 : index
    %get3A_3 = arith.constant 0 : index
    %get3A_4 = vector.load %arg1[%get3A_2, %get3A_3] : memref<7872x128xf32, #tpu.memory_space<vmem>>, vector<7872x128xf32>
    %dot_general3A = arith.constant dense<0.000000e+00> : vector<20x128xf32>
    %dot_general3A_5 = tpu.matmul %get3A_1, %get3A_4, %dot_general3A {dimension_numbers = #tpu.dot_dimension_numbers<[1], [0], [0], [1], [0, 0, 1, 1], [], []>, transpose_lhs_hint = false} : vector<20x7872xf32>, vector<7872x128xf32>, vector<20x128xf32> -> vector<20x128xf32>
    %get3A_6 = arith.constant 0 : index
    %get3A_7 = arith.constant 0 : index
    %get3A_8 = vector.load %arg2[%get3A_6, %get3A_7] : memref<1x128xf32, #tpu.memory_space<vmem>>, vector<1x128xf32>
    %add3A = vector.broadcast %get3A_8 : vector<1x128xf32> to vector<20x128xf32>
    %add3A_9 = arith.addf %dot_general3A_5, %add3A : vector<20x128xf32>
    %max3A = arith.constant 0.000000e+00 : f32
    %max3A_10 = vector.broadcast %max3A : f32 to vector<20x128xf32>
    %max3A_11 = arith.maximumf %add3A_9, %max3A_10 : vector<20x128xf32>
    %get3A_12 = arith.constant 0 : index
    %get3A_13 = arith.constant 0 : index
    %get3A_14 = vector.load %arg3[%get3A_12, %get3A_13] : memref<128x2xf32, #tpu.memory_space<vmem>>, vector<128x2xf32>
    %dot_general3A_15 = arith.constant dense<0.000000e+00> : vector<20x2xf32>
    %dot_general3A_16 = tpu.matmul %max3A_11, %get3A_14, %dot_general3A_15 {dimension_numbers = #tpu.dot_dimension_numbers<[1], [0], [0], [1], [0, 0, 1, 1], [], []>, transpose_lhs_hint = false} : vector<20x128xf32>, vector<128x2xf32>, vector<20x2xf32> -> vector<20x2xf32>
    %get3A_17 = arith.constant 0 : index
    %get3A_18 = arith.constant 0 : index
    %get3A_19 = vector.load %arg4[%get3A_17, %get3A_18] : memref<1x2xf32, #tpu.memory_space<vmem>>, vector<1x2xf32>
    %add3A_20 = vector.broadcast %get3A_19 : vector<1x2xf32> to vector<20x2xf32>
    %add3A_21 = arith.addf %dot_general3A_16, %add3A_20 : vector<20x2xf32>
    %reduce_max3A = arith.constant dense<0xFF800000> : vector<20xf32>
    %reduce_max3A_22 = vector.multi_reduction <maximumf>, %add3A_21, %reduce_max3A [1] : vector<20x2xf32> to vector<20xf32>
    %broadcast_in_dim3A = vector.shape_cast %reduce_max3A_22 : vector<20xf32> to vector<20x1xf32>
    %sub3A = vector.broadcast %broadcast_in_dim3A : vector<20x1xf32> to vector<20x2xf32>
    %sub3A_23 = arith.subf %add3A_21, %sub3A : vector<20x2xf32>
    %exp3A = math.exp %sub3A_23 : vector<20x2xf32>
    %reduce_sum3A = arith.constant dense<0.000000e+00> : vector<20xf32>
    %reduce_sum3A_24 = vector.multi_reduction <add>, %exp3A, %reduce_sum3A [1] : vector<20x2xf32> to vector<20xf32>
    %broadcast_in_dim3A_25 = vector.shape_cast %reduce_sum3A_24 : vector<20xf32> to vector<20x1xf32>
    %log3A = math.log %broadcast_in_dim3A_25 : vector<20x1xf32>
    %sub3A_26 = vector.broadcast %log3A : vector<20x1xf32> to vector<20x2xf32>
    %sub3A_27 = arith.subf %sub3A_23, %sub3A_26 : vector<20x2xf32>
    %swap3A = arith.constant 0 : index
    %swap3A_28 = arith.constant 0 : index
    %swap3A_29 = vector.load %arg5[%swap3A, %swap3A_28] : memref<20x2xf32, #tpu.memory_space<vmem>>, vector<20x2xf32>
    tpu.vector_store %arg5[%swap3A, %swap3A_28], %sub3A_27 {strides = array<i32>} : memref<20x2xf32, #tpu.memory_space<vmem>>, vector<20x2xf32>,
    return
  }
}

</mosaic_0001>

<sc_bundles>
// kernel: kernel.12.cloned.1.call-start
scs
__scs_entry_jumppad:
0x0: {  	(pc) =	sbr.rel $0x88, $3  }
0x1: {  	(tag) =	ssettag $0x0;
	lr =	simm.s32 $0x1  }
0x2: {  	[smem:$0x3F93] =	sst lr;
	_ =	strace $0xD0000000  }
0x3: {  	_ = 	snop  }
0x4: {  	_ = 	snop  }
0x5: {  	_ = 	snop  }
0x6: {  	_ = 	snop  }
0x7: {  	_ = 	snop  }
__scs_overlays_trampoline_lowered:
0x8: {  	[smem:$0x3FA2] =	sst s0  }
0x9: {  	[smem:$0x3FA3] =	sst s1  }
0xa: {  	[smem:$0x3FA4] =	sst s2  }
0xb: {  	[smem:$0x3FA5] =	sst s3  }
0xc: {  	[smem:$0x3FA6] =	sst s4  }
0xd: {  	[smem:$0x3FA7] =	sst s5  }
0xe: {  	[smem:$0x3FA8] =	sst s6  }
0xf: {  	[smem:$0x3FA9] =	sst s7  }
0x10: {  	[smem:$0x3FAA] =	sst s8  }
0x11: {  	[smem:$0x3FAB] =	sst s9;
	s0 =	simm.s32 @!p0 $0x0  }
0x12: {  	s1 =	sld [smem:$0x3F91];
	s0 =	simm.s32 @p0 $0x1  }
0x13: {  	[smem:$0x3FAC] =	sst s0;
	s0 =	simm.s32 @!p1 $0x0  }
0x14: {  	s2 =	sld [smem:$0x3F90];
	s0 =	simm.s32 @p1 $0x1  }
0x15: {  	[smem:$0x3FAD] =	sst s0;
	s0 =	simm.s32 @!p2 $0x0  }
0x16: {  	s3 =	sld [smem:$0x3FDB];
	s0 =	simm.s32 @p2 $0x1  }
0x17: {  	s4 =	simm.s32 $0x1BF5;
	[smem:$0x3FAF] =	sst s0  }
0x18: {  	s0 =	sld [smem:$0x3F92];
	_ =	swait.ge [sflag:s4], $0x0  }
0x19: {  	s7 =	sld [smem:$0x3F93]  }
0x1a: {  	s8 =	sadd.s32 $0xFFFFE003, lr  }
0x1b: {  	s9 =	sadd.s32 $0xFFFFFEF7, lr;
	s5 =	simm.s32 $0xFFFFFFFF;
	p2 =	slt.u32 s8, $0xFFFFF086  }
0x1c: {  	p1 =	slt.u32 s9, $0xF7A;
	s5 =	simm.s32 @!p2 $0x0  }
0x1d: {  	s5 =	simm.s32 @p1 $0x1;
	p0 =	seq.s32 s7, s2  }
0x1e: {  	s7 =	smul.u32 @!p0 $0xF7A, s2;
	p2 =	seq.s32 @!p0 s5, $0x0  }
0x1f: {  	s9 =	smul.u32 $0xF7A, s1;
	s8 =	simm.s32 @!p0 $0x1BF5;
	p2 =	por !p2, p0  }
0x20: {  	[sflag:s8] =	ssyncset.s32 @!p0 $0xFFFFF086;
	s6 =	sadd.s32 @!p0 s3, s7;
	s7 =	simm.s32 @!p0 $0x108  }
0x21: {  	s3 =	sadd.s32 s3, s9;
	s6 =	sadd.s32 @!p0 $0x88, s6;
	s7 =	simm.s32 @p2 $0x1082  }
0x22: {  	[simem:s7], [sflag:s8] =	dma.local @!p0 [hbm:s6], $0xF7A  }
0x23: {  	s9 =	sor.u32 $0xD0000000, s2;
	s6 =	simm.s32 $0x108;
	_ =	swait.ge @!p0 [sflag:s8], $0x0  }
0x24: {  	s3 =	sadd.s32 $0x88, s3;
	s6 =	simm.s32 @!p1 $0x1082;
	[sflag:s4] =	ssyncset.s32 $0xFFFFF086  }
0x25: {  	[simem:s6], [sflag:s4] =	dma.local [hbm:s3], $0xF7A  }
0x26: {  	[smem:$0x3F93] =	sst s1;
	(tag) =	ssettag s2;
	_ =	strace s9  }
0x27: {  	s1 =	sld [smem:$0x3FA3]  }
0x28: {  	s2 =	sld [smem:$0x3FA4]  }
0x29: {  	s4 =	sld [smem:$0x3FA6]  }
0x2a: {  	p0 =	seq.s32 s5, $0x0;
	s5 =	sld [smem:$0x3FA7]  }
0x2b: {  	s6 =	sld [smem:$0x3FA8]  }
0x2c: {  	s7 =	sld [smem:$0x3FA9]  }
0x2d: {  	s3 =	simm.s32 $0x108;
	s8 =	sld [smem:$0x3FAA]  }
0x2e: {  	s3 =	simm.s32 @!p0 $0x1082;
	s9 =	sld [smem:$0x3FAB]  }
0x2f: {  	lr =	sadd.s32 s0, s3;
	s0 =	sld [smem:$0x3FA2]  }
0x30: {  	s3 =	sld [smem:$0x3FA5]  }
0x31: {  	[smem:$0x3FAE] =	sst s10  }
0x32: {  	s10 =	sld [smem:$0x3FAC];
	_ =	sdelay $0x3  }
0x33: {  	p0 =	seq.s32 s10, $0x1;
	s10 =	sld [smem:$0x3FAE];
	_ =	sdelay $0x3  }
0x34: {  	[smem:$0x3FAE] =	sst s10  }
0x35: {  	s10 =	sld [smem:$0x3FAD];
	_ =	sdelay $0x3  }
0x36: {  	p1 =	seq.s32 s10, $0x1;
	s10 =	sld [smem:$0x3FAE];
	_ =	sdelay $0x3  }
0x37: {  	[smem:$0x3FAE] =	sst s10  }
0x38: {  	s10 =	sld [smem:$0x3FAF]  }
0x39: {  	_ = 	snop;
	(pc) =	sbr.ind lr, $3  }
0x3a: {  	_ = 	snop  }
0x3b: {  	_ = 	snop  }
0x3c: {  	p2 =	seq.s32 s10, $0x1;
	s10 =	sld [smem:$0x3FAE]  }
0x3d: {  	_ =	shalt  }
0x3e: {  	_ =	shalt  }
0x3f: {  	_ =	shalt  }
0x40: {  	_ =	shalt  }
0x41: {  	_ =	shalt  }
0x42: {  	_ =	shalt  }
0x43: {  	_ =	shalt  }
0x44: {  	_ =	shalt  }
0x45: {  	_ =	shalt  }
0x46: {  	_ =	shalt  }
0x47: {  	_ =	shalt  }
0x48: {  	_ =	shalt  }
0x49: {  	_ =	shalt  }
0x4a: {  	_ =	shalt  }
0x4b: {  	_ =	shalt  }
0x4c: {  	_ =	shalt  }
0x4d: {  	_ =	shalt  }
0x4e: {  	_ =	shalt  }
0x4f: {  	_ =	shalt  }
0x50: {  	_ =	shalt  }
0x51: {  	_ =	shalt  }
0x52: {  	_ =	shalt  }
0x53: {  	_ =	shalt  }
0x54: {  	_ =	shalt  }
0x55: {  	_ =	shalt  }
0x56: {  	_ =	shalt  }
0x57: {  	_ =	shalt  }
0x58: {  	_ =	shalt  }
0x59: {  	_ =	shalt  }
0x5a: {  	_ =	shalt  }
0x5b: {  	_ =	shalt  }
0x5c: {  	_ =	shalt  }
0x5d: {  	_ =	shalt  }
0x5e: {  	_ =	shalt  }
0x5f: {  	_ =	shalt  }
0x60: {  	_ =	shalt  }
0x61: {  	_ =	shalt  }
0x62: {  	_ =	shalt  }
0x63: {  	_ =	shalt  }
0x64: {  	_ =	shalt  }
0x65: {  	_ =	shalt  }
0x66: {  	_ =	shalt  }
0x67: {  	_ =	shalt  }
0x68: {  	_ =	shalt  }
0x69: {  	_ =	shalt  }
0x6a: {  	_ =	shalt  }
0x6b: {  	_ =	shalt  }
0x6c: {  	_ =	shalt  }
0x6d: {  	_ =	shalt  }
0x6e: {  	_ =	shalt  }
0x6f: {  	_ =	shalt  }
0x70: {  	_ =	shalt  }
0x71: {  	_ =	shalt  }
0x72: {  	_ =	shalt  }
0x73: {  	_ =	shalt  }
0x74: {  	_ =	shalt  }
0x75: {  	_ =	shalt  }
0x76: {  	_ =	shalt  }
0x77: {  	_ =	shalt  }
0x78: {  	_ =	shalt  }
0x79: {  	_ =	shalt  }
0x7a: {  	_ =	shalt  }
0x7b: {  	_ =	shalt  }
0x7c: {  	_ =	shalt  }
0x7d: {  	_ =	shalt  }
0x7e: {  	_ =	shalt  }
0x7f: {  	_ =	shalt  }
0x80: {  	_ =	shalt  }
0x81: {  	_ =	shalt  }
0x82: {  	_ =	shalt  }
0x83: {  	_ =	shalt  }
0x84: {  	_ =	shalt  }
0x85: {  	_ =	shalt  }
0x86: {  	_ =	shalt  }
0x87: {  	_ =	shalt  }
.Lfunc_end0:
.L_simem_size_0:
called_computation_lowered:
.L_overlay_start_0:
0x88: {  	s2 =	sld [smem:$0x3FD9]  }
0x89: {  	s3 =	sld [smem:$0x3FFE];
	_ =	sdelay $0x1  }
0x8a: {  	s1 =	srdreg.scid  }
0x8b: {  	s0 =	sand.u32 $0x1, s1  }
0x8c: {  	s16 =	sshll.u32 s0, $0xA;
	s2 =	sadd.s32 s3, s2  }
0x8d: {  	s2 =	sadd.s32 s2, s16  }
0x8e: {  	[smem:$0x3FBA] =	sst s2  }
0x8f: {  	_ = 	snop  }
0x90: {  	(tm) =	ssettm $0x1  }
0x91: {  	s17 =	sld [smem:$0x3FFB];
	_ =	sdelay $0x3  }
0x92: {  	_ =	strace s17  }
0x93: {  	s2 =	sld [smem:$0x3FFC];
	_ =	sdelay $0x3  }
0x94: {  	_ =	strace s2  }
0x95: {  	s2 =	sld [smem:$0x3FFD];
	_ =	sdelay $0x3  }
0x96: {  	_ =	strace s2  }
0x97: {  	_ =	strace $0x8FFFFFFF  }
0x98: {  	s18 =	sld [smem:$0x3FDB];
	_ =	sdelay $0x1  }
0x99: {  	s19 =	simm.s32 $_scs_section_size  }
0x9a: {  	s4 =	simm.s32 $_size__tile_overlayer_lowered;
	s5 =	simm.s32 $_tile_overlayer_lowered  }
0x9b: {  	s22 =	simm.s32 $0x1BFF;
	s21 =	sshll.u32 s5, $0x1;
	s2 =	sadd.s32 s19, s18  }
0x9c: {  	s6 =	simm.s32 $0x0;
	s20 =	sshll.u32 s4, $0x1;
	s4 =	sadd.s32 s21, s2  }
0x9d: {  	[timem:s6], [sflag:s22] =	dma.local [hbm:s4], s20  }
0x9e: {  	_ =	swait.ge [sflag:s22], s20  }
0x9f: {  	s3 =	ssub.s32 $0x0, s20;
	[sflag:s22] =	ssyncset.done $0x0  }
0xa0: {  	[sflag:s22] =	ssyncadd.s32 s3;
	_ =	sdelay $0x1  }
0xa1: {  	s23 =	simm.s32 $0x1B8B  }
0xa2: {  	_ =	swait.ge [sflag:s23], $0x1  }
0xa3: {  	[sflag:s23] =	ssyncset.done $0x0  }
0xa4: {  	s25 =	simm.s32 $0x1B8E;
	s24 =	sld [smem:$0x3FFE];
	[sflag:s23] =	ssyncadd.s32 $0xFFFFFFFF  }
0xa5: {  	s26 =	simm.s32 $execute0_lowered;
	[smem:$0x3FD2] =	sst s25  }
0xa6: {  	s4 =	sshll.u32 s26, $0x1;
	_ =	strace $0x80000046;
	[dreg:$0x1] =	wrdreg $0xFFFFFFFF  }
0xa7: {  	s28 =	simm.s32 $_size_execute0_lowered;
	s2 =	sadd.s32 s2, s4;
	[dreg:$0x0] =	wrdreg $0x0  }
0xa8: {  	s4 =	sshll.u32 s28, $0x1;
	[dreg:$0x2] =	wrdreg s2  }
0xa9: {  	[dreg:$0x3] =	wrdreg s4  }
0xaa: {  	[dreg:$0x4] =	wrdreg $0xC0  }
0xab: {  	_ =	task [dreg:s6], $0x5FFFF  }
0xac: {  	[dreg:$0x1] =	wrdreg $0xFFFFFFFF  }
0xad: {  	[dreg:$0x0] =	wrdreg $0x60  }
0xae: {  	[dreg:$0x2] =	wrdreg s24  }
0xaf: {  	[dreg:$0x3] =	wrdreg $0xA8E00  }
0xb0: {  	[dreg:$0x4] =	wrdreg $0xF7000  }
0xb1: {  	[dreg:$0x5] =	wrdreg $0x9  }
0xb2: {  	_ =	task.clear_ibuf [dreg:s6], $0x6FFFF;
	_ =	strace $0x90000046  }
0xb3: {  	s29 =	simm.s32 $0x9;
	_ =	strace $0x80000048  }
0xb4: {  	_ =	swait.ge [sflag:s29], $0x1  }
0xb5: {  	[sflag:s29] =	ssyncadd.s32 $0xFFFFFFFF  }
0xb6: {  	_ =	strace $0x90000048  }
0xb7: {  	_ =	sfence  }
0xb8: {  	s30 =	sld [smem:$0x0];
	_ =	sdelay $0x2  }
0xb9: {  	s31 =	sshll.u32 s1, $0xD;
	s1 =	sshrl.u32 s1, $0x2  }
0xba: {  	s3 =	sand.u32 $0x4000, s31;
	s1 =	sadd.s32 s1, s30  }
0xbb: {  	s0 =	sor.u32 s3, s0;
	s1 =	sshll.u32 s1, $0x11  }
0xbc: {  	s0 =	sor.u32 s1, s0  }
0xbd: {  	s0 =	sadd.s32 $0x8F2B, s0  }
0xbe: {  	[sflag:s0] =	ssyncadd.remote.s32 $0x1  }
0xbf: {  	_ =	sfence.sel $0xFFFF  }
0xc0: {  	[dreg:$0x0] =	wrdreg $0xFFFFFFFF;
	(pc) =	sbr.abs _section_cstart, $3  }
0xc1: {  	[dreg:$0x1] =	wrdreg $0xFFFFFFFF  }
0xc2: {  	_ =	task.clear_ibuf [dreg:s6], $0x2FFFF;
	_ =	strace $0x9FFFFFFF  }
0xc3: {  	(tm) =	ssettm $0x7FFFFFFF  }
tec
execute0_lowered:
.L_overlay_start_1:
0x0: {  	(tag) =	ssettag $0x1  }
0x1: {  	s5 =	rddreg [dreg:$0x0]  }
0x2: {  	s0 =	srdreg.scid;
	s1 =	rddreg [dreg:$0x1]  }
0x3: {  	s18 =	stileid.u32;
	s2 =	rddreg [dreg:$0x2]  }
0x4: {  	s3 =	simm.s32 $0x0;
	s21 =	simm.s32 $0x2710;
	s22 =	simm.s32 $0x50  }
0x5: {  	s23 =	simm.s32 $0x4E20;
	s24 =	simm.s32 $0x1;
	s25 =	simm.s32 $0x5820  }
0x6: {  	s7 =	sand.u32 $0x1, s0;
	s8 =	smul.u32 $0x4E00, s18;
	[smem:$0x7FF] =	sst s3  }
0x7: {  	s12 =	smul.u32 $0x270, s18;
	s4 =	sadd.s32 $0x18000, s5;
	s15 =	sadd.s32 $0x2C200, s5  }
0x8: {  	s16 =	sadd.s32 $0x3FC00, s5;
	p0 =	sne.s32 s18, $0x0;
	s0 =	sshll.u32 s7, $0x4  }
0x9: {  	s10 =	ssub.s32 $0x2, s7;
	s14 =	smul.u32 $0x2710, s7;
	s0 =	sor.u32 s18, s0  }
0xa: {  	s26 =	sshrl.u32 s8, $0x3;
	s9 =	sshrl.u32 s12, $0x3;
	s11 =	sshrl.u32 s10, $0x1  }
0xb: {  	s7 =	sadd.s32 s8, s1;
	s8 =	sadd.s32 s12, s2;
	s18 =	simm.s32 $0x5870  }
0xc: {  	s6 =	smul.u32 $0x4E2, s0;
	s0 =	rddreg [dreg:$0x3];
	_ =	strace $0x80000047  }
0xd: {  	s9 =	sadd.s32 s9, s5;
	s17 =	ssub.s32 s10, s11;
	s19 =	sadd.s32 s12, s14  }
0xe: {  	s10 =	sadd.s32 $0x2700, s2;
	s20 =	sadd.s32 $0x2700, s14;
	s28 =	sshll.u32 s19, $0x2  }
0xf: {  	s29 =	sshrl.u32 s19, $0x3;
	s30 =	sshll.u32 s20, $0x2;
	s31 =	sshrl.u32 s20, $0x3  }
0x10: {  	s17 =	smax.u32 s17, $0x1;
	s19 =	simm.s32 $0x2;
	s20 =	simm.s32 $0xA670  }
0x11: {  	s13 =	sadd.s32 s6, s5;
	s6 =	sadd.s32 s26, s5;
	s14 =	sadd.s32 s16, s29  }
0x12: {  	s16 =	sadd.s32 s16, s31;
	s26 =	simm.s32 $0x0;
	s5 =	sadd.s32 $0x21E00, s6  }
0x13: {  	s6 =	sadd.s32 $0x2BC00, s9;
	s9 =	sadd.s32 $0x4E000, s1;
	s11 =	sadd.s32 $0xE200, s13  }
0x14: {  	v0 =	vimm.f32 $1.000000000e+00;
	s12 =	sadd.s32 $0x4400, s13;
	s13 =	sadd.s32 s15, s28;
	s15 =	sadd.s32 s15, s30  }
.LBB2_1:
0x15: {  	[tilespmem:s18], [sflag:$0x2] =	stream.linear.gather [hbm4b:s5+s3], $0x4E00, $0x38;
	[tilespmem:$0xF978] =	vst v63  }
0x16: {  	_ =	swait.ge [sflag:s19], $0x4E00  }
0x17: {  	[sflag:s19] =	ssyncset.done $0x0  }
0x18: {  	[sflag:s19] =	ssyncadd.s32 $0xFFFFB200  }
0x19: {  	[tilespmem:s20], [sflag:$0x2] =	stream.linear.gather [hbm4b:s6+s3], $0x270, $0x38;
	[tilespmem:$0xF978] =	vst v63  }
0x1a: {  	_ =	swait.ge [sflag:s19], $0x270  }
0x1b: {  	[sflag:s19] =	ssyncset.done $0x0  }
0x1c: {  	[sflag:s19] =	ssyncadd.s32 $0xFFFFFD90  }
0x1d: {  	[spmem:s7] =	stream.linear.scatter [tilespmem:s18], [sflag:$0x2], $0x4E00, $0x38;
	[tilespmem:$0xF978] =	vst v63  }
0x1e: {  	_ =	swait.ge [sflag:s19], $0x4E00  }
0x1f: {  	[sflag:s19] =	ssyncset.done $0x0  }
0x20: {  	[sflag:s19] =	ssyncadd.s32 $0xFFFFB200  }
0x21: {  	[spmem:s8] =	stream.linear.scatter [tilespmem:s20], [sflag:$0x2], $0x270, $0x38;
	[tilespmem:$0xF978] =	vst v63  }
0x22: {  	_ =	swait.ge [sflag:s19], $0x270  }
0x23: {  	[sflag:s19] =	ssyncset.done $0x0  }
0x24: {  	s28 =	simm.s32 @!p0 $0x5870;
	[sflag:s19] =	ssyncadd.s32 $0xFFFFFD90  }
0x25: {  	[spmem:s9] =	stream.linear.scatter @!p0 [tilespmem:s28], [sflag:$0x2], $0x200, $0x38;
	[tilespmem:$0xF978] =	vst v63  }
0x26: {  	s28 =	simm.s32 @!p0 $0x2  }
0x27: {  	_ =	swait.ge @!p0 [sflag:s28], $0x200  }
0x28: {  	[sflag:s28] =	ssyncset.done @!p0 $0x0  }
0x29: {  	s29 =	simm.s32 @!p0 $0xA670;
	[sflag:s28] =	ssyncadd.s32 @!p0 $0xFFFFFE00  }
0x2a: {  	[spmem:s10] =	stream.linear.scatter @!p0 [tilespmem:s29], [sflag:$0x2], $0x10, $0x38;
	[tilespmem:$0xF978] =	vst v63  }
0x2b: {  	_ =	swait.ge @!p0 [sflag:s28], $0x10  }
0x2c: {  	[sflag:s28] =	ssyncset.done @!p0 $0x0  }
0x2d: {  	[sflag:s28] =	ssyncadd.s32 @!p0 $0xFFFFFFF0  }
0x2e: {  	[tilespmem:$0x5820] =	vst v0  }
0x2f: {  	[tilespmem:$0x5830] =	vst v0  }
0x30: {  	[tilespmem:$0x5840] =	vst v0  }
0x31: {  	[tilespmem:$0x5850] =	vst v0  }
0x32: {  	[tilespmem:$0x5860] =	vst v0  }
0x33: {  	[tilespmem:s3], [sflag:$0x2] =	stream.linear.gather [hbm4b:s11+s3], $0x2710, $0x38;
	[tilespmem:$0xF978] =	vst v63  }
0x34: {  	_ =	swait.ge [sflag:s19], $0x2710  }
0x35: {  	[sflag:s19] =	ssyncset.done $0x0  }
0x36: {  	[sflag:s19] =	ssyncadd.s32 $0xFFFFD8F0  }
0x37: {  	[tilespmem:s21], [sflag:$0x2] =	stream.linear.gather [hbm4b:s12+s3], $0x2710, $0x38;
	[tilespmem:$0xF978] =	vst v63  }
0x38: {  	_ =	swait.ge [sflag:s19], $0x2710  }
0x39: {  	[sflag:s19] =	ssyncset.done $0x0  }
0x3a: {  	[sflag:s19] =	ssyncadd.s32 $0xFFFFD8F0  }
0x3b: {  	s28 =	simm.s32 $0x0;
	[bflag:$0x0] =	sbarrier.arrive $0xFFFF  }
0x3c: {  	[tilespmem:s23], [sflag:$0x1] =	stream.indirect.gather [hbm4b:s4+s22], $0x20, s28, s22, $0xb8;
	[tilespmem:$0xF978] =	vst v63  }
0x3d: {  	_ =	swait.ge [sflag:s24], $0xA00  }
0x3e: {  	[sflag:s24] =	ssyncset.done $0x0  }
0x3f: {  	s28 =	simm.s32 $0x2710;
	[sflag:s24] =	ssyncadd.s32 $0xFFFFF600  }
0x40: {  	[spmem:s1] =	stream.indirect.scatter.add.f32 [tilespmem:s23], [sflag:$0x2], $0x20, s28, s22, $0xb8;
	[tilespmem:$0xF978] =	vst v63  }
0x41: {  	_ =	swait.ge [sflag:s19], $0xA00  }
0x42: {  	[sflag:s19] =	ssyncset.done $0x0  }
0x43: {  	[sflag:s19] =	ssyncadd.s32 $0xFFFFF600  }
0x44: {  	[spmem:s2] =	stream.indirect.scatter.add.f32 [tilespmem:s25], [sflag:$0x2], $0x1, s28, s22, $0xb8;
	[tilespmem:$0xF978] =	vst v63  }
0x45: {  	_ =	swait.ge [sflag:s19], $0x50  }
0x46: {  	s29 =	simm.s32 $0x280;
	s28 =	simm.s32 $0x140;
	[sflag:s19] =	ssyncset.done $0x0  }
.LBB2_2:
0x47: {  	s30 =	sshra.s32 s28, $0x2  }
0x48: {  	[sflag:s19] =	ssyncadd.s32 $0xFFFFFFB0;
	s28 =	smov.u32 s29;
	s31 =	sadd.s32 $0x140, s29  }
0x49: {  	[tilespmem:s23], [sflag:$0x1] =	stream.indirect.gather [hbm4b:s4+s22], $0x20, s30, s22, $0xb8;
	[tilespmem:$0xF978] =	vst v63  }
0x4a: {  	p1 =	sne.s32 s29, $0x9B00;
	_ =	swait.ge [sflag:s24], $0xA00  }
0x4b: {  	[sflag:s24] =	ssyncset.done $0x0  }
0x4c: {  	s29 =	sadd.s32 $0x2710, s30;
	[sflag:s24] =	ssyncadd.s32 $0xFFFFF600  }
0x4d: {  	[spmem:s1] =	stream.indirect.scatter.add.f32 [tilespmem:s23], [sflag:$0x2], $0x20, s29, s22, $0xb8;
	[tilespmem:$0xF978] =	vst v63  }
0x4e: {  	_ =	swait.ge [sflag:s19], $0xA00  }
.Ltmp0:
0x4f: {  	[sflag:s19] =	ssyncset.done $0x0;
	(pc) =	sbr.rel @p1 .LBB2_2-.Ltmp0, $4  }
0x50: {  	[sflag:s19] =	ssyncadd.s32 $0xFFFFF600  }
0x51: {  	[spmem:s2] =	stream.indirect.scatter.add.f32 [tilespmem:s25], [sflag:$0x2], $0x1, s29, s22, $0xb8;
	[tilespmem:$0xF978] =	vst v63  }
0x52: {  	_ =	swait.ge [sflag:s19], $0x50  }
0x53: {  	s29 =	smov.u32 s31;
	[sflag:s19] =	ssyncset.done $0x0  }
0x54: {  	s28 =	sshra.s32 s28, $0x2;
	[sflag:s19] =	ssyncadd.s32 $0xFFFFFFB0  }
0x55: {  	[tilespmem:s23], [sflag:$0x1] =	stream.indirect.gather [hbm4b:s4+s22], $0x20, s28, s22, $0xb8;
	[tilespmem:$0xF978] =	vst v63  }
0x56: {  	_ =	swait.ge [sflag:s24], $0xA00  }
0x57: {  	[sflag:s24] =	ssyncset.done $0x0  }
0x58: {  	s28 =	sadd.s32 $0x2710, s28;
	[sflag:s24] =	ssyncadd.s32 $0xFFFFF600  }
0x59: {  	[spmem:s1] =	stream.indirect.scatter.add.f32 [tilespmem:s23], [sflag:$0x2], $0x20, s28, s22, $0xb8;
	[tilespmem:$0xF978] =	vst v63  }
0x5a: {  	_ =	swait.ge [sflag:s19], $0xA00  }
0x5b: {  	[sflag:s19] =	ssyncset.done $0x0  }
0x5c: {  	[sflag:s19] =	ssyncadd.s32 $0xFFFFF600  }
0x5d: {  	[spmem:s2] =	stream.indirect.scatter.add.f32 [tilespmem:s25], [sflag:$0x2], $0x1, s28, s22, $0xb8;
	[tilespmem:$0xF978] =	vst v63  }
0x5e: {  	_ =	swait.ge [sflag:s19], $0x50  }
0x5f: {  	[sflag:s19] =	ssyncset.done $0x0  }
0x60: {  	[sflag:s19] =	ssyncadd.s32 $0xFFFFFFB0  }
0x61: {  	[bflag:$0x0] =	sbarrier.arrive $0xFFFF  }
0x62: {  	[tilespmem:s18], [sflag:$0x2] =	stream.linear.gather [spmem:s7], $0x4E00, $0x38;
	[tilespmem:$0xF978] =	vst v63  }
0x63: {  	_ =	swait.ge [sflag:s19], $0x4E00  }
0x64: {  	[sflag:s19] =	ssyncset.done $0x0  }
0x65: {  	[sflag:s19] =	ssyncadd.s32 $0xFFFFB200  }
0x66: {  	[tilespmem:s20], [sflag:$0x2] =	stream.linear.gather [spmem:s8], $0x270, $0x38;
	[tilespmem:$0xF978] =	vst v63  }
0x67: {  	_ =	swait.ge [sflag:s19], $0x270  }
0x68: {  	[sflag:s19] =	ssyncset.done $0x0  }
0x69: {  	[sflag:s19] =	ssyncadd.s32 $0xFFFFFD90  }
0x6a: {  	[hbm4b:s13+s3] =	stream.linear.scatter [tilespmem:s18], [sflag:$0x2], $0x4E00, $0x38;
	[tilespmem:$0xF978] =	vst v63  }
0x6b: {  	_ =	swait.ge [sflag:s19], $0x4E00  }
0x6c: {  	[sflag:s19] =	ssyncset.done $0x0  }
0x6d: {  	[sflag:s19] =	ssyncadd.s32 $0xFFFFB200  }
0x6e: {  	[hbm4b:s14+s3] =	stream.linear.scatter [tilespmem:s20], [sflag:$0x2], $0x270, $0x38;
	[tilespmem:$0xF978] =	vst v63  }
0x6f: {  	_ =	swait.ge [sflag:s19], $0x270  }
0x70: {  	[sflag:s19] =	ssyncset.done $0x0  }
0x71: {  	s29 =	simm.s32 @!p0 $0x2;
	s28 =	simm.s32 @!p0 $0x5870;
	[sflag:s19] =	ssyncadd.s32 $0xFFFFFD90  }
0x72: {  	[tilespmem:s28], [sflag:$0x2] =	stream.linear.gather @!p0 [spmem:s9], $0x200, $0x38;
	[tilespmem:$0xF978] =	vst v63  }
0x73: {  	_ =	swait.ge @!p0 [sflag:s29], $0x200  }
0x74: {  	[sflag:s29] =	ssyncset.done @!p0 $0x0  }
0x75: {  	s30 =	simm.s32 @!p0 $0xA670;
	[sflag:s29] =	ssyncadd.s32 @!p0 $0xFFFFFE00  }
0x76: {  	[tilespmem:s30], [sflag:$0x2] =	stream.linear.gather @!p0 [spmem:s10], $0x10, $0x38;
	[tilespmem:$0xF978] =	vst v63  }
0x77: {  	_ =	swait.ge @!p0 [sflag:s29], $0x10  }
0x78: {  	[sflag:s29] =	ssyncset.done @!p0 $0x0  }
0x79: {  	s31 =	simm.s32 @!p0 $0x0;
	[sflag:s29] =	ssyncadd.s32 @!p0 $0xFFFFFFF0  }
0x7a: {  	[hbm4b:s15+s31] =	stream.linear.scatter @!p0 [tilespmem:s28], [sflag:$0x2], $0x200, $0x38;
	[tilespmem:$0xF978] =	vst v63  }
0x7b: {  	s26 =	sadd.s32 $0x1, s26;
	_ =	swait.ge @!p0 [sflag:s29], $0x200  }
0x7c: {  	p1 =	sne.s32 s26, s17;
	[sflag:s29] =	ssyncset.done @!p0 $0x0  }
.Ltmp1:
0x7d: {  	[sflag:s29] =	ssyncadd.s32 @!p0 $0xFFFFFE00;
	(pc) =	sbr.rel @p1 .LBB2_1-.Ltmp1, $4  }
0x7e: {  	[hbm4b:s16+s31] =	stream.linear.scatter @!p0 [tilespmem:s30], [sflag:$0x2], $0x10, $0x38;
	[tilespmem:$0xF978] =	vst v63  }
0x7f: {  	_ =	swait.ge @!p0 [sflag:s29], $0x10  }
0x80: {  	[sflag:s29] =	ssyncset.done @!p0 $0x0  }
0x81: {  	[sflag:s29] =	ssyncadd.s32 @!p0 $0xFFFFFFF0  }
0x82: {  	_ =	sfence.sel $0x180000  }
0x83: {  	[bflag:$0x0] =	sbarrier.arrive $0xFFFF  }
0x84: {  	_ =	strace $0x90000047  }
0x85: {  	s0 =	sadd.s32 @!p0 $0x100000, s0;
	[bflag:$0x2] =	sbarrier.arrive $0xFFFF  }
0x86: {  	[sflag:s0] =	ssyncadd.tile.s32 @!p0 $0x1;
	_ =	shalt  }
.Lfunc_end2:
_tile_overlayer_lowered:
.L_overlay_start_2:
0x87: {  	(tag) =	ssettag $0x2  }
0x88: {  	s0 =	rddreg [dreg:$0x0];
	s2 =	stileid.u32  }
0x89: {  	s1 =	rddreg [dreg:$0x1];
	p0 =	sne.s32 s2, $0x0  }
0x8a: {  	s3 =	rddreg [dreg:$0x2];
	[bflag:$0x3] =	sbarrier.arrive $0xFFFF;
	s2 =	simm.s32 @!p0 $0x1C02  }
0x8b: {  	[timem:s3], [sflag:s2] =	dma.local @!p0 [hbm:s0], s1  }
0x8c: {  	s0 =	simm.s32 @!p0 $0x2  }
0x8d: {  	_ =	swait.ge @!p0 [sflag:s0], s1  }
0x8e: {  	s1 =	ssub.s32 @!p0 $0x0, s1;
	[sflag:s0] =	ssyncset.done @!p0 $0x0  }
0x8f: {  	[sflag:s0] =	ssyncadd.s32 @!p0 s1  }
0x90: {  	[bflag:$0x3] =	sbarrier.arrive $0xFFFF  }
0x91: {  	_ =	shalt  }

// kernel: kernel.15.cloned.1.call-start
scs
__scs_entry_jumppad:
0x0: {  	(pc) =	sbr.rel $0x88, $3  }
0x1: {  	(tag) =	ssettag $0x0;
	lr =	simm.s32 $0x1  }
0x2: {  	[smem:$0x3F93] =	sst lr;
	_ =	strace $0xD0000000  }
0x3: {  	_ = 	snop  }
0x4: {  	_ = 	snop  }
0x5: {  	_ = 	snop  }
0x6: {  	_ = 	snop  }
0x7: {  	_ = 	snop  }
__scs_overlays_trampoline_lowered:
0x8: {  	[smem:$0x3FA2] =	sst s0  }
0x9: {  	[smem:$0x3FA3] =	sst s1  }
0xa: {  	[smem:$0x3FA4] =	sst s2  }
0xb: {  	[smem:$0x3FA5] =	sst s3  }
0xc: {  	[smem:$0x3FA6] =	sst s4  }
0xd: {  	[smem:$0x3FA7] =	sst s5  }
0xe: {  	[smem:$0x3FA8] =	sst s6  }
0xf: {  	[smem:$0x3FA9] =	sst s7  }
0x10: {  	[smem:$0x3FAA] =	sst s8  }
0x11: {  	[smem:$0x3FAB] =	sst s9;
	s0 =	simm.s32 @!p0 $0x0  }
0x12: {  	s1 =	sld [smem:$0x3F91];
	s0 =	simm.s32 @p0 $0x1  }
0x13: {  	[smem:$0x3FAC] =	sst s0;
	s0 =	simm.s32 @!p1 $0x0  }
0x14: {  	s2 =	sld [smem:$0x3F90];
	s0 =	simm.s32 @p1 $0x1  }
0x15: {  	[smem:$0x3FAD] =	sst s0;
	s0 =	simm.s32 @!p2 $0x0  }
0x16: {  	s3 =	sld [smem:$0x3FDB];
	s0 =	simm.s32 @p2 $0x1  }
0x17: {  	s4 =	simm.s32 $0x1BF5;
	[smem:$0x3FAF] =	sst s0  }
0x18: {  	s0 =	sld [smem:$0x3F92];
	_ =	swait.ge [sflag:s4], $0x0  }
0x19: {  	s7 =	sld [smem:$0x3F93]  }
0x1a: {  	s8 =	sadd.s32 $0xFFFFE003, lr  }
0x1b: {  	s9 =	sadd.s32 $0xFFFFFEF7, lr;
	s5 =	simm.s32 $0xFFFFFFFF;
	p2 =	slt.u32 s8, $0xFFFFF086  }
0x1c: {  	p1 =	slt.u32 s9, $0xF7A;
	s5 =	simm.s32 @!p2 $0x0  }
0x1d: {  	s5 =	simm.s32 @p1 $0x1;
	p0 =	seq.s32 s7, s2  }
0x1e: {  	s7 =	smul.u32 @!p0 $0xF7A, s2;
	p2 =	seq.s32 @!p0 s5, $0x0  }
0x1f: {  	s9 =	smul.u32 $0xF7A, s1;
	s8 =	simm.s32 @!p0 $0x1BF5;
	p2 =	por !p2, p0  }
0x20: {  	[sflag:s8] =	ssyncset.s32 @!p0 $0xFFFFF086;
	s6 =	sadd.s32 @!p0 s3, s7;
	s7 =	simm.s32 @!p0 $0x108  }
0x21: {  	s3 =	sadd.s32 s3, s9;
	s6 =	sadd.s32 @!p0 $0x88, s6;
	s7 =	simm.s32 @p2 $0x1082  }
0x22: {  	[simem:s7], [sflag:s8] =	dma.local @!p0 [hbm:s6], $0xF7A  }
0x23: {  	s9 =	sor.u32 $0xD0000000, s2;
	s6 =	simm.s32 $0x108;
	_ =	swait.ge @!p0 [sflag:s8], $0x0  }
0x24: {  	s3 =	sadd.s32 $0x88, s3;
	s6 =	simm.s32 @!p1 $0x1082;
	[sflag:s4] =	ssyncset.s32 $0xFFFFF086  }
0x25: {  	[simem:s6], [sflag:s4] =	dma.local [hbm:s3], $0xF7A  }
0x26: {  	[smem:$0x3F93] =	sst s1;
	(tag) =	ssettag s2;
	_ =	strace s9  }
0x27: {  	s1 =	sld [smem:$0x3FA3]  }
0x28: {  	s2 =	sld [smem:$0x3FA4]  }
0x29: {  	s4 =	sld [smem:$0x3FA6]  }
0x2a: {  	p0 =	seq.s32 s5, $0x0;
	s5 =	sld [smem:$0x3FA7]  }
0x2b: {  	s6 =	sld [smem:$0x3FA8]  }
0x2c: {  	s7 =	sld [smem:$0x3FA9]  }
0x2d: {  	s3 =	simm.s32 $0x108;
	s8 =	sld [smem:$0x3FAA]  }
0x2e: {  	s3 =	simm.s32 @!p0 $0x1082;
	s9 =	sld [smem:$0x3FAB]  }
0x2f: {  	lr =	sadd.s32 s0, s3;
	s0 =	sld [smem:$0x3FA2]  }
0x30: {  	s3 =	sld [smem:$0x3FA5]  }
0x31: {  	[smem:$0x3FAE] =	sst s10  }
0x32: {  	s10 =	sld [smem:$0x3FAC];
	_ =	sdelay $0x3  }
0x33: {  	p0 =	seq.s32 s10, $0x1;
	s10 =	sld [smem:$0x3FAE];
	_ =	sdelay $0x3  }
0x34: {  	[smem:$0x3FAE] =	sst s10  }
0x35: {  	s10 =	sld [smem:$0x3FAD];
	_ =	sdelay $0x3  }
0x36: {  	p1 =	seq.s32 s10, $0x1;
	s10 =	sld [smem:$0x3FAE];
	_ =	sdelay $0x3  }
0x37: {  	[smem:$0x3FAE] =	sst s10  }
0x38: {  	s10 =	sld [smem:$0x3FAF]  }
0x39: {  	_ = 	snop;
	(pc) =	sbr.ind lr, $3  }
0x3a: {  	_ = 	snop  }
0x3b: {  	_ = 	snop  }
0x3c: {  	p2 =	seq.s32 s10, $0x1;
	s10 =	sld [smem:$0x3FAE]  }
0x3d: {  	_ =	shalt  }
0x3e: {  	_ =	shalt  }
0x3f: {  	_ =	shalt  }
0x40: {  	_ =	shalt  }
0x41: {  	_ =	shalt  }
0x42: {  	_ =	shalt  }
0x43: {  	_ =	shalt  }
0x44: {  	_ =	shalt  }
0x45: {  	_ =	shalt  }
0x46: {  	_ =	shalt  }
0x47: {  	_ =	shalt  }
0x48: {  	_ =	shalt  }
0x49: {  	_ =	shalt  }
0x4a: {  	_ =	shalt  }
0x4b: {  	_ =	shalt  }
0x4c: {  	_ =	shalt  }
0x4d: {  	_ =	shalt  }
0x4e: {  	_ =	shalt  }
0x4f: {  	_ =	shalt  }
0x50: {  	_ =	shalt  }
0x51: {  	_ =	shalt  }
0x52: {  	_ =	shalt  }
0x53: {  	_ =	shalt  }
0x54: {  	_ =	shalt  }
0x55: {  	_ =	shalt  }
0x56: {  	_ =	shalt  }
0x57: {  	_ =	shalt  }
0x58: {  	_ =	shalt  }
0x59: {  	_ =	shalt  }
0x5a: {  	_ =	shalt  }
0x5b: {  	_ =	shalt  }
0x5c: {  	_ =	shalt  }
0x5d: {  	_ =	shalt  }
0x5e: {  	_ =	shalt  }
0x5f: {  	_ =	shalt  }
0x60: {  	_ =	shalt  }
0x61: {  	_ =	shalt  }
0x62: {  	_ =	shalt  }
0x63: {  	_ =	shalt  }
0x64: {  	_ =	shalt  }
0x65: {  	_ =	shalt  }
0x66: {  	_ =	shalt  }
0x67: {  	_ =	shalt  }
0x68: {  	_ =	shalt  }
0x69: {  	_ =	shalt  }
0x6a: {  	_ =	shalt  }
0x6b: {  	_ =	shalt  }
0x6c: {  	_ =	shalt  }
0x6d: {  	_ =	shalt  }
0x6e: {  	_ =	shalt  }
0x6f: {  	_ =	shalt  }
0x70: {  	_ =	shalt  }
0x71: {  	_ =	shalt  }
0x72: {  	_ =	shalt  }
0x73: {  	_ =	shalt  }
0x74: {  	_ =	shalt  }
0x75: {  	_ =	shalt  }
0x76: {  	_ =	shalt  }
0x77: {  	_ =	shalt  }
0x78: {  	_ =	shalt  }
0x79: {  	_ =	shalt  }
0x7a: {  	_ =	shalt  }
0x7b: {  	_ =	shalt  }
0x7c: {  	_ =	shalt  }
0x7d: {  	_ =	shalt  }
0x7e: {  	_ =	shalt  }
0x7f: {  	_ =	shalt  }
0x80: {  	_ =	shalt  }
0x81: {  	_ =	shalt  }
0x82: {  	_ =	shalt  }
0x83: {  	_ =	shalt  }
0x84: {  	_ =	shalt  }
0x85: {  	_ =	shalt  }
0x86: {  	_ =	shalt  }
0x87: {  	_ =	shalt  }
.Lfunc_end0:
.L_simem_size_0:
called_computation.1_lowered:
.L_overlay_start_0:
0x88: {  	s2 =	sld [smem:$0x3FD9]  }
0x89: {  	s3 =	sld [smem:$0x3FFE];
	_ =	sdelay $0x1  }
0x8a: {  	s1 =	srdreg.scid  }
0x8b: {  	s0 =	sand.u32 $0x1, s1  }
0x8c: {  	s16 =	sshll.u32 s0, $0xA;
	s2 =	sadd.s32 s3, s2  }
0x8d: {  	s2 =	sadd.s32 s2, s16  }
0x8e: {  	[smem:$0x3FBA] =	sst s2  }
0x8f: {  	_ = 	snop  }
0x90: {  	(tm) =	ssettm $0x1  }
0x91: {  	s17 =	sld [smem:$0x3FFB];
	_ =	sdelay $0x3  }
0x92: {  	_ =	strace s17  }
0x93: {  	s2 =	sld [smem:$0x3FFC];
	_ =	sdelay $0x3  }
0x94: {  	_ =	strace s2  }
0x95: {  	s2 =	sld [smem:$0x3FFD];
	_ =	sdelay $0x3  }
0x96: {  	_ =	strace s2  }
0x97: {  	_ =	strace $0x8FFFFFFF  }
0x98: {  	s18 =	sld [smem:$0x3FDB];
	_ =	sdelay $0x1  }
0x99: {  	s19 =	simm.s32 $_scs_section_size  }
0x9a: {  	s4 =	simm.s32 $_size__tile_overlayer_lowered;
	s5 =	simm.s32 $_tile_overlayer_lowered  }
0x9b: {  	s22 =	simm.s32 $0x1BFF;
	s21 =	sshll.u32 s5, $0x1;
	s2 =	sadd.s32 s19, s18  }
0x9c: {  	s6 =	simm.s32 $0x0;
	s20 =	sshll.u32 s4, $0x1;
	s4 =	sadd.s32 s21, s2  }
0x9d: {  	[timem:s6], [sflag:s22] =	dma.local [hbm:s4], s20  }
0x9e: {  	_ =	swait.ge [sflag:s22], s20  }
0x9f: {  	s3 =	ssub.s32 $0x0, s20;
	[sflag:s22] =	ssyncset.done $0x0  }
0xa0: {  	[sflag:s22] =	ssyncadd.s32 s3;
	_ =	sdelay $0x1  }
0xa1: {  	s23 =	simm.s32 $0x1B8B  }
0xa2: {  	_ =	swait.ge [sflag:s23], $0x1  }
0xa3: {  	[sflag:s23] =	ssyncset.done $0x0  }
0xa4: {  	s25 =	simm.s32 $0x1B8E;
	s24 =	sld [smem:$0x3FFE];
	[sflag:s23] =	ssyncadd.s32 $0xFFFFFFFF  }
0xa5: {  	s26 =	simm.s32 $execute0_lowered;
	[smem:$0x3FD2] =	sst s25  }
0xa6: {  	s4 =	sshll.u32 s26, $0x1;
	_ =	strace $0x80000049;
	[dreg:$0x1] =	wrdreg $0xFFFFFFFF  }
0xa7: {  	s28 =	simm.s32 $_size_execute0_lowered;
	s2 =	sadd.s32 s2, s4;
	[dreg:$0x0] =	wrdreg $0x0  }
0xa8: {  	s4 =	sshll.u32 s28, $0x1;
	[dreg:$0x2] =	wrdreg s2  }
0xa9: {  	[dreg:$0x3] =	wrdreg s4  }
0xaa: {  	[dreg:$0x4] =	wrdreg $0xC0  }
0xab: {  	_ =	task [dreg:s6], $0x5FFFF  }
0xac: {  	[dreg:$0x1] =	wrdreg $0xFFFFFFFF  }
0xad: {  	[dreg:$0x0] =	wrdreg $0x60  }
0xae: {  	[dreg:$0x2] =	wrdreg s24  }
0xaf: {  	[dreg:$0x3] =	wrdreg $0xA6200  }
0xb0: {  	[dreg:$0x4] =	wrdreg $0x9  }
0xb1: {  	_ =	task.clear_ibuf [dreg:s6], $0x5FFFF;
	_ =	strace $0x90000049  }
0xb2: {  	s29 =	simm.s32 $0x9;
	_ =	strace $0x8000004B  }
0xb3: {  	_ =	swait.ge [sflag:s29], $0x1  }
0xb4: {  	[sflag:s29] =	ssyncadd.s32 $0xFFFFFFFF  }
0xb5: {  	_ =	strace $0x9000004B  }
0xb6: {  	_ =	sfence  }
0xb7: {  	s30 =	sld [smem:$0x0];
	_ =	sdelay $0x2  }
0xb8: {  	s31 =	sshll.u32 s1, $0xD;
	s1 =	sshrl.u32 s1, $0x2  }
0xb9: {  	s3 =	sand.u32 $0x4000, s31;
	s1 =	sadd.s32 s1, s30  }
0xba: {  	s0 =	sor.u32 s3, s0;
	s1 =	sshll.u32 s1, $0x11  }
0xbb: {  	s0 =	sor.u32 s1, s0  }
0xbc: {  	s0 =	sadd.s32 $0x8F2B, s0  }
0xbd: {  	[sflag:s0] =	ssyncadd.remote.s32 $0x1  }
0xbe: {  	_ =	sfence.sel $0xFFFF  }
0xbf: {  	[dreg:$0x0] =	wrdreg $0xFFFFFFFF;
	(pc) =	sbr.abs _section_cstart, $3  }
0xc0: {  	[dreg:$0x1] =	wrdreg $0xFFFFFFFF  }
0xc1: {  	_ =	task.clear_ibuf [dreg:s6], $0x2FFFF;
	_ =	strace $0x9FFFFFFF  }
0xc2: {  	(tm) =	ssettm $0x7FFFFFFF  }
0xc3: {  	_ =	shalt  }
tec
execute0_lowered:
.L_overlay_start_1:
0x0: {  	(tag) =	ssettag $0x1  }
0x1: {  	s0 =	srdreg.scid;
	s4 =	rddreg [dreg:$0x0]  }
0x2: {  	s12 =	stileid.u32;
	s1 =	rddreg [dreg:$0x1]  }
0x3: {  	s2 =	simm.s32 $0x0;
	s15 =	simm.s32 $0x50;
	s16 =	simm.s32 $0x4E20  }
0x4: {  	s17 =	simm.s32 $0x1;
	s18 =	simm.s32 $0x0;
	s7 =	smul.u32 $0x4E00, s12  }
0x5: {  	s5 =	sand.u32 $0x1, s0;
	[smem:$0x7FF] =	sst s2;
	s10 =	smul.u32 $0x9C0, s12  }
0x6: {  	s11 =	sadd.s32 $0x53400, s4;
	p0 =	sne.s32 s12, $0x0;
	s13 =	smul.u32 $0x4E200, s5  }
0x7: {  	s0 =	sshll.u32 s5, $0x4;
	s9 =	ssub.s32 $0x2, s5;
	s30 =	smul.u32 $0x9C40, s5  }
0x8: {  	s3 =	sor.u32 s12, s0;
	s0 =	rddreg [dreg:$0x2];
	_ =	strace $0x8000004A  }
0x9: {  	s28 =	sshrl.u32 s7, $0x3;
	s29 =	sshrl.u32 s9, $0x1;
	s5 =	sadd.s32 s7, s1  }
0xa: {  	s12 =	simm.s32 $0x5820;
	s6 =	smul.u32 $0x4E2, s3;
	s3 =	sadd.s32 $0x18000, s4  }
0xb: {  	s14 =	ssub.s32 s9, s29;
	s13 =	sshrl.u32 s13, $0x3;
	s9 =	sadd.s32 s10, s30  }
0xc: {  	s31 =	sadd.s32 s11, s13;
	s9 =	sadd.s32 s11, s9;
	s11 =	smax.u32 s14, $0x1  }
0xd: {  	s13 =	simm.s32 $0x2;
	s8 =	sadd.s32 s6, s4;
	s6 =	sadd.s32 s28, s4  }
0xe: {  	s14 =	simm.s32 $0x2710;
	s10 =	sadd.s32 $0x9C00, s31;
	s4 =	sadd.s32 $0x21E00, s6  }
0xf: {  	s6 =	sadd.s32 $0x4E000, s1;
	s7 =	sadd.s32 $0xE200, s8;
	s8 =	sadd.s32 $0x4400, s8  }
.LBB2_1:
0x10: {  	[tilespmem:s12], [sflag:$0x2] =	stream.linear.gather [hbm4b:s4+s2], $0x4E00, $0x38;
	[tilespmem:$0xF440] =	vst v63  }
0x11: {  	_ =	swait.ge [sflag:s13], $0x4E00  }
0x12: {  	[sflag:s13] =	ssyncset.done $0x0  }
0x13: {  	[sflag:s13] =	ssyncadd.s32 $0xFFFFB200  }
0x14: {  	[spmem:s5] =	stream.linear.scatter [tilespmem:s12], [sflag:$0x2], $0x4E00, $0x38;
	[tilespmem:$0xF440] =	vst v63  }
0x15: {  	_ =	swait.ge [sflag:s13], $0x4E00  }
0x16: {  	[sflag:s13] =	ssyncset.done $0x0  }
0x17: {  	s19 =	simm.s32 @!p0 $0x5820;
	[sflag:s13] =	ssyncadd.s32 $0xFFFFB200  }
0x18: {  	[spmem:s6] =	stream.linear.scatter @!p0 [tilespmem:s19], [sflag:$0x2], $0x200, $0x38;
	[tilespmem:$0xF440] =	vst v63  }
0x19: {  	s19 =	simm.s32 @!p0 $0x2  }
0x1a: {  	_ =	swait.ge @!p0 [sflag:s19], $0x200  }
0x1b: {  	[sflag:s19] =	ssyncset.done @!p0 $0x0  }
0x1c: {  	[sflag:s19] =	ssyncadd.s32 @!p0 $0xFFFFFE00  }
0x1d: {  	[tilespmem:s2], [sflag:$0x2] =	stream.linear.gather [hbm4b:s7+s2], $0x2710, $0x38;
	[tilespmem:$0xF440] =	vst v63  }
0x1e: {  	_ =	swait.ge [sflag:s13], $0x2710  }
0x1f: {  	[sflag:s13] =	ssyncset.done $0x0  }
0x20: {  	[sflag:s13] =	ssyncadd.s32 $0xFFFFD8F0  }
0x21: {  	[tilespmem:s14], [sflag:$0x2] =	stream.linear.gather [hbm4b:s8+s2], $0x2710, $0x38;
	[tilespmem:$0xF440] =	vst v63  }
0x22: {  	_ =	swait.ge [sflag:s13], $0x2710  }
0x23: {  	[sflag:s13] =	ssyncset.done $0x0  }
0x24: {  	[sflag:s13] =	ssyncadd.s32 $0xFFFFD8F0  }
0x25: {  	s30 =	simm.s32 $0x0;
	[bflag:$0x0] =	sbarrier.arrive $0xFFFF  }
0x26: {  	[tilespmem:s16], [sflag:$0x1] =	stream.indirect.gather [hbm4b:s3+s15], $0x20, s30, s15, $0xb8;
	[tilespmem:$0xF440] =	vst v63  }
0x27: {  	_ =	swait.ge [sflag:s17], $0xA00  }
0x28: {  	[sflag:s17] =	ssyncset.done $0x0  }
0x29: {  	s31 =	simm.s32 $0x2710;
	[sflag:s17] =	ssyncadd.s32 $0xFFFFF600  }
0x2a: {  	[spmem:s1] =	stream.indirect.scatter.add.f32 [tilespmem:s16], [sflag:$0x2], $0x20, s31, s15, $0xb8;
	[tilespmem:$0xF440] =	vst v63  }
0x2b: {  	_ =	swait.ge [sflag:s13], $0xA00  }
0x2c: {  	s20 =	simm.s32 $0x280;
	s19 =	simm.s32 $0x140;
	[sflag:s13] =	ssyncset.done $0x0  }
.LBB2_2:
0x2d: {  	s21 =	sshra.s32 s19, $0x2  }
0x2e: {  	[sflag:s13] =	ssyncadd.s32 $0xFFFFF600;
	s19 =	smov.u32 s20;
	s22 =	sadd.s32 $0x140, s20  }
0x2f: {  	[tilespmem:s16], [sflag:$0x1] =	stream.indirect.gather [hbm4b:s3+s15], $0x20, s21, s15, $0xb8;
	[tilespmem:$0xF440] =	vst v63  }
0x30: {  	p1 =	sne.s32 s20, $0x9B00;
	_ =	swait.ge [sflag:s17], $0xA00  }
.Ltmp0:
0x31: {  	[sflag:s17] =	ssyncset.done $0x0;
	(pc) =	sbr.rel @p1 .LBB2_2-.Ltmp0, $4  }
0x32: {  	s20 =	sadd.s32 $0x2710, s21;
	[sflag:s17] =	ssyncadd.s32 $0xFFFFF600  }
0x33: {  	[spmem:s1] =	stream.indirect.scatter.add.f32 [tilespmem:s16], [sflag:$0x2], $0x20, s20, s15, $0xb8;
	[tilespmem:$0xF440] =	vst v63  }
0x34: {  	_ =	swait.ge [sflag:s13], $0xA00  }
0x35: {  	s20 =	smov.u32 s22;
	[sflag:s13] =	ssyncset.done $0x0  }
0x36: {  	s19 =	sshra.s32 s19, $0x2;
	[sflag:s13] =	ssyncadd.s32 $0xFFFFF600  }
0x37: {  	[tilespmem:s16], [sflag:$0x1] =	stream.indirect.gather [hbm4b:s3+s15], $0x20, s19, s15, $0xb8;
	[tilespmem:$0xF440] =	vst v63  }
0x38: {  	_ =	swait.ge [sflag:s17], $0xA00  }
0x39: {  	[sflag:s17] =	ssyncset.done $0x0  }
0x3a: {  	s19 =	sadd.s32 $0x2710, s19;
	[sflag:s17] =	ssyncadd.s32 $0xFFFFF600  }
0x3b: {  	[spmem:s1] =	stream.indirect.scatter.add.f32 [tilespmem:s16], [sflag:$0x2], $0x20, s19, s15, $0xb8;
	[tilespmem:$0xF440] =	vst v63  }
0x3c: {  	_ =	swait.ge [sflag:s13], $0xA00  }
0x3d: {  	[sflag:s13] =	ssyncset.done $0x0  }
0x3e: {  	[sflag:s13] =	ssyncadd.s32 $0xFFFFF600  }
0x3f: {  	[bflag:$0x0] =	sbarrier.arrive $0xFFFF  }
0x40: {  	[tilespmem:s12], [sflag:$0x2] =	stream.linear.gather [spmem:s5], $0x4E00, $0x38;
	[tilespmem:$0xF440] =	vst v63  }
0x41: {  	_ =	swait.ge [sflag:s13], $0x4E00  }
0x42: {  	[sflag:s13] =	ssyncset.done $0x0  }
0x43: {  	[sflag:s13] =	ssyncadd.s32 $0xFFFFB200  }
0x44: {  	[hbm4b:s9+s2] =	stream.linear.scatter [tilespmem:s12], [sflag:$0x2], $0x4E00, $0x38;
	[tilespmem:$0xF440] =	vst v63  }
0x45: {  	_ =	swait.ge [sflag:s13], $0x4E00  }
0x46: {  	[sflag:s13] =	ssyncset.done $0x0  }
0x47: {  	s20 =	simm.s32 @!p0 $0x2;
	s19 =	simm.s32 @!p0 $0x5820;
	[sflag:s13] =	ssyncadd.s32 $0xFFFFB200  }
0x48: {  	[tilespmem:s19], [sflag:$0x2] =	stream.linear.gather @!p0 [spmem:s6], $0x200, $0x38;
	[tilespmem:$0xF440] =	vst v63  }
0x49: {  	s18 =	sadd.s32 $0x1, s18;
	_ =	swait.ge @!p0 [sflag:s20], $0x200  }
0x4a: {  	p1 =	sne.s32 s18, s11;
	[sflag:s20] =	ssyncset.done @!p0 $0x0  }
.Ltmp1:
0x4b: {  	s21 =	simm.s32 @!p0 $0x0;
	[sflag:s20] =	ssyncadd.s32 @!p0 $0xFFFFFE00;
	(pc) =	sbr.rel @p1 .LBB2_1-.Ltmp1, $4  }
0x4c: {  	[hbm4b:s10+s21] =	stream.linear.scatter @!p0 [tilespmem:s19], [sflag:$0x2], $0x200, $0x38;
	[tilespmem:$0xF440] =	vst v63  }
0x4d: {  	_ =	swait.ge @!p0 [sflag:s20], $0x200  }
0x4e: {  	[sflag:s20] =	ssyncset.done @!p0 $0x0  }
0x4f: {  	[sflag:s20] =	ssyncadd.s32 @!p0 $0xFFFFFE00  }
0x50: {  	_ =	sfence.sel $0x180000  }
0x51: {  	[bflag:$0x0] =	sbarrier.arrive $0xFFFF  }
0x52: {  	_ =	strace $0x9000004A  }
0x53: {  	s0 =	sadd.s32 @!p0 $0x100000, s0;
	[bflag:$0x2] =	sbarrier.arrive $0xFFFF  }
0x54: {  	[sflag:s0] =	ssyncadd.tile.s32 @!p0 $0x1;
	_ =	shalt  }
.Lfunc_end2:
_tile_overlayer_lowered:
.L_overlay_start_2:
0x55: {  	(tag) =	ssettag $0x2  }
0x56: {  	s0 =	rddreg [dreg:$0x0];
	s2 =	stileid.u32  }
0x57: {  	s1 =	rddreg [dreg:$0x1];
	p0 =	sne.s32 s2, $0x0  }
0x58: {  	s3 =	rddreg [dreg:$0x2];
	[bflag:$0x3] =	sbarrier.arrive $0xFFFF;
	s2 =	simm.s32 @!p0 $0x1C02  }
0x59: {  	[timem:s3], [sflag:s2] =	dma.local @!p0 [hbm:s0], s1  }
0x5a: {  	s0 =	simm.s32 @!p0 $0x2  }
0x5b: {  	_ =	swait.ge @!p0 [sflag:s0], s1  }
0x5c: {  	s1 =	ssub.s32 @!p0 $0x0, s1;
	[sflag:s0] =	ssyncset.done @!p0 $0x0  }
0x5d: {  	[sflag:s0] =	ssyncadd.s32 @!p0 s1  }
0x5e: {  	[bflag:$0x3] =	sbarrier.arrive $0xFFFF  }
0x5f: {  	_ =	shalt  }

// kernel: kernel.18.cloned.1.call-start
scs
__scs_entry_jumppad:
0x0: {  	(pc) =	sbr.rel $0x88, $3  }
0x1: {  	(tag) =	ssettag $0x0;
	lr =	simm.s32 $0x1  }
0x2: {  	[smem:$0x3F93] =	sst lr;
	_ =	strace $0xD0000000  }
0x3: {  	_ = 	snop  }
0x4: {  	_ = 	snop  }
0x5: {  	_ = 	snop  }
0x6: {  	_ = 	snop  }
0x7: {  	_ = 	snop  }
__scs_overlays_trampoline_lowered:
0x8: {  	[smem:$0x3FA2] =	sst s0  }
0x9: {  	[smem:$0x3FA3] =	sst s1  }
0xa: {  	[smem:$0x3FA4] =	sst s2  }
0xb: {  	[smem:$0x3FA5] =	sst s3  }
0xc: {  	[smem:$0x3FA6] =	sst s4  }
0xd: {  	[smem:$0x3FA7] =	sst s5  }
0xe: {  	[smem:$0x3FA8] =	sst s6  }
0xf: {  	[smem:$0x3FA9] =	sst s7  }
0x10: {  	[smem:$0x3FAA] =	sst s8  }
0x11: {  	[smem:$0x3FAB] =	sst s9;
	s0 =	simm.s32 @!p0 $0x0  }
0x12: {  	s1 =	sld [smem:$0x3F91];
	s0 =	simm.s32 @p0 $0x1  }
0x13: {  	[smem:$0x3FAC] =	sst s0;
	s0 =	simm.s32 @!p1 $0x0  }
0x14: {  	s2 =	sld [smem:$0x3F90];
	s0 =	simm.s32 @p1 $0x1  }
0x15: {  	[smem:$0x3FAD] =	sst s0;
	s0 =	simm.s32 @!p2 $0x0  }
0x16: {  	s3 =	sld [smem:$0x3FDB];
	s0 =	simm.s32 @p2 $0x1  }
0x17: {  	s4 =	simm.s32 $0x1BF5;
	[smem:$0x3FAF] =	sst s0  }
0x18: {  	s0 =	sld [smem:$0x3F92];
	_ =	swait.ge [sflag:s4], $0x0  }
0x19: {  	s7 =	sld [smem:$0x3F93]  }
0x1a: {  	s8 =	sadd.s32 $0xFFFFE003, lr  }
0x1b: {  	s9 =	sadd.s32 $0xFFFFFEF7, lr;
	s5 =	simm.s32 $0xFFFFFFFF;
	p2 =	slt.u32 s8, $0xFFFFF086  }
0x1c: {  	p1 =	slt.u32 s9, $0xF7A;
	s5 =	simm.s32 @!p2 $0x0  }
0x1d: {  	s5 =	simm.s32 @p1 $0x1;
	p0 =	seq.s32 s7, s2  }
0x1e: {  	s7 =	smul.u32 @!p0 $0xF7A, s2;
	p2 =	seq.s32 @!p0 s5, $0x0  }
0x1f: {  	s9 =	smul.u32 $0xF7A, s1;
	s8 =	simm.s32 @!p0 $0x1BF5;
	p2 =	por !p2, p0  }
0x20: {  	[sflag:s8] =	ssyncset.s32 @!p0 $0xFFFFF086;
	s6 =	sadd.s32 @!p0 s3, s7;
	s7 =	simm.s32 @!p0 $0x108  }
0x21: {  	s3 =	sadd.s32 s3, s9;
	s6 =	sadd.s32 @!p0 $0x88, s6;
	s7 =	simm.s32 @p2 $0x1082  }
0x22: {  	[simem:s7], [sflag:s8] =	dma.local @!p0 [hbm:s6], $0xF7A  }
0x23: {  	s9 =	sor.u32 $0xD0000000, s2;
	s6 =	simm.s32 $0x108;
	_ =	swait.ge @!p0 [sflag:s8], $0x0  }
0x24: {  	s3 =	sadd.s32 $0x88, s3;
	s6 =	simm.s32 @!p1 $0x1082;
	[sflag:s4] =	ssyncset.s32 $0xFFFFF086  }
0x25: {  	[simem:s6], [sflag:s4] =	dma.local [hbm:s3], $0xF7A  }
0x26: {  	[smem:$0x3F93] =	sst s1;
	(tag) =	ssettag s2;
	_ =	strace s9  }
0x27: {  	s1 =	sld [smem:$0x3FA3]  }
0x28: {  	s2 =	sld [smem:$0x3FA4]  }
0x29: {  	s4 =	sld [smem:$0x3FA6]  }
0x2a: {  	p0 =	seq.s32 s5, $0x0;
	s5 =	sld [smem:$0x3FA7]  }
0x2b: {  	s6 =	sld [smem:$0x3FA8]  }
0x2c: {  	s7 =	sld [smem:$0x3FA9]  }
0x2d: {  	s3 =	simm.s32 $0x108;
	s8 =	sld [smem:$0x3FAA]  }
0x2e: {  	s3 =	simm.s32 @!p0 $0x1082;
	s9 =	sld [smem:$0x3FAB]  }
0x2f: {  	lr =	sadd.s32 s0, s3;
	s0 =	sld [smem:$0x3FA2]  }
0x30: {  	s3 =	sld [smem:$0x3FA5]  }
0x31: {  	[smem:$0x3FAE] =	sst s10  }
0x32: {  	s10 =	sld [smem:$0x3FAC];
	_ =	sdelay $0x3  }
0x33: {  	p0 =	seq.s32 s10, $0x1;
	s10 =	sld [smem:$0x3FAE];
	_ =	sdelay $0x3  }
0x34: {  	[smem:$0x3FAE] =	sst s10  }
0x35: {  	s10 =	sld [smem:$0x3FAD];
	_ =	sdelay $0x3  }
0x36: {  	p1 =	seq.s32 s10, $0x1;
	s10 =	sld [smem:$0x3FAE];
	_ =	sdelay $0x3  }
0x37: {  	[smem:$0x3FAE] =	sst s10  }
0x38: {  	s10 =	sld [smem:$0x3FAF]  }
0x39: {  	_ = 	snop;
	(pc) =	sbr.ind lr, $3  }
0x3a: {  	_ = 	snop  }
0x3b: {  	_ = 	snop  }
0x3c: {  	p2 =	seq.s32 s10, $0x1;
	s10 =	sld [smem:$0x3FAE]  }
0x3d: {  	_ =	shalt  }
0x3e: {  	_ =	shalt  }
0x3f: {  	_ =	shalt  }
0x40: {  	_ =	shalt  }
0x41: {  	_ =	shalt  }
0x42: {  	_ =	shalt  }
0x43: {  	_ =	shalt  }
0x44: {  	_ =	shalt  }
0x45: {  	_ =	shalt  }
0x46: {  	_ =	shalt  }
0x47: {  	_ =	shalt  }
0x48: {  	_ =	shalt  }
0x49: {  	_ =	shalt  }
0x4a: {  	_ =	shalt  }
0x4b: {  	_ =	shalt  }
0x4c: {  	_ =	shalt  }
0x4d: {  	_ =	shalt  }
0x4e: {  	_ =	shalt  }
0x4f: {  	_ =	shalt  }
0x50: {  	_ =	shalt  }
0x51: {  	_ =	shalt  }
0x52: {  	_ =	shalt  }
0x53: {  	_ =	shalt  }
0x54: {  	_ =	shalt  }
0x55: {  	_ =	shalt  }
0x56: {  	_ =	shalt  }
0x57: {  	_ =	shalt  }
0x58: {  	_ =	shalt  }
0x59: {  	_ =	shalt  }
0x5a: {  	_ =	shalt  }
0x5b: {  	_ =	shalt  }
0x5c: {  	_ =	shalt  }
0x5d: {  	_ =	shalt  }
0x5e: {  	_ =	shalt  }
0x5f: {  	_ =	shalt  }
0x60: {  	_ =	shalt  }
0x61: {  	_ =	shalt  }
0x62: {  	_ =	shalt  }
0x63: {  	_ =	shalt  }
0x64: {  	_ =	shalt  }
0x65: {  	_ =	shalt  }
0x66: {  	_ =	shalt  }
0x67: {  	_ =	shalt  }
0x68: {  	_ =	shalt  }
0x69: {  	_ =	shalt  }
0x6a: {  	_ =	shalt  }
0x6b: {  	_ =	shalt  }
0x6c: {  	_ =	shalt  }
0x6d: {  	_ =	shalt  }
0x6e: {  	_ =	shalt  }
0x6f: {  	_ =	shalt  }
0x70: {  	_ =	shalt  }
0x71: {  	_ =	shalt  }
0x72: {  	_ =	shalt  }
0x73: {  	_ =	shalt  }
0x74: {  	_ =	shalt  }
0x75: {  	_ =	shalt  }
0x76: {  	_ =	shalt  }
0x77: {  	_ =	shalt  }
0x78: {  	_ =	shalt  }
0x79: {  	_ =	shalt  }
0x7a: {  	_ =	shalt  }
0x7b: {  	_ =	shalt  }
0x7c: {  	_ =	shalt  }
0x7d: {  	_ =	shalt  }
0x7e: {  	_ =	shalt  }
0x7f: {  	_ =	shalt  }
0x80: {  	_ =	shalt  }
0x81: {  	_ =	shalt  }
0x82: {  	_ =	shalt  }
0x83: {  	_ =	shalt  }
0x84: {  	_ =	shalt  }
0x85: {  	_ =	shalt  }
0x86: {  	_ =	shalt  }
0x87: {  	_ =	shalt  }
.Lfunc_end0:
.L_simem_size_0:
called_computation.2_lowered:
.L_overlay_start_0:
0x88: {  	s2 =	sld [smem:$0x3FD9]  }
0x89: {  	s3 =	sld [smem:$0x3FFE];
	_ =	sdelay $0x1  }
0x8a: {  	s1 =	srdreg.scid  }
0x8b: {  	s0 =	sand.u32 $0x1, s1  }
0x8c: {  	s16 =	sshll.u32 s0, $0xA;
	s2 =	sadd.s32 s3, s2  }
0x8d: {  	s2 =	sadd.s32 s2, s16  }
0x8e: {  	[smem:$0x3FBA] =	sst s2  }
0x8f: {  	_ = 	snop  }
0x90: {  	(tm) =	ssettm $0x1  }
0x91: {  	s17 =	sld [smem:$0x3FFB];
	_ =	sdelay $0x3  }
0x92: {  	_ =	strace s17  }
0x93: {  	s2 =	sld [smem:$0x3FFC];
	_ =	sdelay $0x3  }
0x94: {  	_ =	strace s2  }
0x95: {  	s2 =	sld [smem:$0x3FFD];
	_ =	sdelay $0x3  }
0x96: {  	_ =	strace s2  }
0x97: {  	_ =	strace $0x8FFFFFFF  }
0x98: {  	s18 =	sld [smem:$0x3FDB];
	_ =	sdelay $0x1  }
0x99: {  	s19 =	simm.s32 $_scs_section_size  }
0x9a: {  	s4 =	simm.s32 $_size__tile_overlayer_lowered;
	s5 =	simm.s32 $_tile_overlayer_lowered  }
0x9b: {  	s22 =	simm.s32 $0x1BFF;
	s21 =	sshll.u32 s5, $0x1;
	s2 =	sadd.s32 s19, s18  }
0x9c: {  	s6 =	simm.s32 $0x0;
	s20 =	sshll.u32 s4, $0x1;
	s4 =	sadd.s32 s21, s2  }
0x9d: {  	[timem:s6], [sflag:s22] =	dma.local [hbm:s4], s20  }
0x9e: {  	_ =	swait.ge [sflag:s22], s20  }
0x9f: {  	s3 =	ssub.s32 $0x0, s20;
	[sflag:s22] =	ssyncset.done $0x0  }
0xa0: {  	[sflag:s22] =	ssyncadd.s32 s3;
	_ =	sdelay $0x1  }
0xa1: {  	s23 =	simm.s32 $0x1B8B  }
0xa2: {  	_ =	swait.ge [sflag:s23], $0x1  }
0xa3: {  	[sflag:s23] =	ssyncset.done $0x0  }
0xa4: {  	s25 =	simm.s32 $0x1B8E;
	s24 =	sld [smem:$0x3FFE];
	[sflag:s23] =	ssyncadd.s32 $0xFFFFFFFF  }
0xa5: {  	s26 =	simm.s32 $execute0_lowered;
	[smem:$0x3FD2] =	sst s25  }
0xa6: {  	s4 =	sshll.u32 s26, $0x1;
	_ =	strace $0x8000004C;
	[dreg:$0x1] =	wrdreg $0xFFFFFFFF  }
0xa7: {  	s28 =	simm.s32 $_size_execute0_lowered;
	s2 =	sadd.s32 s2, s4;
	[dreg:$0x0] =	wrdreg $0x0  }
0xa8: {  	s4 =	sshll.u32 s28, $0x1;
	[dreg:$0x2] =	wrdreg s2  }
0xa9: {  	[dreg:$0x3] =	wrdreg s4  }
0xaa: {  	[dreg:$0x4] =	wrdreg $0xC0  }
0xab: {  	_ =	task [dreg:s6], $0x5FFFF  }
0xac: {  	[dreg:$0x1] =	wrdreg $0xFFFFFFFF  }
0xad: {  	[dreg:$0x0] =	wrdreg $0x60  }
0xae: {  	[dreg:$0x2] =	wrdreg s24  }
0xaf: {  	[dreg:$0x3] =	wrdreg $0xA6200  }
0xb0: {  	[dreg:$0x4] =	wrdreg $0x9  }
0xb1: {  	_ =	task.clear_ibuf [dreg:s6], $0x5FFFF;
	_ =	strace $0x9000004C  }
0xb2: {  	s29 =	simm.s32 $0x9;
	_ =	strace $0x8000004E  }
0xb3: {  	_ =	swait.ge [sflag:s29], $0x1  }
0xb4: {  	[sflag:s29] =	ssyncadd.s32 $0xFFFFFFFF  }
0xb5: {  	_ =	strace $0x9000004E  }
0xb6: {  	_ =	sfence  }
0xb7: {  	s30 =	sld [smem:$0x0];
	_ =	sdelay $0x2  }
0xb8: {  	s31 =	sshll.u32 s1, $0xD;
	s1 =	sshrl.u32 s1, $0x2  }
0xb9: {  	s3 =	sand.u32 $0x4000, s31;
	s1 =	sadd.s32 s1, s30  }
0xba: {  	s0 =	sor.u32 s3, s0;
	s1 =	sshll.u32 s1, $0x11  }
0xbb: {  	s0 =	sor.u32 s1, s0  }
0xbc: {  	s0 =	sadd.s32 $0x8F2B, s0  }
0xbd: {  	[sflag:s0] =	ssyncadd.remote.s32 $0x1  }
0xbe: {  	_ =	sfence.sel $0xFFFF  }
0xbf: {  	[dreg:$0x0] =	wrdreg $0xFFFFFFFF;
	(pc) =	sbr.abs _section_cstart, $3  }
0xc0: {  	[dreg:$0x1] =	wrdreg $0xFFFFFFFF  }
0xc1: {  	_ =	task.clear_ibuf [dreg:s6], $0x2FFFF;
	_ =	strace $0x9FFFFFFF  }
0xc2: {  	(tm) =	ssettm $0x7FFFFFFF  }
0xc3: {  	_ =	shalt  }
tec
execute0_lowered:
.L_overlay_start_1:
0x0: {  	(tag) =	ssettag $0x1  }
0x1: {  	s0 =	srdreg.scid;
	s4 =	rddreg [dreg:$0x0]  }
0x2: {  	s12 =	stileid.u32;
	s1 =	rddreg [dreg:$0x1]  }
0x3: {  	s2 =	simm.s32 $0x0;
	s15 =	simm.s32 $0x50;
	s16 =	simm.s32 $0x4E20  }
0x4: {  	s17 =	simm.s32 $0x1;
	s18 =	simm.s32 $0x0;
	s7 =	smul.u32 $0x4E00, s12  }
0x5: {  	s5 =	sand.u32 $0x1, s0;
	[smem:$0x7FF] =	sst s2;
	s10 =	smul.u32 $0x9C0, s12  }
0x6: {  	s11 =	sadd.s32 $0x7A600, s4;
	p0 =	sne.s32 s12, $0x0;
	s13 =	smul.u32 $0x4E200, s5  }
0x7: {  	s0 =	sshll.u32 s5, $0x4;
	s9 =	ssub.s32 $0x2, s5;
	s30 =	smul.u32 $0x9C40, s5  }
0x8: {  	s3 =	sor.u32 s12, s0;
	s0 =	rddreg [dreg:$0x2];
	_ =	strace $0x8000004D  }
0x9: {  	s28 =	sshrl.u32 s7, $0x3;
	s29 =	sshrl.u32 s9, $0x1;
	s5 =	sadd.s32 s7, s1  }
0xa: {  	s12 =	simm.s32 $0x5820;
	s6 =	smul.u32 $0x4E2, s3;
	s3 =	sadd.s32 $0x18000, s4  }
0xb: {  	s14 =	ssub.s32 s9, s29;
	s13 =	sshrl.u32 s13, $0x3;
	s9 =	sadd.s32 s10, s30  }
0xc: {  	s31 =	sadd.s32 s11, s13;
	s9 =	sadd.s32 s11, s9;
	s11 =	smax.u32 s14, $0x1  }
0xd: {  	s13 =	simm.s32 $0x2;
	s8 =	sadd.s32 s6, s4;
	s6 =	sadd.s32 s28, s4  }
0xe: {  	s14 =	simm.s32 $0x2710;
	s10 =	sadd.s32 $0x9C00, s31;
	s4 =	sadd.s32 $0x21E00, s6  }
0xf: {  	s6 =	sadd.s32 $0x4E000, s1;
	s7 =	sadd.s32 $0xE200, s8;
	s8 =	sadd.s32 $0x4400, s8  }
.LBB2_1:
0x10: {  	[tilespmem:s12], [sflag:$0x2] =	stream.linear.gather [hbm4b:s4+s2], $0x4E00, $0x38;
	[tilespmem:$0xF440] =	vst v63  }
0x11: {  	_ =	swait.ge [sflag:s13], $0x4E00  }
0x12: {  	[sflag:s13] =	ssyncset.done $0x0  }
0x13: {  	[sflag:s13] =	ssyncadd.s32 $0xFFFFB200  }
0x14: {  	[spmem:s5] =	stream.linear.scatter [tilespmem:s12], [sflag:$0x2], $0x4E00, $0x38;
	[tilespmem:$0xF440] =	vst v63  }
0x15: {  	_ =	swait.ge [sflag:s13], $0x4E00  }
0x16: {  	[sflag:s13] =	ssyncset.done $0x0  }
0x17: {  	s19 =	simm.s32 @!p0 $0x5820;
	[sflag:s13] =	ssyncadd.s32 $0xFFFFB200  }
0x18: {  	[spmem:s6] =	stream.linear.scatter @!p0 [tilespmem:s19], [sflag:$0x2], $0x200, $0x38;
	[tilespmem:$0xF440] =	vst v63  }
0x19: {  	s19 =	simm.s32 @!p0 $0x2  }
0x1a: {  	_ =	swait.ge @!p0 [sflag:s19], $0x200  }
0x1b: {  	[sflag:s19] =	ssyncset.done @!p0 $0x0  }
0x1c: {  	[sflag:s19] =	ssyncadd.s32 @!p0 $0xFFFFFE00  }
0x1d: {  	[tilespmem:s2], [sflag:$0x2] =	stream.linear.gather [hbm4b:s7+s2], $0x2710, $0x38;
	[tilespmem:$0xF440] =	vst v63  }
0x1e: {  	_ =	swait.ge [sflag:s13], $0x2710  }
0x1f: {  	[sflag:s13] =	ssyncset.done $0x0  }
0x20: {  	[sflag:s13] =	ssyncadd.s32 $0xFFFFD8F0  }
0x21: {  	[tilespmem:s14], [sflag:$0x2] =	stream.linear.gather [hbm4b:s8+s2], $0x2710, $0x38;
	[tilespmem:$0xF440] =	vst v63  }
0x22: {  	_ =	swait.ge [sflag:s13], $0x2710  }
0x23: {  	[sflag:s13] =	ssyncset.done $0x0  }
0x24: {  	[sflag:s13] =	ssyncadd.s32 $0xFFFFD8F0  }
0x25: {  	s30 =	simm.s32 $0x0;
	[bflag:$0x0] =	sbarrier.arrive $0xFFFF  }
0x26: {  	[tilespmem:s16], [sflag:$0x1] =	stream.indirect.gather [hbm4b:s3+s15], $0x20, s30, s15, $0xb8;
	[tilespmem:$0xF440] =	vst v63  }
0x27: {  	_ =	swait.ge [sflag:s17], $0xA00  }
0x28: {  	[sflag:s17] =	ssyncset.done $0x0  }
0x29: {  	s31 =	simm.s32 $0x2710;
	[sflag:s17] =	ssyncadd.s32 $0xFFFFF600  }
0x2a: {  	[spmem:s1] =	stream.indirect.scatter.add.f32 [tilespmem:s16], [sflag:$0x2], $0x20, s31, s15, $0xb8;
	[tilespmem:$0xF440] =	vst v63  }
0x2b: {  	_ =	swait.ge [sflag:s13], $0xA00  }
0x2c: {  	s20 =	simm.s32 $0x280;
	s19 =	simm.s32 $0x140;
	[sflag:s13] =	ssyncset.done $0x0  }
.LBB2_2:
0x2d: {  	s21 =	sshra.s32 s19, $0x2  }
0x2e: {  	[sflag:s13] =	ssyncadd.s32 $0xFFFFF600;
	s19 =	smov.u32 s20;
	s22 =	sadd.s32 $0x140, s20  }
0x2f: {  	[tilespmem:s16], [sflag:$0x1] =	stream.indirect.gather [hbm4b:s3+s15], $0x20, s21, s15, $0xb8;
	[tilespmem:$0xF440] =	vst v63  }
0x30: {  	p1 =	sne.s32 s20, $0x9B00;
	_ =	swait.ge [sflag:s17], $0xA00  }
.Ltmp0:
0x31: {  	[sflag:s17] =	ssyncset.done $0x0;
	(pc) =	sbr.rel @p1 .LBB2_2-.Ltmp0, $4  }
0x32: {  	s20 =	sadd.s32 $0x2710, s21;
	[sflag:s17] =	ssyncadd.s32 $0xFFFFF600  }
0x33: {  	[spmem:s1] =	stream.indirect.scatter.add.f32 [tilespmem:s16], [sflag:$0x2], $0x20, s20, s15, $0xb8;
	[tilespmem:$0xF440] =	vst v63  }
0x34: {  	_ =	swait.ge [sflag:s13], $0xA00  }
0x35: {  	s20 =	smov.u32 s22;
	[sflag:s13] =	ssyncset.done $0x0  }
0x36: {  	s19 =	sshra.s32 s19, $0x2;
	[sflag:s13] =	ssyncadd.s32 $0xFFFFF600  }
0x37: {  	[tilespmem:s16], [sflag:$0x1] =	stream.indirect.gather [hbm4b:s3+s15], $0x20, s19, s15, $0xb8;
	[tilespmem:$0xF440] =	vst v63  }
0x38: {  	_ =	swait.ge [sflag:s17], $0xA00  }
0x39: {  	[sflag:s17] =	ssyncset.done $0x0  }
0x3a: {  	s19 =	sadd.s32 $0x2710, s19;
	[sflag:s17] =	ssyncadd.s32 $0xFFFFF600  }
0x3b: {  	[spmem:s1] =	stream.indirect.scatter.add.f32 [tilespmem:s16], [sflag:$0x2], $0x20, s19, s15, $0xb8;
	[tilespmem:$0xF440] =	vst v63  }
0x3c: {  	_ =	swait.ge [sflag:s13], $0xA00  }
0x3d: {  	[sflag:s13] =	ssyncset.done $0x0  }
0x3e: {  	[sflag:s13] =	ssyncadd.s32 $0xFFFFF600  }
0x3f: {  	[bflag:$0x0] =	sbarrier.arrive $0xFFFF  }
0x40: {  	[tilespmem:s12], [sflag:$0x2] =	stream.linear.gather [spmem:s5], $0x4E00, $0x38;
	[tilespmem:$0xF440] =	vst v63  }
0x41: {  	_ =	swait.ge [sflag:s13], $0x4E00  }
0x42: {  	[sflag:s13] =	ssyncset.done $0x0  }
0x43: {  	[sflag:s13] =	ssyncadd.s32 $0xFFFFB200  }
0x44: {  	[hbm4b:s9+s2] =	stream.linear.scatter [tilespmem:s12], [sflag:$0x2], $0x4E00, $0x38;
	[tilespmem:$0xF440] =	vst v63  }
0x45: {  	_ =	swait.ge [sflag:s13], $0x4E00  }
0x46: {  	[sflag:s13] =	ssyncset.done $0x0  }
0x47: {  	s20 =	simm.s32 @!p0 $0x2;
	s19 =	simm.s32 @!p0 $0x5820;
	[sflag:s13] =	ssyncadd.s32 $0xFFFFB200  }
0x48: {  	[tilespmem:s19], [sflag:$0x2] =	stream.linear.gather @!p0 [spmem:s6], $0x200, $0x38;
	[tilespmem:$0xF440] =	vst v63  }
0x49: {  	s18 =	sadd.s32 $0x1, s18;
	_ =	swait.ge @!p0 [sflag:s20], $0x200  }
0x4a: {  	p1 =	sne.s32 s18, s11;
	[sflag:s20] =	ssyncset.done @!p0 $0x0  }
.Ltmp1:
0x4b: {  	s21 =	simm.s32 @!p0 $0x0;
	[sflag:s20] =	ssyncadd.s32 @!p0 $0xFFFFFE00;
	(pc) =	sbr.rel @p1 .LBB2_1-.Ltmp1, $4  }
0x4c: {  	[hbm4b:s10+s21] =	stream.linear.scatter @!p0 [tilespmem:s19], [sflag:$0x2], $0x200, $0x38;
	[tilespmem:$0xF440] =	vst v63  }
0x4d: {  	_ =	swait.ge @!p0 [sflag:s20], $0x200  }
0x4e: {  	[sflag:s20] =	ssyncset.done @!p0 $0x0  }
0x4f: {  	[sflag:s20] =	ssyncadd.s32 @!p0 $0xFFFFFE00  }
0x50: {  	_ =	sfence.sel $0x180000  }
0x51: {  	[bflag:$0x0] =	sbarrier.arrive $0xFFFF  }
0x52: {  	_ =	strace $0x9000004D  }
0x53: {  	s0 =	sadd.s32 @!p0 $0x100000, s0;
	[bflag:$0x2] =	sbarrier.arrive $0xFFFF  }
0x54: {  	[sflag:s0] =	ssyncadd.tile.s32 @!p0 $0x1;
	_ =	shalt  }
.Lfunc_end2:
_tile_overlayer_lowered:
.L_overlay_start_2:
0x55: {  	(tag) =	ssettag $0x2  }
0x56: {  	s0 =	rddreg [dreg:$0x0];
	s2 =	stileid.u32  }
0x57: {  	s1 =	rddreg [dreg:$0x1];
	p0 =	sne.s32 s2, $0x0  }
0x58: {  	s3 =	rddreg [dreg:$0x2];
	[bflag:$0x3] =	sbarrier.arrive $0xFFFF;
	s2 =	simm.s32 @!p0 $0x1C02  }
0x59: {  	[timem:s3], [sflag:s2] =	dma.local @!p0 [hbm:s0], s1  }
0x5a: {  	s0 =	simm.s32 @!p0 $0x2  }
0x5b: {  	_ =	swait.ge @!p0 [sflag:s0], s1  }
0x5c: {  	s1 =	ssub.s32 @!p0 $0x0, s1;
	[sflag:s0] =	ssyncset.done @!p0 $0x0  }
0x5d: {  	[sflag:s0] =	ssyncadd.s32 @!p0 s1  }
0x5e: {  	[bflag:$0x3] =	sbarrier.arrive $0xFFFF  }
0x5f: {  	_ =	shalt  }

// kernel: kernel.21.cloned.1.call-start
scs
__scs_entry_jumppad:
0x0: {  	(pc) =	sbr.rel $0x88, $3  }
0x1: {  	(tag) =	ssettag $0x0;
	lr =	simm.s32 $0x1  }
0x2: {  	[smem:$0x3F93] =	sst lr;
	_ =	strace $0xD0000000  }
0x3: {  	_ = 	snop  }
0x4: {  	_ = 	snop  }
0x5: {  	_ = 	snop  }
0x6: {  	_ = 	snop  }
0x7: {  	_ = 	snop  }
__scs_overlays_trampoline_lowered:
0x8: {  	[smem:$0x3FA2] =	sst s0  }
0x9: {  	[smem:$0x3FA3] =	sst s1  }
0xa: {  	[smem:$0x3FA4] =	sst s2  }
0xb: {  	[smem:$0x3FA5] =	sst s3  }
0xc: {  	[smem:$0x3FA6] =	sst s4  }
0xd: {  	[smem:$0x3FA7] =	sst s5  }
0xe: {  	[smem:$0x3FA8] =	sst s6  }
0xf: {  	[smem:$0x3FA9] =	sst s7  }
0x10: {  	[smem:$0x3FAA] =	sst s8  }
0x11: {  	[smem:$0x3FAB] =	sst s9;
	s0 =	simm.s32 @!p0 $0x0  }
0x12: {  	s1 =	sld [smem:$0x3F91];
	s0 =	simm.s32 @p0 $0x1  }
0x13: {  	[smem:$0x3FAC] =	sst s0;
	s0 =	simm.s32 @!p1 $0x0  }
0x14: {  	s2 =	sld [smem:$0x3F90];
	s0 =	simm.s32 @p1 $0x1  }
0x15: {  	[smem:$0x3FAD] =	sst s0;
	s0 =	simm.s32 @!p2 $0x0  }
0x16: {  	s3 =	sld [smem:$0x3FDB];
	s0 =	simm.s32 @p2 $0x1  }
0x17: {  	s4 =	simm.s32 $0x1BF5;
	[smem:$0x3FAF] =	sst s0  }
0x18: {  	s0 =	sld [smem:$0x3F92];
	_ =	swait.ge [sflag:s4], $0x0  }
0x19: {  	s7 =	sld [smem:$0x3F93]  }
0x1a: {  	s8 =	sadd.s32 $0xFFFFE003, lr  }
0x1b: {  	s9 =	sadd.s32 $0xFFFFFEF7, lr;
	s5 =	simm.s32 $0xFFFFFFFF;
	p2 =	slt.u32 s8, $0xFFFFF086  }
0x1c: {  	p1 =	slt.u32 s9, $0xF7A;
	s5 =	simm.s32 @!p2 $0x0  }
0x1d: {  	s5 =	simm.s32 @p1 $0x1;
	p0 =	seq.s32 s7, s2  }
0x1e: {  	s7 =	smul.u32 @!p0 $0xF7A, s2;
	p2 =	seq.s32 @!p0 s5, $0x0  }
0x1f: {  	s9 =	smul.u32 $0xF7A, s1;
	s8 =	simm.s32 @!p0 $0x1BF5;
	p2 =	por !p2, p0  }
0x20: {  	[sflag:s8] =	ssyncset.s32 @!p0 $0xFFFFF086;
	s6 =	sadd.s32 @!p0 s3, s7;
	s7 =	simm.s32 @!p0 $0x108  }
0x21: {  	s3 =	sadd.s32 s3, s9;
	s6 =	sadd.s32 @!p0 $0x88, s6;
	s7 =	simm.s32 @p2 $0x1082  }
0x22: {  	[simem:s7], [sflag:s8] =	dma.local @!p0 [hbm:s6], $0xF7A  }
0x23: {  	s9 =	sor.u32 $0xD0000000, s2;
	s6 =	simm.s32 $0x108;
	_ =	swait.ge @!p0 [sflag:s8], $0x0  }
0x24: {  	s3 =	sadd.s32 $0x88, s3;
	s6 =	simm.s32 @!p1 $0x1082;
	[sflag:s4] =	ssyncset.s32 $0xFFFFF086  }
0x25: {  	[simem:s6], [sflag:s4] =	dma.local [hbm:s3], $0xF7A  }
0x26: {  	[smem:$0x3F93] =	sst s1;
	(tag) =	ssettag s2;
	_ =	strace s9  }
0x27: {  	s1 =	sld [smem:$0x3FA3]  }
0x28: {  	s2 =	sld [smem:$0x3FA4]  }
0x29: {  	s4 =	sld [smem:$0x3FA6]  }
0x2a: {  	p0 =	seq.s32 s5, $0x0;
	s5 =	sld [smem:$0x3FA7]  }
0x2b: {  	s6 =	sld [smem:$0x3FA8]  }
0x2c: {  	s7 =	sld [smem:$0x3FA9]  }
0x2d: {  	s3 =	simm.s32 $0x108;
	s8 =	sld [smem:$0x3FAA]  }
0x2e: {  	s3 =	simm.s32 @!p0 $0x1082;
	s9 =	sld [smem:$0x3FAB]  }
0x2f: {  	lr =	sadd.s32 s0, s3;
	s0 =	sld [smem:$0x3FA2]  }
0x30: {  	s3 =	sld [smem:$0x3FA5]  }
0x31: {  	[smem:$0x3FAE] =	sst s10  }
0x32: {  	s10 =	sld [smem:$0x3FAC];
	_ =	sdelay $0x3  }
0x33: {  	p0 =	seq.s32 s10, $0x1;
	s10 =	sld [smem:$0x3FAE];
	_ =	sdelay $0x3  }
0x34: {  	[smem:$0x3FAE] =	sst s10  }
0x35: {  	s10 =	sld [smem:$0x3FAD];
	_ =	sdelay $0x3  }
0x36: {  	p1 =	seq.s32 s10, $0x1;
	s10 =	sld [smem:$0x3FAE];
	_ =	sdelay $0x3  }
0x37: {  	[smem:$0x3FAE] =	sst s10  }
0x38: {  	s10 =	sld [smem:$0x3FAF]  }
0x39: {  	_ = 	snop;
	(pc) =	sbr.ind lr, $3  }
0x3a: {  	_ = 	snop  }
0x3b: {  	_ = 	snop  }
0x3c: {  	p2 =	seq.s32 s10, $0x1;
	s10 =	sld [smem:$0x3FAE]  }
0x3d: {  	_ =	shalt  }
0x3e: {  	_ =	shalt  }
0x3f: {  	_ =	shalt  }
0x40: {  	_ =	shalt  }
0x41: {  	_ =	shalt  }
0x42: {  	_ =	shalt  }
0x43: {  	_ =	shalt  }
0x44: {  	_ =	shalt  }
0x45: {  	_ =	shalt  }
0x46: {  	_ =	shalt  }
0x47: {  	_ =	shalt  }
0x48: {  	_ =	shalt  }
0x49: {  	_ =	shalt  }
0x4a: {  	_ =	shalt  }
0x4b: {  	_ =	shalt  }
0x4c: {  	_ =	shalt  }
0x4d: {  	_ =	shalt  }
0x4e: {  	_ =	shalt  }
0x4f: {  	_ =	shalt  }
0x50: {  	_ =	shalt  }
0x51: {  	_ =	shalt  }
0x52: {  	_ =	shalt  }
0x53: {  	_ =	shalt  }
0x54: {  	_ =	shalt  }
0x55: {  	_ =	shalt  }
0x56: {  	_ =	shalt  }
0x57: {  	_ =	shalt  }
0x58: {  	_ =	shalt  }
0x59: {  	_ =	shalt  }
0x5a: {  	_ =	shalt  }
0x5b: {  	_ =	shalt  }
0x5c: {  	_ =	shalt  }
0x5d: {  	_ =	shalt  }
0x5e: {  	_ =	shalt  }
0x5f: {  	_ =	shalt  }
0x60: {  	_ =	shalt  }
0x61: {  	_ =	shalt  }
0x62: {  	_ =	shalt  }
0x63: {  	_ =	shalt  }
0x64: {  	_ =	shalt  }
0x65: {  	_ =	shalt  }
0x66: {  	_ =	shalt  }
0x67: {  	_ =	shalt  }
0x68: {  	_ =	shalt  }
0x69: {  	_ =	shalt  }
0x6a: {  	_ =	shalt  }
0x6b: {  	_ =	shalt  }
0x6c: {  	_ =	shalt  }
0x6d: {  	_ =	shalt  }
0x6e: {  	_ =	shalt  }
0x6f: {  	_ =	shalt  }
0x70: {  	_ =	shalt  }
0x71: {  	_ =	shalt  }
0x72: {  	_ =	shalt  }
0x73: {  	_ =	shalt  }
0x74: {  	_ =	shalt  }
0x75: {  	_ =	shalt  }
0x76: {  	_ =	shalt  }
0x77: {  	_ =	shalt  }
0x78: {  	_ =	shalt  }
0x79: {  	_ =	shalt  }
0x7a: {  	_ =	shalt  }
0x7b: {  	_ =	shalt  }
0x7c: {  	_ =	shalt  }
0x7d: {  	_ =	shalt  }
0x7e: {  	_ =	shalt  }
0x7f: {  	_ =	shalt  }
0x80: {  	_ =	shalt  }
0x81: {  	_ =	shalt  }
0x82: {  	_ =	shalt  }
0x83: {  	_ =	shalt  }
0x84: {  	_ =	shalt  }
0x85: {  	_ =	shalt  }
0x86: {  	_ =	shalt  }
0x87: {  	_ =	shalt  }
.Lfunc_end0:
.L_simem_size_0:
called_computation.3_lowered:
.L_overlay_start_0:
0x88: {  	s2 =	sld [smem:$0x3FD9]  }
0x89: {  	s3 =	sld [smem:$0x3FFE];
	_ =	sdelay $0x1  }
0x8a: {  	s1 =	srdreg.scid  }
0x8b: {  	s0 =	sand.u32 $0x1, s1  }
0x8c: {  	s16 =	sshll.u32 s0, $0xA;
	s2 =	sadd.s32 s3, s2  }
0x8d: {  	s2 =	sadd.s32 s2, s16  }
0x8e: {  	[smem:$0x3FBA] =	sst s2  }
0x8f: {  	_ = 	snop  }
0x90: {  	(tm) =	ssettm $0x1  }
0x91: {  	s17 =	sld [smem:$0x3FFB];
	_ =	sdelay $0x3  }
0x92: {  	_ =	strace s17  }
0x93: {  	s2 =	sld [smem:$0x3FFC];
	_ =	sdelay $0x3  }
0x94: {  	_ =	strace s2  }
0x95: {  	s2 =	sld [smem:$0x3FFD];
	_ =	sdelay $0x3  }
0x96: {  	_ =	strace s2  }
0x97: {  	_ =	strace $0x8FFFFFFF  }
0x98: {  	s18 =	sld [smem:$0x3FDB];
	_ =	sdelay $0x1  }
0x99: {  	s19 =	simm.s32 $_scs_section_size  }
0x9a: {  	s4 =	simm.s32 $_size__tile_overlayer_lowered;
	s5 =	simm.s32 $_tile_overlayer_lowered  }
0x9b: {  	s22 =	simm.s32 $0x1BFF;
	s21 =	sshll.u32 s5, $0x1;
	s2 =	sadd.s32 s19, s18  }
0x9c: {  	s6 =	simm.s32 $0x0;
	s20 =	sshll.u32 s4, $0x1;
	s4 =	sadd.s32 s21, s2  }
0x9d: {  	[timem:s6], [sflag:s22] =	dma.local [hbm:s4], s20  }
0x9e: {  	_ =	swait.ge [sflag:s22], s20  }
0x9f: {  	s3 =	ssub.s32 $0x0, s20;
	[sflag:s22] =	ssyncset.done $0x0  }
0xa0: {  	[sflag:s22] =	ssyncadd.s32 s3;
	_ =	sdelay $0x1  }
0xa1: {  	s23 =	simm.s32 $0x1B8B  }
0xa2: {  	_ =	swait.ge [sflag:s23], $0x1  }
0xa3: {  	[sflag:s23] =	ssyncset.done $0x0  }
0xa4: {  	s25 =	simm.s32 $0x1B8E;
	s24 =	sld [smem:$0x3FFE];
	[sflag:s23] =	ssyncadd.s32 $0xFFFFFFFF  }
0xa5: {  	s26 =	simm.s32 $execute0_lowered;
	[smem:$0x3FD2] =	sst s25  }
0xa6: {  	s4 =	sshll.u32 s26, $0x1;
	_ =	strace $0x8000004F;
	[dreg:$0x1] =	wrdreg $0xFFFFFFFF  }
0xa7: {  	s28 =	simm.s32 $_size_execute0_lowered;
	s2 =	sadd.s32 s2, s4;
	[dreg:$0x0] =	wrdreg $0x0  }
0xa8: {  	s4 =	sshll.u32 s28, $0x1;
	[dreg:$0x2] =	wrdreg s2  }
0xa9: {  	[dreg:$0x3] =	wrdreg s4  }
0xaa: {  	[dreg:$0x4] =	wrdreg $0xC0  }
0xab: {  	_ =	task [dreg:s6], $0x5FFFF  }
0xac: {  	[dreg:$0x1] =	wrdreg $0xFFFFFFFF  }
0xad: {  	[dreg:$0x0] =	wrdreg $0x60  }
0xae: {  	[dreg:$0x2] =	wrdreg s24  }
0xaf: {  	[dreg:$0x3] =	wrdreg $0x50E00  }
0xb0: {  	[dreg:$0x4] =	wrdreg $0x9  }
0xb1: {  	_ =	task.clear_ibuf [dreg:s6], $0x5FFFF;
	_ =	strace $0x9000004F  }
0xb2: {  	s29 =	simm.s32 $0x9;
	_ =	strace $0x80000051  }
0xb3: {  	_ =	swait.ge [sflag:s29], $0x1  }
0xb4: {  	[sflag:s29] =	ssyncadd.s32 $0xFFFFFFFF  }
0xb5: {  	_ =	strace $0x90000051  }
0xb6: {  	_ =	sfence  }
0xb7: {  	s30 =	sld [smem:$0x0];
	_ =	sdelay $0x2  }
0xb8: {  	s31 =	sshll.u32 s1, $0xD;
	s1 =	sshrl.u32 s1, $0x2  }
0xb9: {  	s3 =	sand.u32 $0x4000, s31;
	s1 =	sadd.s32 s1, s30  }
0xba: {  	s0 =	sor.u32 s3, s0;
	s1 =	sshll.u32 s1, $0x11  }
0xbb: {  	s0 =	sor.u32 s1, s0  }
0xbc: {  	s0 =	sadd.s32 $0x8F2B, s0  }
0xbd: {  	[sflag:s0] =	ssyncadd.remote.s32 $0x1  }
0xbe: {  	_ =	sfence.sel $0xFFFF  }
0xbf: {  	[dreg:$0x0] =	wrdreg $0xFFFFFFFF;
	(pc) =	sbr.abs _section_cstart, $3  }
0xc0: {  	[dreg:$0x1] =	wrdreg $0xFFFFFFFF  }
0xc1: {  	_ =	task.clear_ibuf [dreg:s6], $0x2FFFF;
	_ =	strace $0x9FFFFFFF  }
0xc2: {  	(tm) =	ssettm $0x7FFFFFFF  }
0xc3: {  	_ =	shalt  }
tec
execute0_lowered:
.L_overlay_start_1:
0x0: {  	(tag) =	ssettag $0x1  }
0x1: {  	s4 =	rddreg [dreg:$0x0]  }
0x2: {  	s0 =	srdreg.scid;
	s1 =	rddreg [dreg:$0x1]  }
0x3: {  	s12 =	stileid.u32;
	s2 =	simm.s32 $0x0;
	s15 =	simm.s32 $0x50  }
0x4: {  	s16 =	simm.s32 $0x4E20;
	s17 =	simm.s32 $0x1;
	s18 =	simm.s32 $0x0  }
0x5: {  	s5 =	sand.u32 $0x1, s0;
	s0 =	rddreg [dreg:$0x2];
	s7 =	smul.u32 $0x270, s12  }
0x6: {  	[smem:$0x7FF] =	sst s2;
	s10 =	sadd.s32 $0x18600, s4;
	p0 =	sne.s32 s12, $0x0  }
0x7: {  	s3 =	sshll.u32 s5, $0x4;
	_ =	strace $0x80000050;
	s29 =	ssub.s32 $0x2, s5  }
0x8: {  	s11 =	smul.u32 $0x2710, s5;
	s3 =	sor.u32 s12, s3;
	s8 =	sshrl.u32 s7, $0x3  }
0x9: {  	s30 =	sshrl.u32 s29, $0x1;
	s5 =	sadd.s32 s7, s1;
	s12 =	simm.s32 $0x4E70  }
0xa: {  	s6 =	smul.u32 $0x4E2, s3;
	s3 =	sadd.s32 $0x18000, s4;
	s28 =	sadd.s32 s8, s4  }
0xb: {  	s13 =	ssub.s32 s29, s30;
	s31 =	sadd.s32 s7, s11;
	s11 =	sshrl.u32 s11, $0x3  }
0xc: {  	s14 =	sshrl.u32 s31, $0x3;
	s11 =	sadd.s32 s10, s11;
	s9 =	sadd.s32 s6, s4  }
0xd: {  	s4 =	sadd.s32 $0x2BC00, s28;
	s6 =	sadd.s32 $0x2700, s1;
	s7 =	sadd.s32 $0xE200, s9  }
0xe: {  	s8 =	sadd.s32 $0x4400, s9;
	s9 =	sadd.s32 s10, s14;
	s10 =	sadd.s32 $0x4E0, s11  }
0xf: {  	s11 =	smax.u32 s13, $0x1;
	s13 =	simm.s32 $0x2;
	s14 =	simm.s32 $0x2710  }
.LBB2_1:
0x10: {  	[tilespmem:s12], [sflag:$0x2] =	stream.linear.gather [hbm4b:s4+s2], $0x270, $0x38;
	[tilespmem:$0x5358] =	vst v63  }
0x11: {  	_ =	swait.ge [sflag:s13], $0x270  }
0x12: {  	[sflag:s13] =	ssyncset.done $0x0  }
0x13: {  	[sflag:s13] =	ssyncadd.s32 $0xFFFFFD90  }
0x14: {  	[spmem:s5] =	stream.linear.scatter [tilespmem:s12], [sflag:$0x2], $0x270, $0x38;
	[tilespmem:$0x5358] =	vst v63  }
0x15: {  	_ =	swait.ge [sflag:s13], $0x270  }
0x16: {  	[sflag:s13] =	ssyncset.done $0x0  }
0x17: {  	s19 =	simm.s32 @!p0 $0x4E70;
	[sflag:s13] =	ssyncadd.s32 $0xFFFFFD90  }
0x18: {  	[spmem:s6] =	stream.linear.scatter @!p0 [tilespmem:s19], [sflag:$0x2], $0x10, $0x38;
	[tilespmem:$0x5358] =	vst v63  }
0x19: {  	s19 =	simm.s32 @!p0 $0x2  }
0x1a: {  	_ =	swait.ge @!p0 [sflag:s19], $0x10  }
0x1b: {  	[sflag:s19] =	ssyncset.done @!p0 $0x0  }
0x1c: {  	[sflag:s19] =	ssyncadd.s32 @!p0 $0xFFFFFFF0  }
0x1d: {  	[tilespmem:s2], [sflag:$0x2] =	stream.linear.gather [hbm4b:s7+s2], $0x2710, $0x38;
	[tilespmem:$0x5358] =	vst v63  }
0x1e: {  	_ =	swait.ge [sflag:s13], $0x2710  }
0x1f: {  	[sflag:s13] =	ssyncset.done $0x0  }
0x20: {  	[sflag:s13] =	ssyncadd.s32 $0xFFFFD8F0  }
0x21: {  	[tilespmem:s14], [sflag:$0x2] =	stream.linear.gather [hbm4b:s8+s2], $0x2710, $0x38;
	[tilespmem:$0x5358] =	vst v63  }
0x22: {  	_ =	swait.ge [sflag:s13], $0x2710  }
0x23: {  	[sflag:s13] =	ssyncset.done $0x0  }
0x24: {  	[sflag:s13] =	ssyncadd.s32 $0xFFFFD8F0  }
0x25: {  	s30 =	simm.s32 $0x0;
	[bflag:$0x0] =	sbarrier.arrive $0xFFFF  }
0x26: {  	[tilespmem:s16], [sflag:$0x1] =	stream.indirect.gather [hbm4b:s3+s15], $0x1, s30, s15, $0xb8;
	[tilespmem:$0x5358] =	vst v63  }
0x27: {  	_ =	swait.ge [sflag:s17], $0x50  }
0x28: {  	[sflag:s17] =	ssyncset.done $0x0  }
0x29: {  	s31 =	simm.s32 $0x2710;
	[sflag:s17] =	ssyncadd.s32 $0xFFFFFFB0  }
0x2a: {  	[spmem:s1] =	stream.indirect.scatter.add.f32 [tilespmem:s16], [sflag:$0x2], $0x1, s31, s15, $0xb8;
	[tilespmem:$0x5358] =	vst v63  }
0x2b: {  	_ =	swait.ge [sflag:s13], $0x50  }
0x2c: {  	s20 =	simm.s32 $0x280;
	s19 =	simm.s32 $0x140;
	[sflag:s13] =	ssyncset.done $0x0  }
.LBB2_2:
0x2d: {  	s21 =	sshra.s32 s19, $0x2  }
0x2e: {  	[sflag:s13] =	ssyncadd.s32 $0xFFFFFFB0;
	s19 =	smov.u32 s20;
	s22 =	sadd.s32 $0x140, s20  }
0x2f: {  	[tilespmem:s16], [sflag:$0x1] =	stream.indirect.gather [hbm4b:s3+s15], $0x1, s21, s15, $0xb8;
	[tilespmem:$0x5358] =	vst v63  }
0x30: {  	p1 =	sne.s32 s20, $0x9B00;
	_ =	swait.ge [sflag:s17], $0x50  }
.Ltmp0:
0x31: {  	[sflag:s17] =	ssyncset.done $0x0;
	(pc) =	sbr.rel @p1 .LBB2_2-.Ltmp0, $4  }
0x32: {  	s20 =	sadd.s32 $0x2710, s21;
	[sflag:s17] =	ssyncadd.s32 $0xFFFFFFB0  }
0x33: {  	[spmem:s1] =	stream.indirect.scatter.add.f32 [tilespmem:s16], [sflag:$0x2], $0x1, s20, s15, $0xb8;
	[tilespmem:$0x5358] =	vst v63  }
0x34: {  	_ =	swait.ge [sflag:s13], $0x50  }
0x35: {  	s20 =	smov.u32 s22;
	[sflag:s13] =	ssyncset.done $0x0  }
0x36: {  	s19 =	sshra.s32 s19, $0x2;
	[sflag:s13] =	ssyncadd.s32 $0xFFFFFFB0  }
0x37: {  	[tilespmem:s16], [sflag:$0x1] =	stream.indirect.gather [hbm4b:s3+s15], $0x1, s19, s15, $0xb8;
	[tilespmem:$0x5358] =	vst v63  }
0x38: {  	_ =	swait.ge [sflag:s17], $0x50  }
0x39: {  	[sflag:s17] =	ssyncset.done $0x0  }
0x3a: {  	s19 =	sadd.s32 $0x2710, s19;
	[sflag:s17] =	ssyncadd.s32 $0xFFFFFFB0  }
0x3b: {  	[spmem:s1] =	stream.indirect.scatter.add.f32 [tilespmem:s16], [sflag:$0x2], $0x1, s19, s15, $0xb8;
	[tilespmem:$0x5358] =	vst v63  }
0x3c: {  	_ =	swait.ge [sflag:s13], $0x50  }
0x3d: {  	[sflag:s13] =	ssyncset.done $0x0  }
0x3e: {  	[sflag:s13] =	ssyncadd.s32 $0xFFFFFFB0  }
0x3f: {  	[bflag:$0x0] =	sbarrier.arrive $0xFFFF  }
0x40: {  	[tilespmem:s12], [sflag:$0x2] =	stream.linear.gather [spmem:s5], $0x270, $0x38;
	[tilespmem:$0x5358] =	vst v63  }
0x41: {  	_ =	swait.ge [sflag:s13], $0x270  }
0x42: {  	[sflag:s13] =	ssyncset.done $0x0  }
0x43: {  	[sflag:s13] =	ssyncadd.s32 $0xFFFFFD90  }
0x44: {  	[hbm4b:s9+s2] =	stream.linear.scatter [tilespmem:s12], [sflag:$0x2], $0x270, $0x38;
	[tilespmem:$0x5358] =	vst v63  }
0x45: {  	_ =	swait.ge [sflag:s13], $0x270  }
0x46: {  	[sflag:s13] =	ssyncset.done $0x0  }
0x47: {  	s20 =	simm.s32 @!p0 $0x2;
	s19 =	simm.s32 @!p0 $0x4E70;
	[sflag:s13] =	ssyncadd.s32 $0xFFFFFD90  }
0x48: {  	[tilespmem:s19], [sflag:$0x2] =	stream.linear.gather @!p0 [spmem:s6], $0x10, $0x38;
	[tilespmem:$0x5358] =	vst v63  }
0x49: {  	s18 =	sadd.s32 $0x1, s18;
	_ =	swait.ge @!p0 [sflag:s20], $0x10  }
0x4a: {  	p1 =	sne.s32 s18, s11;
	[sflag:s20] =	ssyncset.done @!p0 $0x0  }
.Ltmp1:
0x4b: {  	s21 =	simm.s32 @!p0 $0x0;
	[sflag:s20] =	ssyncadd.s32 @!p0 $0xFFFFFFF0;
	(pc) =	sbr.rel @p1 .LBB2_1-.Ltmp1, $4  }
0x4c: {  	[hbm4b:s10+s21] =	stream.linear.scatter @!p0 [tilespmem:s19], [sflag:$0x2], $0x10, $0x38;
	[tilespmem:$0x5358] =	vst v63  }
0x4d: {  	_ =	swait.ge @!p0 [sflag:s20], $0x10  }
0x4e: {  	[sflag:s20] =	ssyncset.done @!p0 $0x0  }
0x4f: {  	[sflag:s20] =	ssyncadd.s32 @!p0 $0xFFFFFFF0  }
0x50: {  	_ =	sfence.sel $0x180000  }
0x51: {  	[bflag:$0x0] =	sbarrier.arrive $0xFFFF  }
0x52: {  	_ =	strace $0x90000050  }
0x53: {  	s0 =	sadd.s32 @!p0 $0x100000, s0;
	[bflag:$0x2] =	sbarrier.arrive $0xFFFF  }
0x54: {  	[sflag:s0] =	ssyncadd.tile.s32 @!p0 $0x1;
	_ =	shalt  }
.Lfunc_end2:
_tile_overlayer_lowered:
.L_overlay_start_2:
0x55: {  	(tag) =	ssettag $0x2  }
0x56: {  	s0 =	rddreg [dreg:$0x0];
	s2 =	stileid.u32  }
0x57: {  	s1 =	rddreg [dreg:$0x1];
	p0 =	sne.s32 s2, $0x0  }
0x58: {  	s3 =	rddreg [dreg:$0x2];
	[bflag:$0x3] =	sbarrier.arrive $0xFFFF;
	s2 =	simm.s32 @!p0 $0x1C02  }
0x59: {  	[timem:s3], [sflag:s2] =	dma.local @!p0 [hbm:s0], s1  }
0x5a: {  	s0 =	simm.s32 @!p0 $0x2  }
0x5b: {  	_ =	swait.ge @!p0 [sflag:s0], s1  }
0x5c: {  	s1 =	ssub.s32 @!p0 $0x0, s1;
	[sflag:s0] =	ssyncset.done @!p0 $0x0  }
0x5d: {  	[sflag:s0] =	ssyncadd.s32 @!p0 s1  }
0x5e: {  	[bflag:$0x3] =	sbarrier.arrive $0xFFFF  }
0x5f: {  	_ =	shalt  }

</sc_bundles>
